<compile_context>
chip_gen: v7x
topology: tpu7x:2x2x1
jax: 0.10.2.dev20260603
libtpu: 0.0.44.dev20260713+nightly
codegen_flags: <defaults>
</compile_context>

<pallas_src>
import functools

import jax
import jax.numpy as jnp
from jax import lax
from jax.experimental import pallas as pl
from jax.experimental.pallas import tpu as pltpu
from jax.experimental.pallas import tpu_sc as plsc

N = 10000
E = 320000
D = 128

NC = 2
NS = 16
NW = NC * NS
CHUNK = 128
NCHT = E // CHUNK
NCH_BASE = NCHT // NW
NCH_REM = NCHT - NCH_BASE * NW

AP = 10240
RPT = AP // NS
WCHUNK = CHUNK
NWCHUNK = RPT // WCHUNK

CNT_LEN = 3 * AP
ZSH = CNT_LEN // NS

BLKN = 2048
YBLK = 2000


def _ybuild_body(x_ref, w0_ref, w1_ref, w2_ref, y_ref):
    x = x_ref[...]
    for t, wr in enumerate((w0_ref, w1_ref, w2_ref)):
        y_ref[t] = lax.dot_general(
            x, wr[...], (((1,), (1,)), ((), ())),
            preferred_element_type=jnp.float32)


def _edge_body(y_hbm, ei_hbm, ef_hbm, a_out, c_out,
               ei_v, ef_v, gidx_v, cidx_v, ones_v,
               rows_v, zcnt_v, a_sh, c_sh,
               semi, semg, sems):
    c = lax.axis_index("c")
    s = lax.axis_index("s")
    wid = c * NS + s
    nch = NCH_BASE + jnp.where(wid < NCH_REM, 1, 0)

    zf = jnp.zeros((16,), jnp.float32)
    for j in range(CHUNK // 16):
        ones_v[pl.ds(j * 16, 16)] = jnp.ones((16,), jnp.float32)

    def _zc(i, carry):
        zcnt_v[pl.ds(i * 16, 16)] = zf
        return carry
    lax.fori_loop(0, ZSH // 16, _zc, 0)
    pltpu.sync_copy(zcnt_v, c_sh.at[pl.ds(s * ZSH, ZSH)])

    def _calc_idx(buf, slot):
        for j in range(CHUNK // 16):
            sl = pl.ds(j * 16, 16)
            sv = ei_v[slot, 0, sl]
            dv = ei_v[slot, 1, sl]
            ev = ef_v[slot, sl]
            gidx_v[buf, sl] = ev * AP + sv
            cidx_v[slot, sl] = ev * AP + dv

    base0 = wid * CHUNK
    pltpu.sync_copy(ei_hbm.at[:, pl.ds(base0, CHUNK)], ei_v.at[0])
    pltpu.sync_copy(ef_hbm.at[pl.ds(base0, CHUNK)], ef_v.at[0])
    _calc_idx(0, 0)
    pltpu.async_copy(y_hbm.at[gidx_v.at[0]], rows_v.at[0], semg)
    base1 = (NW + wid) * CHUNK
    pltpu.async_copy(ei_hbm.at[:, pl.ds(base1, CHUNK)], ei_v.at[1], semi)
    pltpu.async_copy(ef_hbm.at[pl.ds(base1, CHUNK)], ef_v.at[1], semi)

    def _zr(r, carry):
        for j in range(D // 16):
            rows_v[1, r, pl.ds(j * 16, 16)] = zf
        return carry
    lax.fori_loop(0, CHUNK, _zr, 0)

    def _za(k, carry):
        pltpu.async_copy(rows_v.at[1], a_sh.at[pl.ds(s * RPT + k * CHUNK,
                                                     CHUNK)], sems)
        return carry
    lax.fori_loop(0, RPT // CHUNK, _za, 0)
    for k in range(RPT // CHUNK):
        pltpu.make_async_copy(rows_v.at[1], a_sh.at[pl.ds(0, CHUNK)],
                              sems).wait()

    plsc.subcore_barrier()

    def _chunk(g, carry):
        b = lax.rem(g, 2)
        nb = 1 - b
        t = lax.rem(g, 3)
        tn = lax.rem(g + 1, 3)
        tp = lax.rem(g + 2, 3)
        do_g1 = (g + 1) < nch
        do_l2 = (g + 2) < nch

        @pl.when(g > 0)
        def _drain_prev():
            pltpu.make_async_copy(rows_v.at[nb], a_sh.at[ei_v.at[tp, 1]],
                                  sems).wait()
            pltpu.make_async_copy(ones_v, c_sh.at[cidx_v.at[tp]], sems).wait()

        @pl.when(do_l2)
        def _pf_loads():
            base = ((g + 2) * NW + wid) * CHUNK
            pltpu.async_copy(ei_hbm.at[:, pl.ds(base, CHUNK)], ei_v.at[tp],
                             semi)
            pltpu.async_copy(ef_hbm.at[pl.ds(base, CHUNK)], ef_v.at[tp], semi)

        @pl.when(do_g1)
        def _pf_gather():
            pltpu.make_async_copy(ei_hbm.at[:, pl.ds(0, CHUNK)], ei_v.at[tn],
                                  semi).wait()
            pltpu.make_async_copy(ef_hbm.at[pl.ds(0, CHUNK)], ef_v.at[tn],
                                  semi).wait()
            _calc_idx(nb, tn)
            pltpu.async_copy(y_hbm.at[gidx_v.at[nb]], rows_v.at[nb], semg)

        pltpu.make_async_copy(y_hbm.at[pl.ds(0, CHUNK)], rows_v.at[b], semg).wait()
        pltpu.async_copy(rows_v.at[b], a_sh.at[ei_v.at[t, 1]], sems, add=True)
        pltpu.async_copy(ones_v, c_sh.at[cidx_v.at[t]], sems, add=True)
        return carry
    lax.fori_loop(0, nch, _chunk, 0)

    lastb = lax.rem(nch - 1, 2)
    lastt = lax.rem(nch - 1, 3)
    pltpu.make_async_copy(rows_v.at[lastb], a_sh.at[ei_v.at[lastt, 1]],
                          sems).wait()
    pltpu.make_async_copy(ones_v, c_sh.at[cidx_v.at[lastt]], sems).wait()

    plsc.subcore_barrier()

    for k in range(NWCHUNK):
        r0 = s * RPT + k * WCHUNK
        if k >= 2:
            pltpu.make_async_copy(rows_v.at[k % 2],
                                  a_out.at[c, pl.ds(0, WCHUNK)], sems).wait()
        pltpu.sync_copy(a_sh.at[pl.ds(r0, WCHUNK)], rows_v.at[k % 2])
        pltpu.async_copy(rows_v.at[k % 2], a_out.at[c, pl.ds(r0, WCHUNK)],
                         sems)
    pltpu.sync_copy(c_sh.at[pl.ds(s * ZSH, ZSH)], zcnt_v)
    pltpu.async_copy(zcnt_v, c_out.at[c, pl.ds(s * ZSH, ZSH)], sems)
    for k in range(NWCHUNK - 2, NWCHUNK):
        pltpu.make_async_copy(rows_v.at[k % 2],
                              a_out.at[c, pl.ds(0, WCHUNK)], sems).wait()
    pltpu.make_async_copy(zcnt_v, c_out.at[c, pl.ds(0, ZSH)], sems).wait()


def _combine_body(a_ref, c_ref, x_ref, w0_ref, w1_ref, w2_ref, wh_ref,
                  b0_ref, b1_ref, b2_ref, bh_ref, o_ref):
    a = a_ref[0] + a_ref[1]
    cnt = c_ref[0] + c_ref[1]
    ct = jnp.transpose(cnt, (1, 0))
    x = x_ref[...]
    corr = jnp.zeros_like(a)
    for t, (wr, br) in enumerate(((w0_ref, b0_ref), (w1_ref, b1_ref),
                                  (w2_ref, b2_ref))):
        yt = lax.dot_general(x, wr[...], (((1,), (1,)), ((), ())),
                             preferred_element_type=jnp.float32)
        corr = corr + ct[:, t:t + 1] * (yt - br[...])
    yh = lax.dot_general(x, wh_ref[...], (((1,), (1,)), ((), ())),
                         preferred_element_type=jnp.float32)
    o_ref[...] = a - corr + yh + bh_ref[...]


_sc_mesh = plsc.VectorSubcoreMesh(
    core_axis_name="c", subcore_axis_name="s", num_cores=NC, num_subcores=NS)

_edge_pass = functools.partial(
    pl.kernel,
    out_type=[jax.ShapeDtypeStruct((NC, AP, D), jnp.float32),
              jax.ShapeDtypeStruct((NC, CNT_LEN), jnp.float32)],
    mesh=_sc_mesh,
    scratch_types=[
        pltpu.VMEM((3, 2, CHUNK), jnp.int32),
        pltpu.VMEM((3, CHUNK), jnp.int32),
        pltpu.VMEM((2, CHUNK), jnp.int32),
        pltpu.VMEM((3, CHUNK), jnp.int32),
        pltpu.VMEM((CHUNK,), jnp.float32),
        pltpu.VMEM((2, CHUNK, D), jnp.float32),
        pltpu.VMEM((ZSH,), jnp.float32),
        pltpu.VMEM_SHARED((AP, D), jnp.float32),
        pltpu.VMEM_SHARED((CNT_LEN,), jnp.float32),
        pltpu.SemaphoreType.DMA,
        pltpu.SemaphoreType.DMA,
        pltpu.SemaphoreType.DMA,
    ],
)(_edge_body)


def kernel(n_in_feats, edge_index, e_feats, W0, b0, W1, b1, W2, b2, Wh, bh):
    x = n_in_feats
    wspec = pl.BlockSpec((D, D), lambda i: (0, 0))
    bspec = pl.BlockSpec((1, D), lambda i: (0, 0))

    y3 = pl.pallas_call(
        _ybuild_body,
        grid=(N // YBLK,),
        in_specs=[pl.BlockSpec((YBLK, D), lambda i: (i, 0)),
                  wspec, wspec, wspec],
        out_specs=pl.BlockSpec((3, YBLK, D), lambda i: (0, i, 0)),
        out_shape=jax.ShapeDtypeStruct((3, AP, D), jnp.float32),
    )(x, W0, W1, W2)

    a_part, cnt_flat = _edge_pass(y3.reshape(3 * AP, D), edge_index, e_feats)
    cnt3 = cnt_flat.reshape(NC, 3, AP)

    out = pl.pallas_call(
        _combine_body,
        grid=(AP // BLKN,),
        in_specs=[pl.BlockSpec((NC, BLKN, D), lambda i: (0, i, 0)),
                  pl.BlockSpec((NC, 3, BLKN), lambda i: (0, 0, i)),
                  pl.BlockSpec((BLKN, D), lambda i: (i, 0)),
                  wspec, wspec, wspec, wspec,
                  bspec, bspec, bspec, bspec],
        out_specs=pl.BlockSpec((BLKN, D), lambda i: (i, 0)),
        out_shape=jax.ShapeDtypeStruct((N, D), jnp.float32),
    )(a_part, cnt3, x, W0, W1, W2, Wh, b0.reshape(1, D), b1.reshape(1, D),
      b2.reshape(1, D), bh.reshape(1, D))
    return out

# --- scband reference (transcript-rebuilt; emitter-appended) ---
"""Pipeline reference for scband-comp-graph-conv-24627342475453 (READ-ONLY COPY).

The authoritative reference and input builder live on the scoring server;
editing this copy changes nothing except your own understanding.
"""

import jax, jax.numpy as jnp
import numpy as np

N = 10000
E = 320000
D_IN = 128
D_OUT = 128


def setup_inputs(seed: int = 0) -> dict:
    key = jax.random.key(seed)
    ks = jax.random.split(key, 12)
    x = jax.random.normal(ks[0], (N, D_IN), dtype=jnp.float32)
    edge_index = jax.random.randint(ks[1], (2, E), 0, N, dtype=jnp.int32)
    e_feats = jax.random.randint(ks[2], (E,), 0, 3, dtype=jnp.int32)
    s = 1.0 / np.sqrt(D_IN)
    W0 = jax.random.normal(ks[3], (D_OUT, D_IN), dtype=jnp.float32) * s
    b0 = jax.random.normal(ks[4], (D_OUT,), dtype=jnp.float32) * s
    W1 = jax.random.normal(ks[5], (D_OUT, D_IN), dtype=jnp.float32) * s
    b1 = jax.random.normal(ks[6], (D_OUT,), dtype=jnp.float32) * s
    W2 = jax.random.normal(ks[7], (D_OUT, D_IN), dtype=jnp.float32) * s
    b2 = jax.random.normal(ks[8], (D_OUT,), dtype=jnp.float32) * s
    Wh = jax.random.normal(ks[9], (D_OUT, D_IN), dtype=jnp.float32) * s
    bh = jax.random.normal(ks[10], (D_OUT,), dtype=jnp.float32) * s
    return {
        'n_in_feats': x,
        'edge_index': edge_index,
        'e_feats': e_feats,
        'W0': W0, 'b0': b0,
        'W1': W1, 'b1': b1,
        'W2': W2, 'b2': b2,
        'Wh': Wh, 'bh': bh,
    }


def reference(n_in_feats, edge_index, e_feats, W0, b0, W1, b1, W2, b2, Wh, bh):
    # CompGCN layer with comp_fn='sub', no dropout/bn/activation.
    src = edge_index[0]
    dst = edge_index[1]
    # apply_edges: u_sub_v -> comp_h = h_src - h_dst  (gather)
    h_src = jnp.take(n_in_feats, src, axis=0)
    h_dst = jnp.take(n_in_feats, dst, axis=0)
    comp_h = h_src - h_dst
    # three relation-specific linear transforms masked by edge type
    comp_h0 = (comp_h @ W0.T + b0) * (e_feats == 0).astype(jnp.float32)[:, None]
    comp_h1 = (comp_h @ W1.T + b1) * (e_feats == 1).astype(jnp.float32)[:, None]
    comp_h2 = (comp_h @ W2.T + b2) * (e_feats == 2).astype(jnp.float32)[:, None]
    comp_m = comp_h0 + comp_h1 + comp_h2
    # update_all: copy_e + sum -> scatter-add into dst nodes
    agg = jax.ops.segment_sum(comp_m, dst, num_segments=n_in_feats.shape[0])
    # self transform on dst node features (all nodes in homogeneous graph)
    n_out_feats = agg + (n_in_feats @ Wh.T + bh)
    return n_out_feats

if __name__ == "__main__":
    import jax
    _d = setup_inputs()
    print(jax.jit(kernel)(*tuple(_d.values())))

</pallas_src>

<mosaic_0001>
#map = affine_map<(d0, d1) -> (0, 0)>
#map1 = affine_map<(d0, d1) -> (0)>
#map2 = affine_map<(d0, d1) -> (0, 0, 0)>
module attributes {stable_mosaic.version = 14 : i64} {
  func.func @_edge_body(%arg0: i32, %arg1: i32, %arg2: memref<30720x128xf32, #tpu.memory_space<hbm>>, %arg3: memref<2x320000xi32, #tpu.memory_space<hbm>>, %arg4: memref<320000xi32, #tpu.memory_space<hbm>>, %arg5: memref<2x10240x128xf32, #tpu.memory_space<hbm>>, %arg6: memref<2x30720xf32, #tpu.memory_space<hbm>>, %arg7: memref<3x2x128xi32, #tpu.memory_space<vmem>>, %arg8: memref<3x128xi32, #tpu.memory_space<vmem>>, %arg9: memref<2x128xi32, #tpu.memory_space<vmem>>, %arg10: memref<3x128xi32, #tpu.memory_space<vmem>>, %arg11: memref<128xf32, #tpu.memory_space<vmem>>, %arg12: memref<2x128x128xf32, #tpu.memory_space<vmem>>, %arg13: memref<1920xf32, #tpu.memory_space<vmem>>, %arg14: memref<10240x128xf32, #tpu.memory_space<vmem_shared>>, %arg15: memref<30720xf32, #tpu.memory_space<vmem_shared>>, %arg16: memref<!tpu.dma_semaphore, #tpu.memory_space<semaphore_mem>>, %arg17: memref<!tpu.dma_semaphore, #tpu.memory_space<semaphore_mem>>, %arg18: memref<!tpu.dma_semaphore, #tpu.memory_space<semaphore_mem>>) attributes {dimension_semantics = [#tpu.dimension_semantics<core_parallel>, #tpu.dimension_semantics<subcore_parallel>], iteration_bounds = array<i64: 2, 16>, scalar_prefetch = 0 : i64, scratch_operands = 12 : i64, tpu.core_type = #tpu.core_type<sc_vector_subcore>, window_params = [{transform_indices = #map}, {transform_indices = #map}, {transform_indices = #map1}, {transform_indices = #map2}, {transform_indices = #map}]} {
    %mul3A = arith.constant 16 : i32
    %mul3A_0 = arith.muli %arg0, %mul3A : i32
    %add3A = arith.addi %mul3A_0, %arg1 : i32
    %lt3A = arith.constant 4 : i32
    %lt3A_1 = arith.cmpi slt, %add3A, %lt3A : i32
    %jit3A = arith.constant 1 : i32
    %jit3A_2 = arith.constant 0 : i32
    %select_n3A = arith.select %lt3A_1, %jit3A, %jit3A_2 : i32
    %add3A_3 = arith.constant 78 : i32
    %add3A_4 = arith.addi %add3A_3, %select_n3A : i32
    %broadcast_in_dim3A = arith.constant 0.000000e+00 : f32
    %broadcast_in_dim3A_5 = vector.broadcast %broadcast_in_dim3A : f32 to vector<16xf32>
    %broadcast_in_dim3A_6 = arith.constant 1.000000e+00 : f32
    %broadcast_in_dim3A_7 = vector.broadcast %broadcast_in_dim3A_6 : f32 to vector<16xf32>
    %swap3A = arith.constant 0 : index
    %swap3A_8 = tpu.vector_load %arg11[%swap3A] {strides = array<i32>} : memref<128xf32, #tpu.memory_space<vmem>>, vector<16xf32>,
    %swap3A_9 = vector.shape_cast %swap3A_8 : vector<16xf32> to vector<16xf32>
    %swap3A_10 = vector.shape_cast %broadcast_in_dim3A_7 : vector<16xf32> to vector<16xf32>
    tpu.vector_store %arg11[%swap3A], %swap3A_10 {strides = array<i32>} : memref<128xf32, #tpu.memory_space<vmem>>, vector<16xf32>,
    %broadcast_in_dim3A_11 = arith.constant 1.000000e+00 : f32
    %broadcast_in_dim3A_12 = vector.broadcast %broadcast_in_dim3A_11 : f32 to vector<16xf32>
    %swap3A_13 = arith.constant 16 : index
    %swap3A_14 = tpu.vector_load %arg11[%swap3A_13] {strides = array<i32>} : memref<128xf32, #tpu.memory_space<vmem>>, vector<16xf32>,
    %swap3A_15 = vector.shape_cast %swap3A_14 : vector<16xf32> to vector<16xf32>
    %swap3A_16 = vector.shape_cast %broadcast_in_dim3A_12 : vector<16xf32> to vector<16xf32>
    tpu.vector_store %arg11[%swap3A_13], %swap3A_16 {strides = array<i32>} : memref<128xf32, #tpu.memory_space<vmem>>, vector<16xf32>,
    %broadcast_in_dim3A_17 = arith.constant 1.000000e+00 : f32
    %broadcast_in_dim3A_18 = vector.broadcast %broadcast_in_dim3A_17 : f32 to vector<16xf32>
    %swap3A_19 = arith.constant 32 : index
    %swap3A_20 = tpu.vector_load %arg11[%swap3A_19] {strides = array<i32>} : memref<128xf32, #tpu.memory_space<vmem>>, vector<16xf32>,
    %swap3A_21 = vector.shape_cast %swap3A_20 : vector<16xf32> to vector<16xf32>
    %swap3A_22 = vector.shape_cast %broadcast_in_dim3A_18 : vector<16xf32> to vector<16xf32>
    tpu.vector_store %arg11[%swap3A_19], %swap3A_22 {strides = array<i32>} : memref<128xf32, #tpu.memory_space<vmem>>, vector<16xf32>,
    %broadcast_in_dim3A_23 = arith.constant 1.000000e+00 : f32
    %broadcast_in_dim3A_24 = vector.broadcast %broadcast_in_dim3A_23 : f32 to vector<16xf32>
    %swap3A_25 = arith.constant 48 : index
    %swap3A_26 = tpu.vector_load %arg11[%swap3A_25] {strides = array<i32>} : memref<128xf32, #tpu.memory_space<vmem>>, vector<16xf32>,
    %swap3A_27 = vector.shape_cast %swap3A_26 : vector<16xf32> to vector<16xf32>
    %swap3A_28 = vector.shape_cast %broadcast_in_dim3A_24 : vector<16xf32> to vector<16xf32>
    tpu.vector_store %arg11[%swap3A_25], %swap3A_28 {strides = array<i32>} : memref<128xf32, #tpu.memory_space<vmem>>, vector<16xf32>,
    %broadcast_in_dim3A_29 = arith.constant 1.000000e+00 : f32
    %broadcast_in_dim3A_30 = vector.broadcast %broadcast_in_dim3A_29 : f32 to vector<16xf32>
    %swap3A_31 = arith.constant 64 : index
    %swap3A_32 = tpu.vector_load %arg11[%swap3A_31] {strides = array<i32>} : memref<128xf32, #tpu.memory_space<vmem>>, vector<16xf32>,
    %swap3A_33 = vector.shape_cast %swap3A_32 : vector<16xf32> to vector<16xf32>
    %swap3A_34 = vector.shape_cast %broadcast_in_dim3A_30 : vector<16xf32> to vector<16xf32>
    tpu.vector_store %arg11[%swap3A_31], %swap3A_34 {strides = array<i32>} : memref<128xf32, #tpu.memory_space<vmem>>, vector<16xf32>,
    %broadcast_in_dim3A_35 = arith.constant 1.000000e+00 : f32
    %broadcast_in_dim3A_36 = vector.broadcast %broadcast_in_dim3A_35 : f32 to vector<16xf32>
    %swap3A_37 = arith.constant 80 : index
    %swap3A_38 = tpu.vector_load %arg11[%swap3A_37] {strides = array<i32>} : memref<128xf32, #tpu.memory_space<vmem>>, vector<16xf32>,
    %swap3A_39 = vector.shape_cast %swap3A_38 : vector<16xf32> to vector<16xf32>
    %swap3A_40 = vector.shape_cast %broadcast_in_dim3A_36 : vector<16xf32> to vector<16xf32>
    tpu.vector_store %arg11[%swap3A_37], %swap3A_40 {strides = array<i32>} : memref<128xf32, #tpu.memory_space<vmem>>, vector<16xf32>,
    %broadcast_in_dim3A_41 = arith.constant 1.000000e+00 : f32
    %broadcast_in_dim3A_42 = vector.broadcast %broadcast_in_dim3A_41 : f32 to vector<16xf32>
    %swap3A_43 = arith.constant 96 : index
    %swap3A_44 = tpu.vector_load %arg11[%swap3A_43] {strides = array<i32>} : memref<128xf32, #tpu.memory_space<vmem>>, vector<16xf32>,
    %swap3A_45 = vector.shape_cast %swap3A_44 : vector<16xf32> to vector<16xf32>
    %swap3A_46 = vector.shape_cast %broadcast_in_dim3A_42 : vector<16xf32> to vector<16xf32>
    tpu.vector_store %arg11[%swap3A_43], %swap3A_46 {strides = array<i32>} : memref<128xf32, #tpu.memory_space<vmem>>, vector<16xf32>,
    %broadcast_in_dim3A_47 = arith.constant 1.000000e+00 : f32
    %broadcast_in_dim3A_48 = vector.broadcast %broadcast_in_dim3A_47 : f32 to vector<16xf32>
    %swap3A_49 = arith.constant 112 : index
    %swap3A_50 = tpu.vector_load %arg11[%swap3A_49] {strides = array<i32>} : memref<128xf32, #tpu.memory_space<vmem>>, vector<16xf32>,
    %swap3A_51 = vector.shape_cast %swap3A_50 : vector<16xf32> to vector<16xf32>
    %swap3A_52 = vector.shape_cast %broadcast_in_dim3A_48 : vector<16xf32> to vector<16xf32>
    tpu.vector_store %arg11[%swap3A_49], %swap3A_52 {strides = array<i32>} : memref<128xf32, #tpu.memory_space<vmem>>, vector<16xf32>,
    %scan3A = arith.constant 0 : i32
    %scan3A_53 = arith.constant 0 : i32
    %scan3A_54 = arith.constant 120 : i32
    %scan3A_55 = arith.addi %scan3A_53, %scan3A_54 : i32
    %scan3A_56 = arith.constant 1 : i32
    scf.for %scan3A_728 = %scan3A_53 to %scan3A_55 step %scan3A_56  : i32 {
      %mul3A_729 = arith.constant 16 : i32
      %mul3A_730 = arith.muli %scan3A_728, %mul3A_729 : i32
      %swap3A_731 = arith.index_cast %mul3A_730 : i32 to index
      %swap3A_732 = tpu.vector_load %arg13[%swap3A_731] {strides = array<i32>} : memref<1920xf32, #tpu.memory_space<vmem>>, vector<16xf32>,
      %swap3A_733 = vector.shape_cast %swap3A_732 : vector<16xf32> to vector<16xf32>
      %swap3A_734 = vector.shape_cast %broadcast_in_dim3A_5 : vector<16xf32> to vector<16xf32>
      tpu.vector_store %arg13[%swap3A_731], %swap3A_734 {strides = array<i32>} : memref<1920xf32, #tpu.memory_space<vmem>>, vector<16xf32>,
    }
    %scan3A_57 = arith.constant 120 : i32
    %mul3A_58 = arith.constant 1920 : i32
    %mul3A_59 = arith.muli %arg1, %mul3A_58 : i32
    "tpu.region"() ({
      %run_scoped3A_728 = tpu.sem_alloc : memref<!tpu.dma_semaphore, #tpu.memory_space<semaphore_mem>>
      %dma_start3A_729 = tpu.memref_slice %arg15[%mul3A_59] : memref<30720xf32, #tpu.memory_space<vmem_shared>> -> memref<1920xf32, #tpu.memory_space<vmem_shared>>
      %dma_start3A_730 = tpu.memref_slice %arg15[%mul3A_59] : memref<30720xf32, #tpu.memory_space<vmem_shared>> -> memref<1920xf32, #tpu.memory_space<vmem_shared>>
      tpu.enqueue_dma source(%arg13 : memref<1920xf32, #tpu.memory_space<vmem>>) target(%dma_start3A_730 : memref<1920xf32, #tpu.memory_space<vmem_shared>>) target_semaphore(%run_scoped3A_728 : memref<!tpu.dma_semaphore, #tpu.memory_space<semaphore_mem>>)
      %dma_wait3A_731 = tpu.memref_slice %arg15[%mul3A_59] : memref<30720xf32, #tpu.memory_space<vmem_shared>> -> memref<1920xf32, #tpu.memory_space<vmem_shared>>
      %dma_wait3A_732 = tpu.memref_slice %arg15[%mul3A_59] : memref<30720xf32, #tpu.memory_space<vmem_shared>> -> memref<1920xf32, #tpu.memory_space<vmem_shared>>
      tpu.wait_dma2 semaphore(%run_scoped3A_728 : memref<!tpu.dma_semaphore, #tpu.memory_space<semaphore_mem>>) src(%arg13 : memref<1920xf32, #tpu.memory_space<vmem>>) dst(%dma_wait3A_732 : memref<1920xf32, #tpu.memory_space<vmem_shared>>)
      tpu.yield
    }) : () -> ()
    %mul3A_60 = arith.constant 128 : i32
    %mul3A_61 = arith.muli %add3A, %mul3A_60 : i32
    %run_scoped3A = arith.constant 0 : i32
    "tpu.region"() ({
      %run_scoped3A_728 = tpu.sem_alloc : memref<!tpu.dma_semaphore, #tpu.memory_space<semaphore_mem>>
      %dma_start3A_729 = arith.constant 0 : i32
      %dma_start3A_730 = arith.constant 0 : i32
      %dma_start3A_731 = tpu.memref_slice %arg7[%run_scoped3A, %dma_start3A_729, %dma_start3A_730] : memref<3x2x128xi32, #tpu.memory_space<vmem>> -> memref<1x2x128xi32, #tpu.memory_space<vmem>>
      %dma_start3A_732 = tpu.memref_squeeze %dma_start3A_731 : memref<1x2x128xi32, #tpu.memory_space<vmem>> -> memref<2x128xi32, #tpu.memory_space<vmem>>
      %dma_start3A_733 = arith.constant 0 : i32
      %dma_start3A_734 = tpu.memref_slice %arg3[%dma_start3A_733, %mul3A_61] : memref<2x320000xi32, #tpu.memory_space<hbm>> -> memref<2x128xi32, #tpu.memory_space<hbm>>
      %dma_start3A_735 = arith.constant 0 : i32
      %dma_start3A_736 = arith.constant 0 : i32
      %dma_start3A_737 = tpu.memref_slice %arg7[%run_scoped3A, %dma_start3A_735, %dma_start3A_736] : memref<3x2x128xi32, #tpu.memory_space<vmem>> -> memref<1x2x128xi32, #tpu.memory_space<vmem>>
      %dma_start3A_738 = tpu.memref_squeeze %dma_start3A_737 : memref<1x2x128xi32, #tpu.memory_space<vmem>> -> memref<2x128xi32, #tpu.memory_space<vmem>>
      %dma_start3A_739 = arith.constant 0 : i32
      %dma_start3A_740 = tpu.memref_slice %arg3[%dma_start3A_739, %mul3A_61] : memref<2x320000xi32, #tpu.memory_space<hbm>> -> memref<2x128xi32, #tpu.memory_space<hbm>>
      tpu.enqueue_dma source(%dma_start3A_740 : memref<2x128xi32, #tpu.memory_space<hbm>>) target(%dma_start3A_738 : memref<2x128xi32, #tpu.memory_space<vmem>>) target_semaphore(%run_scoped3A_728 : memref<!tpu.dma_semaphore, #tpu.memory_space<semaphore_mem>>)
      %dma_wait3A_741 = arith.constant 0 : i32
      %dma_wait3A_742 = arith.constant 0 : i32
      %dma_wait3A_743 = tpu.memref_slice %arg7[%run_scoped3A, %dma_wait3A_741, %dma_wait3A_742] : memref<3x2x128xi32, #tpu.memory_space<vmem>> -> memref<1x2x128xi32, #tpu.memory_space<vmem>>
      %dma_wait3A_744 = tpu.memref_squeeze %dma_wait3A_743 : memref<1x2x128xi32, #tpu.memory_space<vmem>> -> memref<2x128xi32, #tpu.memory_space<vmem>>
      %dma_wait3A_745 = arith.constant 0 : i32
      %dma_wait3A_746 = tpu.memref_slice %arg3[%dma_wait3A_745, %mul3A_61] : memref<2x320000xi32, #tpu.memory_space<hbm>> -> memref<2x128xi32, #tpu.memory_space<hbm>>
      %dma_wait3A_747 = arith.constant 0 : i32
      %dma_wait3A_748 = arith.constant 0 : i32
      %dma_wait3A_749 = tpu.memref_slice %arg7[%run_scoped3A, %dma_wait3A_747, %dma_wait3A_748] : memref<3x2x128xi32, #tpu.memory_space<vmem>> -> memref<1x2x128xi32, #tpu.memory_space<vmem>>
      %dma_wait3A_750 = tpu.memref_squeeze %dma_wait3A_749 : memref<1x2x128xi32, #tpu.memory_space<vmem>> -> memref<2x128xi32, #tpu.memory_space<vmem>>
      %dma_wait3A_751 = arith.constant 0 : i32
      %dma_wait3A_752 = tpu.memref_slice %arg3[%dma_wait3A_751, %mul3A_61] : memref<2x320000xi32, #tpu.memory_space<hbm>> -> memref<2x128xi32, #tpu.memory_space<hbm>>
      tpu.wait_dma2 semaphore(%run_scoped3A_728 : memref<!tpu.dma_semaphore, #tpu.memory_space<semaphore_mem>>) src(%dma_wait3A_752 : memref<2x128xi32, #tpu.memory_space<hbm>>) dst(%dma_wait3A_750 : memref<2x128xi32, #tpu.memory_space<vmem>>)
      tpu.yield
    }) : () -> ()
    %run_scoped3A_62 = arith.constant 0 : i32
    "tpu.region"() ({
      %run_scoped3A_728 = tpu.sem_alloc : memref<!tpu.dma_semaphore, #tpu.memory_space<semaphore_mem>>
      %dma_start3A_729 = arith.constant 0 : i32
      %dma_start3A_730 = tpu.memref_slice %arg8[%run_scoped3A_62, %dma_start3A_729] : memref<3x128xi32, #tpu.memory_space<vmem>> -> memref<1x128xi32, #tpu.memory_space<vmem>>
      %dma_start3A_731 = tpu.memref_squeeze %dma_start3A_730 : memref<1x128xi32, #tpu.memory_space<vmem>> -> memref<128xi32, #tpu.memory_space<vmem>>
      %dma_start3A_732 = tpu.memref_slice %arg4[%mul3A_61] : memref<320000xi32, #tpu.memory_space<hbm>> -> memref<128xi32, #tpu.memory_space<hbm>>
      %dma_start3A_733 = arith.constant 0 : i32
      %dma_start3A_734 = tpu.memref_slice %arg8[%run_scoped3A_62, %dma_start3A_733] : memref<3x128xi32, #tpu.memory_space<vmem>> -> memref<1x128xi32, #tpu.memory_space<vmem>>
      %dma_start3A_735 = tpu.memref_squeeze %dma_start3A_734 : memref<1x128xi32, #tpu.memory_space<vmem>> -> memref<128xi32, #tpu.memory_space<vmem>>
      %dma_start3A_736 = tpu.memref_slice %arg4[%mul3A_61] : memref<320000xi32, #tpu.memory_space<hbm>> -> memref<128xi32, #tpu.memory_space<hbm>>
      tpu.enqueue_dma source(%dma_start3A_736 : memref<128xi32, #tpu.memory_space<hbm>>) target(%dma_start3A_735 : memref<128xi32, #tpu.memory_space<vmem>>) target_semaphore(%run_scoped3A_728 : memref<!tpu.dma_semaphore, #tpu.memory_space<semaphore_mem>>)
      %dma_wait3A_737 = arith.constant 0 : i32
      %dma_wait3A_738 = tpu.memref_slice %arg8[%run_scoped3A_62, %dma_wait3A_737] : memref<3x128xi32, #tpu.memory_space<vmem>> -> memref<1x128xi32, #tpu.memory_space<vmem>>
      %dma_wait3A_739 = tpu.memref_squeeze %dma_wait3A_738 : memref<1x128xi32, #tpu.memory_space<vmem>> -> memref<128xi32, #tpu.memory_space<vmem>>
      %dma_wait3A_740 = tpu.memref_slice %arg4[%mul3A_61] : memref<320000xi32, #tpu.memory_space<hbm>> -> memref<128xi32, #tpu.memory_space<hbm>>
      %dma_wait3A_741 = arith.constant 0 : i32
      %dma_wait3A_742 = tpu.memref_slice %arg8[%run_scoped3A_62, %dma_wait3A_741] : memref<3x128xi32, #tpu.memory_space<vmem>> -> memref<1x128xi32, #tpu.memory_space<vmem>>
      %dma_wait3A_743 = tpu.memref_squeeze %dma_wait3A_742 : memref<1x128xi32, #tpu.memory_space<vmem>> -> memref<128xi32, #tpu.memory_space<vmem>>
      %dma_wait3A_744 = tpu.memref_slice %arg4[%mul3A_61] : memref<320000xi32, #tpu.memory_space<hbm>> -> memref<128xi32, #tpu.memory_space<hbm>>
      tpu.wait_dma2 semaphore(%run_scoped3A_728 : memref<!tpu.dma_semaphore, #tpu.memory_space<semaphore_mem>>) src(%dma_wait3A_744 : memref<128xi32, #tpu.memory_space<hbm>>) dst(%dma_wait3A_743 : memref<128xi32, #tpu.memory_space<vmem>>)
      tpu.yield
    }) : () -> ()
    %get3A = arith.constant 0 : i32
    %get3A_63 = arith.constant 0 : i32
    %get3A_64 = arith.index_cast %get3A : i32 to index
    %get3A_65 = arith.index_cast %get3A_63 : i32 to index
    %get3A_66 = arith.constant 0 : index
    %get3A_67 = tpu.vector_load %arg7[%get3A_64, %get3A_65, %get3A_66] {strides = array<i32>} : memref<3x2x128xi32, #tpu.memory_space<vmem>>, vector<1x1x16xi32>,
    %get3A_68 = vector.shape_cast %get3A_67 : vector<1x1x16xi32> to vector<16xi32>
    %get3A_69 = arith.constant 0 : i32
    %get3A_70 = arith.constant 1 : i32
    %get3A_71 = arith.index_cast %get3A_69 : i32 to index
    %get3A_72 = arith.index_cast %get3A_70 : i32 to index
    %get3A_73 = arith.constant 0 : index
    %get3A_74 = tpu.vector_load %arg7[%get3A_71, %get3A_72, %get3A_73] {strides = array<i32>} : memref<3x2x128xi32, #tpu.memory_space<vmem>>, vector<1x1x16xi32>,
    %get3A_75 = vector.shape_cast %get3A_74 : vector<1x1x16xi32> to vector<16xi32>
    %get3A_76 = arith.constant 0 : i32
    %get3A_77 = arith.index_cast %get3A_76 : i32 to index
    %get3A_78 = arith.constant 0 : index
    %get3A_79 = tpu.vector_load %arg8[%get3A_77, %get3A_78] {strides = array<i32>} : memref<3x128xi32, #tpu.memory_space<vmem>>, vector<1x16xi32>,
    %get3A_80 = vector.shape_cast %get3A_79 : vector<1x16xi32> to vector<16xi32>
    %mul3A_81 = arith.constant 10240 : i32
    %mul3A_82 = vector.broadcast %mul3A_81 : i32 to vector<16xi32>
    %mul3A_83 = arith.muli %get3A_80, %mul3A_82 : vector<16xi32>
    %add3A_84 = arith.addi %mul3A_83, %get3A_68 : vector<16xi32>
    %swap3A_85 = arith.constant 0 : i32
    %swap3A_86 = arith.index_cast %swap3A_85 : i32 to index
    %swap3A_87 = arith.constant 0 : index
    %swap3A_88 = tpu.vector_load %arg9[%swap3A_86, %swap3A_87] {strides = array<i32>} : memref<2x128xi32, #tpu.memory_space<vmem>>, vector<1x16xi32>,
    %swap3A_89 = vector.shape_cast %swap3A_88 : vector<1x16xi32> to vector<16xi32>
    %swap3A_90 = vector.shape_cast %add3A_84 : vector<16xi32> to vector<1x16xi32>
    tpu.vector_store %arg9[%swap3A_86, %swap3A_87], %swap3A_90 {strides = array<i32>} : memref<2x128xi32, #tpu.memory_space<vmem>>, vector<1x16xi32>,
    %mul3A_91 = arith.constant 10240 : i32
    %mul3A_92 = vector.broadcast %mul3A_91 : i32 to vector<16xi32>
    %mul3A_93 = arith.muli %get3A_80, %mul3A_92 : vector<16xi32>
    %add3A_94 = arith.addi %mul3A_93, %get3A_75 : vector<16xi32>
    %swap3A_95 = arith.constant 0 : i32
    %swap3A_96 = arith.index_cast %swap3A_95 : i32 to index
    %swap3A_97 = arith.constant 0 : index
    %swap3A_98 = tpu.vector_load %arg10[%swap3A_96, %swap3A_97] {strides = array<i32>} : memref<3x128xi32, #tpu.memory_space<vmem>>, vector<1x16xi32>,
    %swap3A_99 = vector.shape_cast %swap3A_98 : vector<1x16xi32> to vector<16xi32>
    %swap3A_100 = vector.shape_cast %add3A_94 : vector<16xi32> to vector<1x16xi32>
    tpu.vector_store %arg10[%swap3A_96, %swap3A_97], %swap3A_100 {strides = array<i32>} : memref<3x128xi32, #tpu.memory_space<vmem>>, vector<1x16xi32>,
    %get3A_101 = arith.constant 0 : i32
    %get3A_102 = arith.constant 0 : i32
    %get3A_103 = arith.index_cast %get3A_101 : i32 to index
    %get3A_104 = arith.index_cast %get3A_102 : i32 to index
    %get3A_105 = arith.constant 16 : index
    %get3A_106 = tpu.vector_load %arg7[%get3A_103, %get3A_104, %get3A_105] {strides = array<i32>} : memref<3x2x128xi32, #tpu.memory_space<vmem>>, vector<1x1x16xi32>,
    %get3A_107 = vector.shape_cast %get3A_106 : vector<1x1x16xi32> to vector<16xi32>
    %get3A_108 = arith.constant 0 : i32
    %get3A_109 = arith.constant 1 : i32
    %get3A_110 = arith.index_cast %get3A_108 : i32 to index
    %get3A_111 = arith.index_cast %get3A_109 : i32 to index
    %get3A_112 = arith.constant 16 : index
    %get3A_113 = tpu.vector_load %arg7[%get3A_110, %get3A_111, %get3A_112] {strides = array<i32>} : memref<3x2x128xi32, #tpu.memory_space<vmem>>, vector<1x1x16xi32>,
    %get3A_114 = vector.shape_cast %get3A_113 : vector<1x1x16xi32> to vector<16xi32>
    %get3A_115 = arith.constant 0 : i32
    %get3A_116 = arith.index_cast %get3A_115 : i32 to index
    %get3A_117 = arith.constant 16 : index
    %get3A_118 = tpu.vector_load %arg8[%get3A_116, %get3A_117] {strides = array<i32>} : memref<3x128xi32, #tpu.memory_space<vmem>>, vector<1x16xi32>,
    %get3A_119 = vector.shape_cast %get3A_118 : vector<1x16xi32> to vector<16xi32>
    %mul3A_120 = arith.constant 10240 : i32
    %mul3A_121 = vector.broadcast %mul3A_120 : i32 to vector<16xi32>
    %mul3A_122 = arith.muli %get3A_119, %mul3A_121 : vector<16xi32>
    %add3A_123 = arith.addi %mul3A_122, %get3A_107 : vector<16xi32>
    %swap3A_124 = arith.constant 0 : i32
    %swap3A_125 = arith.index_cast %swap3A_124 : i32 to index
    %swap3A_126 = arith.constant 16 : index
    %swap3A_127 = tpu.vector_load %arg9[%swap3A_125, %swap3A_126] {strides = array<i32>} : memref<2x128xi32, #tpu.memory_space<vmem>>, vector<1x16xi32>,
    %swap3A_128 = vector.shape_cast %swap3A_127 : vector<1x16xi32> to vector<16xi32>
    %swap3A_129 = vector.shape_cast %add3A_123 : vector<16xi32> to vector<1x16xi32>
    tpu.vector_store %arg9[%swap3A_125, %swap3A_126], %swap3A_129 {strides = array<i32>} : memref<2x128xi32, #tpu.memory_space<vmem>>, vector<1x16xi32>,
    %mul3A_130 = arith.constant 10240 : i32
    %mul3A_131 = vector.broadcast %mul3A_130 : i32 to vector<16xi32>
    %mul3A_132 = arith.muli %get3A_119, %mul3A_131 : vector<16xi32>
    %add3A_133 = arith.addi %mul3A_132, %get3A_114 : vector<16xi32>
    %swap3A_134 = arith.constant 0 : i32
    %swap3A_135 = arith.index_cast %swap3A_134 : i32 to index
    %swap3A_136 = arith.constant 16 : index
    %swap3A_137 = tpu.vector_load %arg10[%swap3A_135, %swap3A_136] {strides = array<i32>} : memref<3x128xi32, #tpu.memory_space<vmem>>, vector<1x16xi32>,
    %swap3A_138 = vector.shape_cast %swap3A_137 : vector<1x16xi32> to vector<16xi32>
    %swap3A_139 = vector.shape_cast %add3A_133 : vector<16xi32> to vector<1x16xi32>
    tpu.vector_store %arg10[%swap3A_135, %swap3A_136], %swap3A_139 {strides = array<i32>} : memref<3x128xi32, #tpu.memory_space<vmem>>, vector<1x16xi32>,
    %get3A_140 = arith.constant 0 : i32
    %get3A_141 = arith.constant 0 : i32
    %get3A_142 = arith.index_cast %get3A_140 : i32 to index
    %get3A_143 = arith.index_cast %get3A_141 : i32 to index
    %get3A_144 = arith.constant 32 : index
    %get3A_145 = tpu.vector_load %arg7[%get3A_142, %get3A_143, %get3A_144] {strides = array<i32>} : memref<3x2x128xi32, #tpu.memory_space<vmem>>, vector<1x1x16xi32>,
    %get3A_146 = vector.shape_cast %get3A_145 : vector<1x1x16xi32> to vector<16xi32>
    %get3A_147 = arith.constant 0 : i32
    %get3A_148 = arith.constant 1 : i32
    %get3A_149 = arith.index_cast %get3A_147 : i32 to index
    %get3A_150 = arith.index_cast %get3A_148 : i32 to index
    %get3A_151 = arith.constant 32 : index
    %get3A_152 = tpu.vector_load %arg7[%get3A_149, %get3A_150, %get3A_151] {strides = array<i32>} : memref<3x2x128xi32, #tpu.memory_space<vmem>>, vector<1x1x16xi32>,
    %get3A_153 = vector.shape_cast %get3A_152 : vector<1x1x16xi32> to vector<16xi32>
    %get3A_154 = arith.constant 0 : i32
    %get3A_155 = arith.index_cast %get3A_154 : i32 to index
    %get3A_156 = arith.constant 32 : index
    %get3A_157 = tpu.vector_load %arg8[%get3A_155, %get3A_156] {strides = array<i32>} : memref<3x128xi32, #tpu.memory_space<vmem>>, vector<1x16xi32>,
    %get3A_158 = vector.shape_cast %get3A_157 : vector<1x16xi32> to vector<16xi32>
    %mul3A_159 = arith.constant 10240 : i32
    %mul3A_160 = vector.broadcast %mul3A_159 : i32 to vector<16xi32>
    %mul3A_161 = arith.muli %get3A_158, %mul3A_160 : vector<16xi32>
    %add3A_162 = arith.addi %mul3A_161, %get3A_146 : vector<16xi32>
    %swap3A_163 = arith.constant 0 : i32
    %swap3A_164 = arith.index_cast %swap3A_163 : i32 to index
    %swap3A_165 = arith.constant 32 : index
    %swap3A_166 = tpu.vector_load %arg9[%swap3A_164, %swap3A_165] {strides = array<i32>} : memref<2x128xi32, #tpu.memory_space<vmem>>, vector<1x16xi32>,
    %swap3A_167 = vector.shape_cast %swap3A_166 : vector<1x16xi32> to vector<16xi32>
    %swap3A_168 = vector.shape_cast %add3A_162 : vector<16xi32> to vector<1x16xi32>
    tpu.vector_store %arg9[%swap3A_164, %swap3A_165], %swap3A_168 {strides = array<i32>} : memref<2x128xi32, #tpu.memory_space<vmem>>, vector<1x16xi32>,
    %mul3A_169 = arith.constant 10240 : i32
    %mul3A_170 = vector.broadcast %mul3A_169 : i32 to vector<16xi32>
    %mul3A_171 = arith.muli %get3A_158, %mul3A_170 : vector<16xi32>
    %add3A_172 = arith.addi %mul3A_171, %get3A_153 : vector<16xi32>
    %swap3A_173 = arith.constant 0 : i32
    %swap3A_174 = arith.index_cast %swap3A_173 : i32 to index
    %swap3A_175 = arith.constant 32 : index
    %swap3A_176 = tpu.vector_load %arg10[%swap3A_174, %swap3A_175] {strides = array<i32>} : memref<3x128xi32, #tpu.memory_space<vmem>>, vector<1x16xi32>,
    %swap3A_177 = vector.shape_cast %swap3A_176 : vector<1x16xi32> to vector<16xi32>
    %swap3A_178 = vector.shape_cast %add3A_172 : vector<16xi32> to vector<1x16xi32>
    tpu.vector_store %arg10[%swap3A_174, %swap3A_175], %swap3A_178 {strides = array<i32>} : memref<3x128xi32, #tpu.memory_space<vmem>>, vector<1x16xi32>,
    %get3A_179 = arith.constant 0 : i32
    %get3A_180 = arith.constant 0 : i32
    %get3A_181 = arith.index_cast %get3A_179 : i32 to index
    %get3A_182 = arith.index_cast %get3A_180 : i32 to index
    %get3A_183 = arith.constant 48 : index
    %get3A_184 = tpu.vector_load %arg7[%get3A_181, %get3A_182, %get3A_183] {strides = array<i32>} : memref<3x2x128xi32, #tpu.memory_space<vmem>>, vector<1x1x16xi32>,
    %get3A_185 = vector.shape_cast %get3A_184 : vector<1x1x16xi32> to vector<16xi32>
    %get3A_186 = arith.constant 0 : i32
    %get3A_187 = arith.constant 1 : i32
    %get3A_188 = arith.index_cast %get3A_186 : i32 to index
    %get3A_189 = arith.index_cast %get3A_187 : i32 to index
    %get3A_190 = arith.constant 48 : index
    %get3A_191 = tpu.vector_load %arg7[%get3A_188, %get3A_189, %get3A_190] {strides = array<i32>} : memref<3x2x128xi32, #tpu.memory_space<vmem>>, vector<1x1x16xi32>,
    %get3A_192 = vector.shape_cast %get3A_191 : vector<1x1x16xi32> to vector<16xi32>
    %get3A_193 = arith.constant 0 : i32
    %get3A_194 = arith.index_cast %get3A_193 : i32 to index
    %get3A_195 = arith.constant 48 : index
    %get3A_196 = tpu.vector_load %arg8[%get3A_194, %get3A_195] {strides = array<i32>} : memref<3x128xi32, #tpu.memory_space<vmem>>, vector<1x16xi32>,
    %get3A_197 = vector.shape_cast %get3A_196 : vector<1x16xi32> to vector<16xi32>
    %mul3A_198 = arith.constant 10240 : i32
    %mul3A_199 = vector.broadcast %mul3A_198 : i32 to vector<16xi32>
    %mul3A_200 = arith.muli %get3A_197, %mul3A_199 : vector<16xi32>
    %add3A_201 = arith.addi %mul3A_200, %get3A_185 : vector<16xi32>
    %swap3A_202 = arith.constant 0 : i32
    %swap3A_203 = arith.index_cast %swap3A_202 : i32 to index
    %swap3A_204 = arith.constant 48 : index
    %swap3A_205 = tpu.vector_load %arg9[%swap3A_203, %swap3A_204] {strides = array<i32>} : memref<2x128xi32, #tpu.memory_space<vmem>>, vector<1x16xi32>,
    %swap3A_206 = vector.shape_cast %swap3A_205 : vector<1x16xi32> to vector<16xi32>
    %swap3A_207 = vector.shape_cast %add3A_201 : vector<16xi32> to vector<1x16xi32>
    tpu.vector_store %arg9[%swap3A_203, %swap3A_204], %swap3A_207 {strides = array<i32>} : memref<2x128xi32, #tpu.memory_space<vmem>>, vector<1x16xi32>,
    %mul3A_208 = arith.constant 10240 : i32
    %mul3A_209 = vector.broadcast %mul3A_208 : i32 to vector<16xi32>
    %mul3A_210 = arith.muli %get3A_197, %mul3A_209 : vector<16xi32>
    %add3A_211 = arith.addi %mul3A_210, %get3A_192 : vector<16xi32>
    %swap3A_212 = arith.constant 0 : i32
    %swap3A_213 = arith.index_cast %swap3A_212 : i32 to index
    %swap3A_214 = arith.constant 48 : index
    %swap3A_215 = tpu.vector_load %arg10[%swap3A_213, %swap3A_214] {strides = array<i32>} : memref<3x128xi32, #tpu.memory_space<vmem>>, vector<1x16xi32>,
    %swap3A_216 = vector.shape_cast %swap3A_215 : vector<1x16xi32> to vector<16xi32>
    %swap3A_217 = vector.shape_cast %add3A_211 : vector<16xi32> to vector<1x16xi32>
    tpu.vector_store %arg10[%swap3A_213, %swap3A_214], %swap3A_217 {strides = array<i32>} : memref<3x128xi32, #tpu.memory_space<vmem>>, vector<1x16xi32>,
    %get3A_218 = arith.constant 0 : i32
    %get3A_219 = arith.constant 0 : i32
    %get3A_220 = arith.index_cast %get3A_218 : i32 to index
    %get3A_221 = arith.index_cast %get3A_219 : i32 to index
    %get3A_222 = arith.constant 64 : index
    %get3A_223 = tpu.vector_load %arg7[%get3A_220, %get3A_221, %get3A_222] {strides = array<i32>} : memref<3x2x128xi32, #tpu.memory_space<vmem>>, vector<1x1x16xi32>,
    %get3A_224 = vector.shape_cast %get3A_223 : vector<1x1x16xi32> to vector<16xi32>
    %get3A_225 = arith.constant 0 : i32
    %get3A_226 = arith.constant 1 : i32
    %get3A_227 = arith.index_cast %get3A_225 : i32 to index
    %get3A_228 = arith.index_cast %get3A_226 : i32 to index
    %get3A_229 = arith.constant 64 : index
    %get3A_230 = tpu.vector_load %arg7[%get3A_227, %get3A_228, %get3A_229] {strides = array<i32>} : memref<3x2x128xi32, #tpu.memory_space<vmem>>, vector<1x1x16xi32>,
    %get3A_231 = vector.shape_cast %get3A_230 : vector<1x1x16xi32> to vector<16xi32>
    %get3A_232 = arith.constant 0 : i32
    %get3A_233 = arith.index_cast %get3A_232 : i32 to index
    %get3A_234 = arith.constant 64 : index
    %get3A_235 = tpu.vector_load %arg8[%get3A_233, %get3A_234] {strides = array<i32>} : memref<3x128xi32, #tpu.memory_space<vmem>>, vector<1x16xi32>,
    %get3A_236 = vector.shape_cast %get3A_235 : vector<1x16xi32> to vector<16xi32>
    %mul3A_237 = arith.constant 10240 : i32
    %mul3A_238 = vector.broadcast %mul3A_237 : i32 to vector<16xi32>
    %mul3A_239 = arith.muli %get3A_236, %mul3A_238 : vector<16xi32>
    %add3A_240 = arith.addi %mul3A_239, %get3A_224 : vector<16xi32>
    %swap3A_241 = arith.constant 0 : i32
    %swap3A_242 = arith.index_cast %swap3A_241 : i32 to index
    %swap3A_243 = arith.constant 64 : index
    %swap3A_244 = tpu.vector_load %arg9[%swap3A_242, %swap3A_243] {strides = array<i32>} : memref<2x128xi32, #tpu.memory_space<vmem>>, vector<1x16xi32>,
    %swap3A_245 = vector.shape_cast %swap3A_244 : vector<1x16xi32> to vector<16xi32>
    %swap3A_246 = vector.shape_cast %add3A_240 : vector<16xi32> to vector<1x16xi32>
    tpu.vector_store %arg9[%swap3A_242, %swap3A_243], %swap3A_246 {strides = array<i32>} : memref<2x128xi32, #tpu.memory_space<vmem>>, vector<1x16xi32>,
    %mul3A_247 = arith.constant 10240 : i32
    %mul3A_248 = vector.broadcast %mul3A_247 : i32 to vector<16xi32>
    %mul3A_249 = arith.muli %get3A_236, %mul3A_248 : vector<16xi32>
    %add3A_250 = arith.addi %mul3A_249, %get3A_231 : vector<16xi32>
    %swap3A_251 = arith.constant 0 : i32
    %swap3A_252 = arith.index_cast %swap3A_251 : i32 to index
    %swap3A_253 = arith.constant 64 : index
    %swap3A_254 = tpu.vector_load %arg10[%swap3A_252, %swap3A_253] {strides = array<i32>} : memref<3x128xi32, #tpu.memory_space<vmem>>, vector<1x16xi32>,
    %swap3A_255 = vector.shape_cast %swap3A_254 : vector<1x16xi32> to vector<16xi32>
    %swap3A_256 = vector.shape_cast %add3A_250 : vector<16xi32> to vector<1x16xi32>
    tpu.vector_store %arg10[%swap3A_252, %swap3A_253], %swap3A_256 {strides = array<i32>} : memref<3x128xi32, #tpu.memory_space<vmem>>, vector<1x16xi32>,
    %get3A_257 = arith.constant 0 : i32
    %get3A_258 = arith.constant 0 : i32
    %get3A_259 = arith.index_cast %get3A_257 : i32 to index
    %get3A_260 = arith.index_cast %get3A_258 : i32 to index
    %get3A_261 = arith.constant 80 : index
    %get3A_262 = tpu.vector_load %arg7[%get3A_259, %get3A_260, %get3A_261] {strides = array<i32>} : memref<3x2x128xi32, #tpu.memory_space<vmem>>, vector<1x1x16xi32>,
    %get3A_263 = vector.shape_cast %get3A_262 : vector<1x1x16xi32> to vector<16xi32>
    %get3A_264 = arith.constant 0 : i32
    %get3A_265 = arith.constant 1 : i32
    %get3A_266 = arith.index_cast %get3A_264 : i32 to index
    %get3A_267 = arith.index_cast %get3A_265 : i32 to index
    %get3A_268 = arith.constant 80 : index
    %get3A_269 = tpu.vector_load %arg7[%get3A_266, %get3A_267, %get3A_268] {strides = array<i32>} : memref<3x2x128xi32, #tpu.memory_space<vmem>>, vector<1x1x16xi32>,
    %get3A_270 = vector.shape_cast %get3A_269 : vector<1x1x16xi32> to vector<16xi32>
    %get3A_271 = arith.constant 0 : i32
    %get3A_272 = arith.index_cast %get3A_271 : i32 to index
    %get3A_273 = arith.constant 80 : index
    %get3A_274 = tpu.vector_load %arg8[%get3A_272, %get3A_273] {strides = array<i32>} : memref<3x128xi32, #tpu.memory_space<vmem>>, vector<1x16xi32>,
    %get3A_275 = vector.shape_cast %get3A_274 : vector<1x16xi32> to vector<16xi32>
    %mul3A_276 = arith.constant 10240 : i32
    %mul3A_277 = vector.broadcast %mul3A_276 : i32 to vector<16xi32>
    %mul3A_278 = arith.muli %get3A_275, %mul3A_277 : vector<16xi32>
    %add3A_279 = arith.addi %mul3A_278, %get3A_263 : vector<16xi32>
    %swap3A_280 = arith.constant 0 : i32
    %swap3A_281 = arith.index_cast %swap3A_280 : i32 to index
    %swap3A_282 = arith.constant 80 : index
    %swap3A_283 = tpu.vector_load %arg9[%swap3A_281, %swap3A_282] {strides = array<i32>} : memref<2x128xi32, #tpu.memory_space<vmem>>, vector<1x16xi32>,
    %swap3A_284 = vector.shape_cast %swap3A_283 : vector<1x16xi32> to vector<16xi32>
    %swap3A_285 = vector.shape_cast %add3A_279 : vector<16xi32> to vector<1x16xi32>
    tpu.vector_store %arg9[%swap3A_281, %swap3A_282], %swap3A_285 {strides = array<i32>} : memref<2x128xi32, #tpu.memory_space<vmem>>, vector<1x16xi32>,
    %mul3A_286 = arith.constant 10240 : i32
    %mul3A_287 = vector.broadcast %mul3A_286 : i32 to vector<16xi32>
    %mul3A_288 = arith.muli %get3A_275, %mul3A_287 : vector<16xi32>
    %add3A_289 = arith.addi %mul3A_288, %get3A_270 : vector<16xi32>
    %swap3A_290 = arith.constant 0 : i32
    %swap3A_291 = arith.index_cast %swap3A_290 : i32 to index
    %swap3A_292 = arith.constant 80 : index
    %swap3A_293 = tpu.vector_load %arg10[%swap3A_291, %swap3A_292] {strides = array<i32>} : memref<3x128xi32, #tpu.memory_space<vmem>>, vector<1x16xi32>,
    %swap3A_294 = vector.shape_cast %swap3A_293 : vector<1x16xi32> to vector<16xi32>
    %swap3A_295 = vector.shape_cast %add3A_289 : vector<16xi32> to vector<1x16xi32>
    tpu.vector_store %arg10[%swap3A_291, %swap3A_292], %swap3A_295 {strides = array<i32>} : memref<3x128xi32, #tpu.memory_space<vmem>>, vector<1x16xi32>,
    %get3A_296 = arith.constant 0 : i32
    %get3A_297 = arith.constant 0 : i32
    %get3A_298 = arith.index_cast %get3A_296 : i32 to index
    %get3A_299 = arith.index_cast %get3A_297 : i32 to index
    %get3A_300 = arith.constant 96 : index
    %get3A_301 = tpu.vector_load %arg7[%get3A_298, %get3A_299, %get3A_300] {strides = array<i32>} : memref<3x2x128xi32, #tpu.memory_space<vmem>>, vector<1x1x16xi32>,
    %get3A_302 = vector.shape_cast %get3A_301 : vector<1x1x16xi32> to vector<16xi32>
    %get3A_303 = arith.constant 0 : i32
    %get3A_304 = arith.constant 1 : i32
    %get3A_305 = arith.index_cast %get3A_303 : i32 to index
    %get3A_306 = arith.index_cast %get3A_304 : i32 to index
    %get3A_307 = arith.constant 96 : index
    %get3A_308 = tpu.vector_load %arg7[%get3A_305, %get3A_306, %get3A_307] {strides = array<i32>} : memref<3x2x128xi32, #tpu.memory_space<vmem>>, vector<1x1x16xi32>,
    %get3A_309 = vector.shape_cast %get3A_308 : vector<1x1x16xi32> to vector<16xi32>
    %get3A_310 = arith.constant 0 : i32
    %get3A_311 = arith.index_cast %get3A_310 : i32 to index
    %get3A_312 = arith.constant 96 : index
    %get3A_313 = tpu.vector_load %arg8[%get3A_311, %get3A_312] {strides = array<i32>} : memref<3x128xi32, #tpu.memory_space<vmem>>, vector<1x16xi32>,
    %get3A_314 = vector.shape_cast %get3A_313 : vector<1x16xi32> to vector<16xi32>
    %mul3A_315 = arith.constant 10240 : i32
    %mul3A_316 = vector.broadcast %mul3A_315 : i32 to vector<16xi32>
    %mul3A_317 = arith.muli %get3A_314, %mul3A_316 : vector<16xi32>
    %add3A_318 = arith.addi %mul3A_317, %get3A_302 : vector<16xi32>
    %swap3A_319 = arith.constant 0 : i32
    %swap3A_320 = arith.index_cast %swap3A_319 : i32 to index
    %swap3A_321 = arith.constant 96 : index
    %swap3A_322 = tpu.vector_load %arg9[%swap3A_320, %swap3A_321] {strides = array<i32>} : memref<2x128xi32, #tpu.memory_space<vmem>>, vector<1x16xi32>,
    %swap3A_323 = vector.shape_cast %swap3A_322 : vector<1x16xi32> to vector<16xi32>
    %swap3A_324 = vector.shape_cast %add3A_318 : vector<16xi32> to vector<1x16xi32>
    tpu.vector_store %arg9[%swap3A_320, %swap3A_321], %swap3A_324 {strides = array<i32>} : memref<2x128xi32, #tpu.memory_space<vmem>>, vector<1x16xi32>,
    %mul3A_325 = arith.constant 10240 : i32
    %mul3A_326 = vector.broadcast %mul3A_325 : i32 to vector<16xi32>
    %mul3A_327 = arith.muli %get3A_314, %mul3A_326 : vector<16xi32>
    %add3A_328 = arith.addi %mul3A_327, %get3A_309 : vector<16xi32>
    %swap3A_329 = arith.constant 0 : i32
    %swap3A_330 = arith.index_cast %swap3A_329 : i32 to index
    %swap3A_331 = arith.constant 96 : index
    %swap3A_332 = tpu.vector_load %arg10[%swap3A_330, %swap3A_331] {strides = array<i32>} : memref<3x128xi32, #tpu.memory_space<vmem>>, vector<1x16xi32>,
    %swap3A_333 = vector.shape_cast %swap3A_332 : vector<1x16xi32> to vector<16xi32>
    %swap3A_334 = vector.shape_cast %add3A_328 : vector<16xi32> to vector<1x16xi32>
    tpu.vector_store %arg10[%swap3A_330, %swap3A_331], %swap3A_334 {strides = array<i32>} : memref<3x128xi32, #tpu.memory_space<vmem>>, vector<1x16xi32>,
    %get3A_335 = arith.constant 0 : i32
    %get3A_336 = arith.constant 0 : i32
    %get3A_337 = arith.index_cast %get3A_335 : i32 to index
    %get3A_338 = arith.index_cast %get3A_336 : i32 to index
    %get3A_339 = arith.constant 112 : index
    %get3A_340 = tpu.vector_load %arg7[%get3A_337, %get3A_338, %get3A_339] {strides = array<i32>} : memref<3x2x128xi32, #tpu.memory_space<vmem>>, vector<1x1x16xi32>,
    %get3A_341 = vector.shape_cast %get3A_340 : vector<1x1x16xi32> to vector<16xi32>
    %get3A_342 = arith.constant 0 : i32
    %get3A_343 = arith.constant 1 : i32
    %get3A_344 = arith.index_cast %get3A_342 : i32 to index
    %get3A_345 = arith.index_cast %get3A_343 : i32 to index
    %get3A_346 = arith.constant 112 : index
    %get3A_347 = tpu.vector_load %arg7[%get3A_344, %get3A_345, %get3A_346] {strides = array<i32>} : memref<3x2x128xi32, #tpu.memory_space<vmem>>, vector<1x1x16xi32>,
    %get3A_348 = vector.shape_cast %get3A_347 : vector<1x1x16xi32> to vector<16xi32>
    %get3A_349 = arith.constant 0 : i32
    %get3A_350 = arith.index_cast %get3A_349 : i32 to index
    %get3A_351 = arith.constant 112 : index
    %get3A_352 = tpu.vector_load %arg8[%get3A_350, %get3A_351] {strides = array<i32>} : memref<3x128xi32, #tpu.memory_space<vmem>>, vector<1x16xi32>,
    %get3A_353 = vector.shape_cast %get3A_352 : vector<1x16xi32> to vector<16xi32>
    %mul3A_354 = arith.constant 10240 : i32
    %mul3A_355 = vector.broadcast %mul3A_354 : i32 to vector<16xi32>
    %mul3A_356 = arith.muli %get3A_353, %mul3A_355 : vector<16xi32>
    %add3A_357 = arith.addi %mul3A_356, %get3A_341 : vector<16xi32>
    %swap3A_358 = arith.constant 0 : i32
    %swap3A_359 = arith.index_cast %swap3A_358 : i32 to index
    %swap3A_360 = arith.constant 112 : index
    %swap3A_361 = tpu.vector_load %arg9[%swap3A_359, %swap3A_360] {strides = array<i32>} : memref<2x128xi32, #tpu.memory_space<vmem>>, vector<1x16xi32>,
    %swap3A_362 = vector.shape_cast %swap3A_361 : vector<1x16xi32> to vector<16xi32>
    %swap3A_363 = vector.shape_cast %add3A_357 : vector<16xi32> to vector<1x16xi32>
    tpu.vector_store %arg9[%swap3A_359, %swap3A_360], %swap3A_363 {strides = array<i32>} : memref<2x128xi32, #tpu.memory_space<vmem>>, vector<1x16xi32>,
    %mul3A_364 = arith.constant 10240 : i32
    %mul3A_365 = vector.broadcast %mul3A_364 : i32 to vector<16xi32>
    %mul3A_366 = arith.muli %get3A_353, %mul3A_365 : vector<16xi32>
    %add3A_367 = arith.addi %mul3A_366, %get3A_348 : vector<16xi32>
    %swap3A_368 = arith.constant 0 : i32
    %swap3A_369 = arith.index_cast %swap3A_368 : i32 to index
    %swap3A_370 = arith.constant 112 : index
    %swap3A_371 = tpu.vector_load %arg10[%swap3A_369, %swap3A_370] {strides = array<i32>} : memref<3x128xi32, #tpu.memory_space<vmem>>, vector<1x16xi32>,
    %swap3A_372 = vector.shape_cast %swap3A_371 : vector<1x16xi32> to vector<16xi32>
    %swap3A_373 = vector.shape_cast %add3A_367 : vector<16xi32> to vector<1x16xi32>
    tpu.vector_store %arg10[%swap3A_369, %swap3A_370], %swap3A_373 {strides = array<i32>} : memref<3x128xi32, #tpu.memory_space<vmem>>, vector<1x16xi32>,
    %dma_start3A = arith.constant 0 : i32
    %dma_start3A_374 = arith.constant 0 : i32
    %dma_start3A_375 = arith.constant 0 : i32
    %dma_start3A_376 = arith.constant 0 : i32
    %dma_start3A_377 = tpu.memref_slice %arg12[%dma_start3A_374, %dma_start3A_375, %dma_start3A_376] : memref<2x128x128xf32, #tpu.memory_space<vmem>> -> memref<1x128x128xf32, #tpu.memory_space<vmem>>
    %dma_start3A_378 = tpu.memref_squeeze %dma_start3A_377 : memref<1x128x128xf32, #tpu.memory_space<vmem>> -> memref<128x128xf32, #tpu.memory_space<vmem>>
    %dma_start3A_379 = arith.constant 0 : i32
    %dma_start3A_380 = tpu.memref_slice %arg9[%dma_start3A, %dma_start3A_379] : memref<2x128xi32, #tpu.memory_space<vmem>> -> memref<1x128xi32, #tpu.memory_space<vmem>>
    %dma_start3A_381 = tpu.memref_squeeze %dma_start3A_380 : memref<1x128xi32, #tpu.memory_space<vmem>> -> memref<128xi32, #tpu.memory_space<vmem>>
    %dma_start3A_382 = arith.constant 0 : i32
    %dma_start3A_383 = arith.constant 0 : i32
    %dma_start3A_384 = tpu.memref_slice %arg2[%dma_start3A_382, %dma_start3A_383] : memref<30720x128xf32, #tpu.memory_space<hbm>> -> memref<30720x128xf32, #tpu.memory_space<hbm>>
    tpu.enqueue_indirect_dma source(%dma_start3A_384 : memref<30720x128xf32, #tpu.memory_space<hbm>>) target(%dma_start3A_378 : memref<128x128xf32, #tpu.memory_space<vmem>>) offsets(%dma_start3A_381 : memref<128xi32, #tpu.memory_space<vmem>>) semaphore(%arg17 : memref<!tpu.dma_semaphore, #tpu.memory_space<semaphore_mem>>)
    %add3A_385 = arith.constant 32 : i32
    %add3A_386 = arith.addi %add3A_385, %add3A : i32
    %mul3A_387 = arith.constant 128 : i32
    %mul3A_388 = arith.muli %add3A_386, %mul3A_387 : i32
    %dma_start3A_389 = arith.constant 1 : i32
    %dma_start3A_390 = arith.constant 0 : i32
    %dma_start3A_391 = arith.constant 0 : i32
    %dma_start3A_392 = tpu.memref_slice %arg7[%dma_start3A_389, %dma_start3A_390, %dma_start3A_391] : memref<3x2x128xi32, #tpu.memory_space<vmem>> -> memref<1x2x128xi32, #tpu.memory_space<vmem>>
    %dma_start3A_393 = tpu.memref_squeeze %dma_start3A_392 : memref<1x2x128xi32, #tpu.memory_space<vmem>> -> memref<2x128xi32, #tpu.memory_space<vmem>>
    %dma_start3A_394 = arith.constant 0 : i32
    %dma_start3A_395 = tpu.memref_slice %arg3[%dma_start3A_394, %mul3A_388] : memref<2x320000xi32, #tpu.memory_space<hbm>> -> memref<2x128xi32, #tpu.memory_space<hbm>>
    %dma_start3A_396 = arith.constant 0 : i32
    %dma_start3A_397 = arith.constant 0 : i32
    %dma_start3A_398 = tpu.memref_slice %arg7[%dma_start3A_389, %dma_start3A_396, %dma_start3A_397] : memref<3x2x128xi32, #tpu.memory_space<vmem>> -> memref<1x2x128xi32, #tpu.memory_space<vmem>>
    %dma_start3A_399 = tpu.memref_squeeze %dma_start3A_398 : memref<1x2x128xi32, #tpu.memory_space<vmem>> -> memref<2x128xi32, #tpu.memory_space<vmem>>
    %dma_start3A_400 = arith.constant 0 : i32
    %dma_start3A_401 = tpu.memref_slice %arg3[%dma_start3A_400, %mul3A_388] : memref<2x320000xi32, #tpu.memory_space<hbm>> -> memref<2x128xi32, #tpu.memory_space<hbm>>
    tpu.enqueue_dma source(%dma_start3A_401 : memref<2x128xi32, #tpu.memory_space<hbm>>) target(%dma_start3A_399 : memref<2x128xi32, #tpu.memory_space<vmem>>) target_semaphore(%arg16 : memref<!tpu.dma_semaphore, #tpu.memory_space<semaphore_mem>>)
    %dma_start3A_402 = arith.constant 1 : i32
    %dma_start3A_403 = arith.constant 0 : i32
    %dma_start3A_404 = tpu.memref_slice %arg8[%dma_start3A_402, %dma_start3A_403] : memref<3x128xi32, #tpu.memory_space<vmem>> -> memref<1x128xi32, #tpu.memory_space<vmem>>
    %dma_start3A_405 = tpu.memref_squeeze %dma_start3A_404 : memref<1x128xi32, #tpu.memory_space<vmem>> -> memref<128xi32, #tpu.memory_space<vmem>>
    %dma_start3A_406 = tpu.memref_slice %arg4[%mul3A_388] : memref<320000xi32, #tpu.memory_space<hbm>> -> memref<128xi32, #tpu.memory_space<hbm>>
    %dma_start3A_407 = arith.constant 0 : i32
    %dma_start3A_408 = tpu.memref_slice %arg8[%dma_start3A_402, %dma_start3A_407] : memref<3x128xi32, #tpu.memory_space<vmem>> -> memref<1x128xi32, #tpu.memory_space<vmem>>
    %dma_start3A_409 = tpu.memref_squeeze %dma_start3A_408 : memref<1x128xi32, #tpu.memory_space<vmem>> -> memref<128xi32, #tpu.memory_space<vmem>>
    %dma_start3A_410 = tpu.memref_slice %arg4[%mul3A_388] : memref<320000xi32, #tpu.memory_space<hbm>> -> memref<128xi32, #tpu.memory_space<hbm>>
    tpu.enqueue_dma source(%dma_start3A_410 : memref<128xi32, #tpu.memory_space<hbm>>) target(%dma_start3A_409 : memref<128xi32, #tpu.memory_space<vmem>>) target_semaphore(%arg16 : memref<!tpu.dma_semaphore, #tpu.memory_space<semaphore_mem>>)
    %scan3A_411 = arith.constant 0 : i32
    %scan3A_412 = arith.constant 0 : i32
    %scan3A_413 = arith.constant 128 : i32
    %scan3A_414 = arith.addi %scan3A_412, %scan3A_413 : i32
    %scan3A_415 = arith.constant 1 : i32
    scf.for %scan3A_728 = %scan3A_412 to %scan3A_414 step %scan3A_415  : i32 {
      %swap3A_729 = arith.constant 1 : i32
      %swap3A_730 = arith.index_cast %swap3A_729 : i32 to index
      %swap3A_731 = arith.index_cast %scan3A_728 : i32 to index
      %swap3A_732 = arith.constant 0 : index
      %swap3A_733 = tpu.vector_load %arg12[%swap3A_730, %swap3A_731, %swap3A_732] {strides = array<i32>} : memref<2x128x128xf32, #tpu.memory_space<vmem>>, vector<1x1x16xf32>,
      %swap3A_734 = vector.shape_cast %swap3A_733 : vector<1x1x16xf32> to vector<16xf32>
      %swap3A_735 = vector.shape_cast %broadcast_in_dim3A_5 : vector<16xf32> to vector<1x1x16xf32>
      tpu.vector_store %arg12[%swap3A_730, %swap3A_731, %swap3A_732], %swap3A_735 {strides = array<i32>} : memref<2x128x128xf32, #tpu.memory_space<vmem>>, vector<1x1x16xf32>,
      %swap3A_736 = arith.constant 1 : i32
      %swap3A_737 = arith.index_cast %swap3A_736 : i32 to index
      %swap3A_738 = arith.index_cast %scan3A_728 : i32 to index
      %swap3A_739 = arith.constant 16 : index
      %swap3A_740 = tpu.vector_load %arg12[%swap3A_737, %swap3A_738, %swap3A_739] {strides = array<i32>} : memref<2x128x128xf32, #tpu.memory_space<vmem>>, vector<1x1x16xf32>,
      %swap3A_741 = vector.shape_cast %swap3A_740 : vector<1x1x16xf32> to vector<16xf32>
      %swap3A_742 = vector.shape_cast %broadcast_in_dim3A_5 : vector<16xf32> to vector<1x1x16xf32>
      tpu.vector_store %arg12[%swap3A_737, %swap3A_738, %swap3A_739], %swap3A_742 {strides = array<i32>} : memref<2x128x128xf32, #tpu.memory_space<vmem>>, vector<1x1x16xf32>,
      %swap3A_743 = arith.constant 1 : i32
      %swap3A_744 = arith.index_cast %swap3A_743 : i32 to index
      %swap3A_745 = arith.index_cast %scan3A_728 : i32 to index
      %swap3A_746 = arith.constant 32 : index
      %swap3A_747 = tpu.vector_load %arg12[%swap3A_744, %swap3A_745, %swap3A_746] {strides = array<i32>} : memref<2x128x128xf32, #tpu.memory_space<vmem>>, vector<1x1x16xf32>,
      %swap3A_748 = vector.shape_cast %swap3A_747 : vector<1x1x16xf32> to vector<16xf32>
      %swap3A_749 = vector.shape_cast %broadcast_in_dim3A_5 : vector<16xf32> to vector<1x1x16xf32>
      tpu.vector_store %arg12[%swap3A_744, %swap3A_745, %swap3A_746], %swap3A_749 {strides = array<i32>} : memref<2x128x128xf32, #tpu.memory_space<vmem>>, vector<1x1x16xf32>,
      %swap3A_750 = arith.constant 1 : i32
      %swap3A_751 = arith.index_cast %swap3A_750 : i32 to index
      %swap3A_752 = arith.index_cast %scan3A_728 : i32 to index
      %swap3A_753 = arith.constant 48 : index
      %swap3A_754 = tpu.vector_load %arg12[%swap3A_751, %swap3A_752, %swap3A_753] {strides = array<i32>} : memref<2x128x128xf32, #tpu.memory_space<vmem>>, vector<1x1x16xf32>,
      %swap3A_755 = vector.shape_cast %swap3A_754 : vector<1x1x16xf32> to vector<16xf32>
      %swap3A_756 = vector.shape_cast %broadcast_in_dim3A_5 : vector<16xf32> to vector<1x1x16xf32>
      tpu.vector_store %arg12[%swap3A_751, %swap3A_752, %swap3A_753], %swap3A_756 {strides = array<i32>} : memref<2x128x128xf32, #tpu.memory_space<vmem>>, vector<1x1x16xf32>,
      %swap3A_757 = arith.constant 1 : i32
      %swap3A_758 = arith.index_cast %swap3A_757 : i32 to index
      %swap3A_759 = arith.index_cast %scan3A_728 : i32 to index
      %swap3A_760 = arith.constant 64 : index
      %swap3A_761 = tpu.vector_load %arg12[%swap3A_758, %swap3A_759, %swap3A_760] {strides = array<i32>} : memref<2x128x128xf32, #tpu.memory_space<vmem>>, vector<1x1x16xf32>,
      %swap3A_762 = vector.shape_cast %swap3A_761 : vector<1x1x16xf32> to vector<16xf32>
      %swap3A_763 = vector.shape_cast %broadcast_in_dim3A_5 : vector<16xf32> to vector<1x1x16xf32>
      tpu.vector_store %arg12[%swap3A_758, %swap3A_759, %swap3A_760], %swap3A_763 {strides = array<i32>} : memref<2x128x128xf32, #tpu.memory_space<vmem>>, vector<1x1x16xf32>,
      %swap3A_764 = arith.constant 1 : i32
      %swap3A_765 = arith.index_cast %swap3A_764 : i32 to index
      %swap3A_766 = arith.index_cast %scan3A_728 : i32 to index
      %swap3A_767 = arith.constant 80 : index
      %swap3A_768 = tpu.vector_load %arg12[%swap3A_765, %swap3A_766, %swap3A_767] {strides = array<i32>} : memref<2x128x128xf32, #tpu.memory_space<vmem>>, vector<1x1x16xf32>,
      %swap3A_769 = vector.shape_cast %swap3A_768 : vector<1x1x16xf32> to vector<16xf32>
      %swap3A_770 = vector.shape_cast %broadcast_in_dim3A_5 : vector<16xf32> to vector<1x1x16xf32>
      tpu.vector_store %arg12[%swap3A_765, %swap3A_766, %swap3A_767], %swap3A_770 {strides = array<i32>} : memref<2x128x128xf32, #tpu.memory_space<vmem>>, vector<1x1x16xf32>,
      %swap3A_771 = arith.constant 1 : i32
      %swap3A_772 = arith.index_cast %swap3A_771 : i32 to index
      %swap3A_773 = arith.index_cast %scan3A_728 : i32 to index
      %swap3A_774 = arith.constant 96 : index
      %swap3A_775 = tpu.vector_load %arg12[%swap3A_772, %swap3A_773, %swap3A_774] {strides = array<i32>} : memref<2x128x128xf32, #tpu.memory_space<vmem>>, vector<1x1x16xf32>,
      %swap3A_776 = vector.shape_cast %swap3A_775 : vector<1x1x16xf32> to vector<16xf32>
      %swap3A_777 = vector.shape_cast %broadcast_in_dim3A_5 : vector<16xf32> to vector<1x1x16xf32>
      tpu.vector_store %arg12[%swap3A_772, %swap3A_773, %swap3A_774], %swap3A_777 {strides = array<i32>} : memref<2x128x128xf32, #tpu.memory_space<vmem>>, vector<1x1x16xf32>,
      %swap3A_778 = arith.constant 1 : i32
      %swap3A_779 = arith.index_cast %swap3A_778 : i32 to index
      %swap3A_780 = arith.index_cast %scan3A_728 : i32 to index
      %swap3A_781 = arith.constant 112 : index
      %swap3A_782 = tpu.vector_load %arg12[%swap3A_779, %swap3A_780, %swap3A_781] {strides = array<i32>} : memref<2x128x128xf32, #tpu.memory_space<vmem>>, vector<1x1x16xf32>,
      %swap3A_783 = vector.shape_cast %swap3A_782 : vector<1x1x16xf32> to vector<16xf32>
      %swap3A_784 = vector.shape_cast %broadcast_in_dim3A_5 : vector<16xf32> to vector<1x1x16xf32>
      tpu.vector_store %arg12[%swap3A_779, %swap3A_780, %swap3A_781], %swap3A_784 {strides = array<i32>} : memref<2x128x128xf32, #tpu.memory_space<vmem>>, vector<1x1x16xf32>,
    }
    %scan3A_416 = arith.constant 128 : i32
    %scan3A_417 = arith.constant 0 : i32
    %scan3A_418 = arith.constant 0 : i32
    %scan3A_419 = arith.constant 5 : i32
    %scan3A_420 = arith.addi %scan3A_418, %scan3A_419 : i32
    %scan3A_421 = arith.constant 1 : i32
    scf.for %scan3A_728 = %scan3A_418 to %scan3A_420 step %scan3A_421  : i32 {
      %mul3A_729 = arith.constant 640 : i32
      %mul3A_730 = arith.muli %arg1, %mul3A_729 : i32
      %mul3A_731 = arith.constant 128 : i32
      %mul3A_732 = arith.muli %scan3A_728, %mul3A_731 : i32
      %add3A_733 = arith.addi %mul3A_730, %mul3A_732 : i32
      %dma_start3A_734 = arith.constant 1 : i32
      %dma_start3A_735 = arith.constant 0 : i32
      %dma_start3A_736 = arith.constant 0 : i32
      %dma_start3A_737 = tpu.memref_slice %arg12[%dma_start3A_734, %dma_start3A_735, %dma_start3A_736] : memref<2x128x128xf32, #tpu.memory_space<vmem>> -> memref<1x128x128xf32, #tpu.memory_space<vmem>>
      %dma_start3A_738 = tpu.memref_squeeze %dma_start3A_737 : memref<1x128x128xf32, #tpu.memory_space<vmem>> -> memref<128x128xf32, #tpu.memory_space<vmem>>
      %dma_start3A_739 = arith.constant 0 : i32
      %dma_start3A_740 = tpu.memref_slice %arg14[%add3A_733, %dma_start3A_739] : memref<10240x128xf32, #tpu.memory_space<vmem_shared>> -> memref<128x128xf32, #tpu.memory_space<vmem_shared>>
      %dma_start3A_741 = arith.constant 0 : i32
      %dma_start3A_742 = tpu.memref_slice %arg14[%add3A_733, %dma_start3A_741] : memref<10240x128xf32, #tpu.memory_space<vmem_shared>> -> memref<128x128xf32, #tpu.memory_space<vmem_shared>>
      %dma_start3A_743 = arith.constant 0 : i32
      %dma_start3A_744 = arith.constant 0 : i32
      %dma_start3A_745 = tpu.memref_slice %arg12[%dma_start3A_734, %dma_start3A_743, %dma_start3A_744] : memref<2x128x128xf32, #tpu.memory_space<vmem>> -> memref<1x128x128xf32, #tpu.memory_space<vmem>>
      %dma_start3A_746 = tpu.memref_squeeze %dma_start3A_745 : memref<1x128x128xf32, #tpu.memory_space<vmem>> -> memref<128x128xf32, #tpu.memory_space<vmem>>
      tpu.enqueue_dma source(%dma_start3A_746 : memref<128x128xf32, #tpu.memory_space<vmem>>) target(%dma_start3A_742 : memref<128x128xf32, #tpu.memory_space<vmem_shared>>) target_semaphore(%arg18 : memref<!tpu.dma_semaphore, #tpu.memory_space<semaphore_mem>>)
    }
    %scan3A_422 = arith.constant 5 : i32
    %dma_wait3A = arith.constant 1 : i32
    %dma_wait3A_423 = arith.constant 0 : i32
    %dma_wait3A_424 = arith.constant 0 : i32
    %dma_wait3A_425 = tpu.memref_slice %arg12[%dma_wait3A, %dma_wait3A_423, %dma_wait3A_424] : memref<2x128x128xf32, #tpu.memory_space<vmem>> -> memref<1x128x128xf32, #tpu.memory_space<vmem>>
    %dma_wait3A_426 = tpu.memref_squeeze %dma_wait3A_425 : memref<1x128x128xf32, #tpu.memory_space<vmem>> -> memref<128x128xf32, #tpu.memory_space<vmem>>
    %dma_wait3A_427 = arith.constant 0 : i32
    %dma_wait3A_428 = arith.constant 0 : i32
    %dma_wait3A_429 = tpu.memref_slice %arg14[%dma_wait3A_427, %dma_wait3A_428] : memref<10240x128xf32, #tpu.memory_space<vmem_shared>> -> memref<128x128xf32, #tpu.memory_space<vmem_shared>>
    %dma_wait3A_430 = arith.constant 0 : i32
    %dma_wait3A_431 = arith.constant 0 : i32
    %dma_wait3A_432 = tpu.memref_slice %arg14[%dma_wait3A_430, %dma_wait3A_431] : memref<10240x128xf32, #tpu.memory_space<vmem_shared>> -> memref<128x128xf32, #tpu.memory_space<vmem_shared>>
    %dma_wait3A_433 = arith.constant 0 : i32
    %dma_wait3A_434 = arith.constant 0 : i32
    %dma_wait3A_435 = tpu.memref_slice %arg12[%dma_wait3A, %dma_wait3A_433, %dma_wait3A_434] : memref<2x128x128xf32, #tpu.memory_space<vmem>> -> memref<1x128x128xf32, #tpu.memory_space<vmem>>
    %dma_wait3A_436 = tpu.memref_squeeze %dma_wait3A_435 : memref<1x128x128xf32, #tpu.memory_space<vmem>> -> memref<128x128xf32, #tpu.memory_space<vmem>>
    tpu.wait_dma2 semaphore(%arg18 : memref<!tpu.dma_semaphore, #tpu.memory_space<semaphore_mem>>) src(%dma_wait3A_436 : memref<128x128xf32, #tpu.memory_space<vmem>>) dst(%dma_wait3A_432 : memref<128x128xf32, #tpu.memory_space<vmem_shared>>)
    %dma_wait3A_437 = arith.constant 1 : i32
    %dma_wait3A_438 = arith.constant 0 : i32
    %dma_wait3A_439 = arith.constant 0 : i32
    %dma_wait3A_440 = tpu.memref_slice %arg12[%dma_wait3A_437, %dma_wait3A_438, %dma_wait3A_439] : memref<2x128x128xf32, #tpu.memory_space<vmem>> -> memref<1x128x128xf32, #tpu.memory_space<vmem>>
    %dma_wait3A_441 = tpu.memref_squeeze %dma_wait3A_440 : memref<1x128x128xf32, #tpu.memory_space<vmem>> -> memref<128x128xf32, #tpu.memory_space<vmem>>
    %dma_wait3A_442 = arith.constant 0 : i32
    %dma_wait3A_443 = arith.constant 0 : i32
    %dma_wait3A_444 = tpu.memref_slice %arg14[%dma_wait3A_442, %dma_wait3A_443] : memref<10240x128xf32, #tpu.memory_space<vmem_shared>> -> memref<128x128xf32, #tpu.memory_space<vmem_shared>>
    %dma_wait3A_445 = arith.constant 0 : i32
    %dma_wait3A_446 = arith.constant 0 : i32
    %dma_wait3A_447 = tpu.memref_slice %arg14[%dma_wait3A_445, %dma_wait3A_446] : memref<10240x128xf32, #tpu.memory_space<vmem_shared>> -> memref<128x128xf32, #tpu.memory_space<vmem_shared>>
    %dma_wait3A_448 = arith.constant 0 : i32
    %dma_wait3A_449 = arith.constant 0 : i32
    %dma_wait3A_450 = tpu.memref_slice %arg12[%dma_wait3A_437, %dma_wait3A_448, %dma_wait3A_449] : memref<2x128x128xf32, #tpu.memory_space<vmem>> -> memref<1x128x128xf32, #tpu.memory_space<vmem>>
    %dma_wait3A_451 = tpu.memref_squeeze %dma_wait3A_450 : memref<1x128x128xf32, #tpu.memory_space<vmem>> -> memref<128x128xf32, #tpu.memory_space<vmem>>
    tpu.wait_dma2 semaphore(%arg18 : memref<!tpu.dma_semaphore, #tpu.memory_space<semaphore_mem>>) src(%dma_wait3A_451 : memref<128x128xf32, #tpu.memory_space<vmem>>) dst(%dma_wait3A_447 : memref<128x128xf32, #tpu.memory_space<vmem_shared>>)
    %dma_wait3A_452 = arith.constant 1 : i32
    %dma_wait3A_453 = arith.constant 0 : i32
    %dma_wait3A_454 = arith.constant 0 : i32
    %dma_wait3A_455 = tpu.memref_slice %arg12[%dma_wait3A_452, %dma_wait3A_453, %dma_wait3A_454] : memref<2x128x128xf32, #tpu.memory_space<vmem>> -> memref<1x128x128xf32, #tpu.memory_space<vmem>>
    %dma_wait3A_456 = tpu.memref_squeeze %dma_wait3A_455 : memref<1x128x128xf32, #tpu.memory_space<vmem>> -> memref<128x128xf32, #tpu.memory_space<vmem>>
    %dma_wait3A_457 = arith.constant 0 : i32
    %dma_wait3A_458 = arith.constant 0 : i32
    %dma_wait3A_459 = tpu.memref_slice %arg14[%dma_wait3A_457, %dma_wait3A_458] : memref<10240x128xf32, #tpu.memory_space<vmem_shared>> -> memref<128x128xf32, #tpu.memory_space<vmem_shared>>
    %dma_wait3A_460 = arith.constant 0 : i32
    %dma_wait3A_461 = arith.constant 0 : i32
    %dma_wait3A_462 = tpu.memref_slice %arg14[%dma_wait3A_460, %dma_wait3A_461] : memref<10240x128xf32, #tpu.memory_space<vmem_shared>> -> memref<128x128xf32, #tpu.memory_space<vmem_shared>>
    %dma_wait3A_463 = arith.constant 0 : i32
    %dma_wait3A_464 = arith.constant 0 : i32
    %dma_wait3A_465 = tpu.memref_slice %arg12[%dma_wait3A_452, %dma_wait3A_463, %dma_wait3A_464] : memref<2x128x128xf32, #tpu.memory_space<vmem>> -> memref<1x128x128xf32, #tpu.memory_space<vmem>>
    %dma_wait3A_466 = tpu.memref_squeeze %dma_wait3A_465 : memref<1x128x128xf32, #tpu.memory_space<vmem>> -> memref<128x128xf32, #tpu.memory_space<vmem>>
    tpu.wait_dma2 semaphore(%arg18 : memref<!tpu.dma_semaphore, #tpu.memory_space<semaphore_mem>>) src(%dma_wait3A_466 : memref<128x128xf32, #tpu.memory_space<vmem>>) dst(%dma_wait3A_462 : memref<128x128xf32, #tpu.memory_space<vmem_shared>>)
    %dma_wait3A_467 = arith.constant 1 : i32
    %dma_wait3A_468 = arith.constant 0 : i32
    %dma_wait3A_469 = arith.constant 0 : i32
    %dma_wait3A_470 = tpu.memref_slice %arg12[%dma_wait3A_467, %dma_wait3A_468, %dma_wait3A_469] : memref<2x128x128xf32, #tpu.memory_space<vmem>> -> memref<1x128x128xf32, #tpu.memory_space<vmem>>
    %dma_wait3A_471 = tpu.memref_squeeze %dma_wait3A_470 : memref<1x128x128xf32, #tpu.memory_space<vmem>> -> memref<128x128xf32, #tpu.memory_space<vmem>>
    %dma_wait3A_472 = arith.constant 0 : i32
    %dma_wait3A_473 = arith.constant 0 : i32
    %dma_wait3A_474 = tpu.memref_slice %arg14[%dma_wait3A_472, %dma_wait3A_473] : memref<10240x128xf32, #tpu.memory_space<vmem_shared>> -> memref<128x128xf32, #tpu.memory_space<vmem_shared>>
    %dma_wait3A_475 = arith.constant 0 : i32
    %dma_wait3A_476 = arith.constant 0 : i32
    %dma_wait3A_477 = tpu.memref_slice %arg14[%dma_wait3A_475, %dma_wait3A_476] : memref<10240x128xf32, #tpu.memory_space<vmem_shared>> -> memref<128x128xf32, #tpu.memory_space<vmem_shared>>
    %dma_wait3A_478 = arith.constant 0 : i32
    %dma_wait3A_479 = arith.constant 0 : i32
    %dma_wait3A_480 = tpu.memref_slice %arg12[%dma_wait3A_467, %dma_wait3A_478, %dma_wait3A_479] : memref<2x128x128xf32, #tpu.memory_space<vmem>> -> memref<1x128x128xf32, #tpu.memory_space<vmem>>
    %dma_wait3A_481 = tpu.memref_squeeze %dma_wait3A_480 : memref<1x128x128xf32, #tpu.memory_space<vmem>> -> memref<128x128xf32, #tpu.memory_space<vmem>>
    tpu.wait_dma2 semaphore(%arg18 : memref<!tpu.dma_semaphore, #tpu.memory_space<semaphore_mem>>) src(%dma_wait3A_481 : memref<128x128xf32, #tpu.memory_space<vmem>>) dst(%dma_wait3A_477 : memref<128x128xf32, #tpu.memory_space<vmem_shared>>)
    %dma_wait3A_482 = arith.constant 1 : i32
    %dma_wait3A_483 = arith.constant 0 : i32
    %dma_wait3A_484 = arith.constant 0 : i32
    %dma_wait3A_485 = tpu.memref_slice %arg12[%dma_wait3A_482, %dma_wait3A_483, %dma_wait3A_484] : memref<2x128x128xf32, #tpu.memory_space<vmem>> -> memref<1x128x128xf32, #tpu.memory_space<vmem>>
    %dma_wait3A_486 = tpu.memref_squeeze %dma_wait3A_485 : memref<1x128x128xf32, #tpu.memory_space<vmem>> -> memref<128x128xf32, #tpu.memory_space<vmem>>
    %dma_wait3A_487 = arith.constant 0 : i32
    %dma_wait3A_488 = arith.constant 0 : i32
    %dma_wait3A_489 = tpu.memref_slice %arg14[%dma_wait3A_487, %dma_wait3A_488] : memref<10240x128xf32, #tpu.memory_space<vmem_shared>> -> memref<128x128xf32, #tpu.memory_space<vmem_shared>>
    %dma_wait3A_490 = arith.constant 0 : i32
    %dma_wait3A_491 = arith.constant 0 : i32
    %dma_wait3A_492 = tpu.memref_slice %arg14[%dma_wait3A_490, %dma_wait3A_491] : memref<10240x128xf32, #tpu.memory_space<vmem_shared>> -> memref<128x128xf32, #tpu.memory_space<vmem_shared>>
    %dma_wait3A_493 = arith.constant 0 : i32
    %dma_wait3A_494 = arith.constant 0 : i32
    %dma_wait3A_495 = tpu.memref_slice %arg12[%dma_wait3A_482, %dma_wait3A_493, %dma_wait3A_494] : memref<2x128x128xf32, #tpu.memory_space<vmem>> -> memref<1x128x128xf32, #tpu.memory_space<vmem>>
    %dma_wait3A_496 = tpu.memref_squeeze %dma_wait3A_495 : memref<1x128x128xf32, #tpu.memory_space<vmem>> -> memref<128x128xf32, #tpu.memory_space<vmem>>
    tpu.wait_dma2 semaphore(%arg18 : memref<!tpu.dma_semaphore, #tpu.memory_space<semaphore_mem>>) src(%dma_wait3A_496 : memref<128x128xf32, #tpu.memory_space<vmem>>) dst(%dma_wait3A_492 : memref<128x128xf32, #tpu.memory_space<vmem_shared>>)
    %barrier3A = arith.constant 0 : index
    tpu.barrier barrier_id(%barrier3A)
    %while3A = arith.constant 0 : i32
    %while3A_497 = arith.constant 0 : i32
    %while3A_498 = arith.subi %add3A_4, %while3A_497 : i32
    %while3A_499 = arith.addi %while3A_497, %while3A_498 : i32
    %while3A_500 = arith.constant 1 : i32
    %while3A_501 = arith.divsi %while3A_498, %while3A_500 : i32
    %while3A_502 = arith.muli %while3A_501, %while3A_500 : i32
    %while3A_503 = arith.addi %while3A_497, %while3A_502 : i32
    %while3A_504 = arith.constant 1 : i32
    scf.for %while3A_728 = %while3A_497 to %while3A_503 step %while3A_504  : i32 {
      %rem3A_729 = arith.constant 2 : i32
      %rem3A_730 = arith.remsi %while3A_728, %rem3A_729 : i32
      %sub3A_731 = arith.constant 1 : i32
      %sub3A_732 = arith.subi %sub3A_731, %rem3A_730 : i32
      %rem3A_733 = arith.constant 3 : i32
      %rem3A_734 = arith.remsi %while3A_728, %rem3A_733 : i32
      %add3A_735 = arith.constant 1 : i32
      %add3A_736 = arith.addi %while3A_728, %add3A_735 : i32
      %rem3A_737 = arith.constant 3 : i32
      %rem3A_738 = arith.remsi %add3A_736, %rem3A_737 : i32
      %add3A_739 = arith.constant 2 : i32
      %add3A_740 = arith.addi %while3A_728, %add3A_739 : i32
      %rem3A_741 = arith.constant 3 : i32
      %rem3A_742 = arith.remsi %add3A_740, %rem3A_741 : i32
      %add3A_743 = arith.constant 1 : i32
      %add3A_744 = arith.addi %while3A_728, %add3A_743 : i32
      %lt3A_745 = arith.cmpi slt, %add3A_744, %add3A_4 : i32
      %add3A_746 = arith.constant 2 : i32
      %add3A_747 = arith.addi %while3A_728, %add3A_746 : i32
      %lt3A_748 = arith.cmpi slt, %add3A_747, %add3A_4 : i32
      %gt3A = arith.constant 0 : i32
      %gt3A_749 = arith.cmpi sgt, %while3A_728, %gt3A : i32
      %convert_element_type3A = arith.extui %gt3A_749 : i1 to i32
      %cond3A = arith.constant 0 : i32
      %cond3A_750 = arith.cmpi ne, %convert_element_type3A, %cond3A : i32
      scf.if %cond3A_750 {
        %dma_wait3A_787 = arith.constant 1 : i32
        %dma_wait3A_788 = arith.constant 0 : i32
        %dma_wait3A_789 = arith.constant 0 : i32
        %dma_wait3A_790 = tpu.memref_slice %arg12[%sub3A_732, %dma_wait3A_788, %dma_wait3A_789] : memref<2x128x128xf32, #tpu.memory_space<vmem>> -> memref<1x128x128xf32, #tpu.memory_space<vmem>>
        %dma_wait3A_791 = tpu.memref_squeeze %dma_wait3A_790 : memref<1x128x128xf32, #tpu.memory_space<vmem>> -> memref<128x128xf32, #tpu.memory_space<vmem>>
        %dma_wait3A_792 = arith.constant 0 : i32
        %dma_wait3A_793 = tpu.memref_slice %arg7[%rem3A_742, %dma_wait3A_787, %dma_wait3A_792] : memref<3x2x128xi32, #tpu.memory_space<vmem>> -> memref<1x1x128xi32, #tpu.memory_space<vmem>>
        %dma_wait3A_794 = tpu.memref_squeeze %dma_wait3A_793 : memref<1x1x128xi32, #tpu.memory_space<vmem>> -> memref<128xi32, #tpu.memory_space<vmem>>
        %dma_wait3A_795 = arith.constant 0 : i32
        %dma_wait3A_796 = arith.constant 0 : i32
        %dma_wait3A_797 = tpu.memref_slice %arg14[%dma_wait3A_795, %dma_wait3A_796] : memref<10240x128xf32, #tpu.memory_space<vmem_shared>> -> memref<10240x128xf32, #tpu.memory_space<vmem_shared>>
        tpu.wait_indirect_dma semaphore(%arg18 : memref<!tpu.dma_semaphore, #tpu.memory_space<semaphore_mem>>) src(%dma_wait3A_791 : memref<128x128xf32, #tpu.memory_space<vmem>>) dst(%dma_wait3A_797 : memref<10240x128xf32, #tpu.memory_space<vmem_shared>>)
        %dma_wait3A_798 = arith.constant 0 : i32
        %dma_wait3A_799 = tpu.memref_slice %arg10[%rem3A_742, %dma_wait3A_798] : memref<3x128xi32, #tpu.memory_space<vmem>> -> memref<1x128xi32, #tpu.memory_space<vmem>>
        %dma_wait3A_800 = tpu.memref_squeeze %dma_wait3A_799 : memref<1x128xi32, #tpu.memory_space<vmem>> -> memref<128xi32, #tpu.memory_space<vmem>>
        %dma_wait3A_801 = arith.constant 0 : i32
        %dma_wait3A_802 = tpu.memref_slice %arg15[%dma_wait3A_801] : memref<30720xf32, #tpu.memory_space<vmem_shared>> -> memref<30720xf32, #tpu.memory_space<vmem_shared>>
        tpu.wait_indirect_dma semaphore(%arg18 : memref<!tpu.dma_semaphore, #tpu.memory_space<semaphore_mem>>) src(%arg11 : memref<128xf32, #tpu.memory_space<vmem>>) dst(%dma_wait3A_802 : memref<30720xf32, #tpu.memory_space<vmem_shared>>)
      } else {
      }
      %convert_element_type3A_751 = arith.extui %lt3A_748 : i1 to i32
      %cond3A_752 = arith.constant 0 : i32
      %cond3A_753 = arith.cmpi ne, %convert_element_type3A_751, %cond3A_752 : i32
      scf.if %cond3A_753 {
        %add3A_787 = arith.constant 2 : i32
        %add3A_788 = arith.addi %while3A_728, %add3A_787 : i32
        %mul3A_789 = arith.constant 32 : i32
        %mul3A_790 = arith.muli %add3A_788, %mul3A_789 : i32
        %add3A_791 = arith.addi %mul3A_790, %add3A : i32
        %mul3A_792 = arith.constant 128 : i32
        %mul3A_793 = arith.muli %add3A_791, %mul3A_792 : i32
        %dma_start3A_794 = arith.constant 0 : i32
        %dma_start3A_795 = arith.constant 0 : i32
        %dma_start3A_796 = tpu.memref_slice %arg7[%rem3A_742, %dma_start3A_794, %dma_start3A_795] : memref<3x2x128xi32, #tpu.memory_space<vmem>> -> memref<1x2x128xi32, #tpu.memory_space<vmem>>
        %dma_start3A_797 = tpu.memref_squeeze %dma_start3A_796 : memref<1x2x128xi32, #tpu.memory_space<vmem>> -> memref<2x128xi32, #tpu.memory_space<vmem>>
        %dma_start3A_798 = arith.constant 0 : i32
        %dma_start3A_799 = tpu.memref_slice %arg3[%dma_start3A_798, %mul3A_793] : memref<2x320000xi32, #tpu.memory_space<hbm>> -> memref<2x128xi32, #tpu.memory_space<hbm>>
        %dma_start3A_800 = arith.constant 0 : i32
        %dma_start3A_801 = arith.constant 0 : i32
        %dma_start3A_802 = tpu.memref_slice %arg7[%rem3A_742, %dma_start3A_800, %dma_start3A_801] : memref<3x2x128xi32, #tpu.memory_space<vmem>> -> memref<1x2x128xi32, #tpu.memory_space<vmem>>
        %dma_start3A_803 = tpu.memref_squeeze %dma_start3A_802 : memref<1x2x128xi32, #tpu.memory_space<vmem>> -> memref<2x128xi32, #tpu.memory_space<vmem>>
        %dma_start3A_804 = arith.constant 0 : i32
        %dma_start3A_805 = tpu.memref_slice %arg3[%dma_start3A_804, %mul3A_793] : memref<2x320000xi32, #tpu.memory_space<hbm>> -> memref<2x128xi32, #tpu.memory_space<hbm>>
        tpu.enqueue_dma source(%dma_start3A_805 : memref<2x128xi32, #tpu.memory_space<hbm>>) target(%dma_start3A_803 : memref<2x128xi32, #tpu.memory_space<vmem>>) target_semaphore(%arg16 : memref<!tpu.dma_semaphore, #tpu.memory_space<semaphore_mem>>)
        %dma_start3A_806 = arith.constant 0 : i32
        %dma_start3A_807 = tpu.memref_slice %arg8[%rem3A_742, %dma_start3A_806] : memref<3x128xi32, #tpu.memory_space<vmem>> -> memref<1x128xi32, #tpu.memory_space<vmem>>
        %dma_start3A_808 = tpu.memref_squeeze %dma_start3A_807 : memref<1x128xi32, #tpu.memory_space<vmem>> -> memref<128xi32, #tpu.memory_space<vmem>>
        %dma_start3A_809 = tpu.memref_slice %arg4[%mul3A_793] : memref<320000xi32, #tpu.memory_space<hbm>> -> memref<128xi32, #tpu.memory_space<hbm>>
        %dma_start3A_810 = arith.constant 0 : i32
        %dma_start3A_811 = tpu.memref_slice %arg8[%rem3A_742, %dma_start3A_810] : memref<3x128xi32, #tpu.memory_space<vmem>> -> memref<1x128xi32, #tpu.memory_space<vmem>>
        %dma_start3A_812 = tpu.memref_squeeze %dma_start3A_811 : memref<1x128xi32, #tpu.memory_space<vmem>> -> memref<128xi32, #tpu.memory_space<vmem>>
        %dma_start3A_813 = tpu.memref_slice %arg4[%mul3A_793] : memref<320000xi32, #tpu.memory_space<hbm>> -> memref<128xi32, #tpu.memory_space<hbm>>
        tpu.enqueue_dma source(%dma_start3A_813 : memref<128xi32, #tpu.memory_space<hbm>>) target(%dma_start3A_812 : memref<128xi32, #tpu.memory_space<vmem>>) target_semaphore(%arg16 : memref<!tpu.dma_semaphore, #tpu.memory_space<semaphore_mem>>)
      } else {
      }
      %convert_element_type3A_754 = arith.extui %lt3A_745 : i1 to i32
      %cond3A_755 = arith.constant 0 : i32
      %cond3A_756 = arith.cmpi ne, %convert_element_type3A_754, %cond3A_755 : i32
      scf.if %cond3A_756 {
        %dma_wait3A_787 = arith.constant 0 : i32
        %dma_wait3A_788 = arith.constant 0 : i32
        %dma_wait3A_789 = tpu.memref_slice %arg7[%rem3A_738, %dma_wait3A_787, %dma_wait3A_788] : memref<3x2x128xi32, #tpu.memory_space<vmem>> -> memref<1x2x128xi32, #tpu.memory_space<vmem>>
        %dma_wait3A_790 = tpu.memref_squeeze %dma_wait3A_789 : memref<1x2x128xi32, #tpu.memory_space<vmem>> -> memref<2x128xi32, #tpu.memory_space<vmem>>
        %dma_wait3A_791 = arith.constant 0 : i32
        %dma_wait3A_792 = arith.constant 0 : i32
        %dma_wait3A_793 = tpu.memref_slice %arg3[%dma_wait3A_791, %dma_wait3A_792] : memref<2x320000xi32, #tpu.memory_space<hbm>> -> memref<2x128xi32, #tpu.memory_space<hbm>>
        %dma_wait3A_794 = arith.constant 0 : i32
        %dma_wait3A_795 = arith.constant 0 : i32
        %dma_wait3A_796 = tpu.memref_slice %arg7[%rem3A_738, %dma_wait3A_794, %dma_wait3A_795] : memref<3x2x128xi32, #tpu.memory_space<vmem>> -> memref<1x2x128xi32, #tpu.memory_space<vmem>>
        %dma_wait3A_797 = tpu.memref_squeeze %dma_wait3A_796 : memref<1x2x128xi32, #tpu.memory_space<vmem>> -> memref<2x128xi32, #tpu.memory_space<vmem>>
        %dma_wait3A_798 = arith.constant 0 : i32
        %dma_wait3A_799 = arith.constant 0 : i32
        %dma_wait3A_800 = tpu.memref_slice %arg3[%dma_wait3A_798, %dma_wait3A_799] : memref<2x320000xi32, #tpu.memory_space<hbm>> -> memref<2x128xi32, #tpu.memory_space<hbm>>
        tpu.wait_dma2 semaphore(%arg16 : memref<!tpu.dma_semaphore, #tpu.memory_space<semaphore_mem>>) src(%dma_wait3A_800 : memref<2x128xi32, #tpu.memory_space<hbm>>) dst(%dma_wait3A_797 : memref<2x128xi32, #tpu.memory_space<vmem>>)
        %dma_wait3A_801 = arith.constant 0 : i32
        %dma_wait3A_802 = tpu.memref_slice %arg8[%rem3A_738, %dma_wait3A_801] : memref<3x128xi32, #tpu.memory_space<vmem>> -> memref<1x128xi32, #tpu.memory_space<vmem>>
        %dma_wait3A_803 = tpu.memref_squeeze %dma_wait3A_802 : memref<1x128xi32, #tpu.memory_space<vmem>> -> memref<128xi32, #tpu.memory_space<vmem>>
        %dma_wait3A_804 = arith.constant 0 : i32
        %dma_wait3A_805 = tpu.memref_slice %arg4[%dma_wait3A_804] : memref<320000xi32, #tpu.memory_space<hbm>> -> memref<128xi32, #tpu.memory_space<hbm>>
        %dma_wait3A_806 = arith.constant 0 : i32
        %dma_wait3A_807 = tpu.memref_slice %arg8[%rem3A_738, %dma_wait3A_806] : memref<3x128xi32, #tpu.memory_space<vmem>> -> memref<1x128xi32, #tpu.memory_space<vmem>>
        %dma_wait3A_808 = tpu.memref_squeeze %dma_wait3A_807 : memref<1x128xi32, #tpu.memory_space<vmem>> -> memref<128xi32, #tpu.memory_space<vmem>>
        %dma_wait3A_809 = arith.constant 0 : i32
        %dma_wait3A_810 = tpu.memref_slice %arg4[%dma_wait3A_809] : memref<320000xi32, #tpu.memory_space<hbm>> -> memref<128xi32, #tpu.memory_space<hbm>>
        tpu.wait_dma2 semaphore(%arg16 : memref<!tpu.dma_semaphore, #tpu.memory_space<semaphore_mem>>) src(%dma_wait3A_810 : memref<128xi32, #tpu.memory_space<hbm>>) dst(%dma_wait3A_808 : memref<128xi32, #tpu.memory_space<vmem>>)
        %get3A_811 = arith.constant 0 : i32
        %get3A_812 = arith.index_cast %rem3A_738 : i32 to index
        %get3A_813 = arith.index_cast %get3A_811 : i32 to index
        %get3A_814 = arith.constant 0 : index
        %get3A_815 = tpu.vector_load %arg7[%get3A_812, %get3A_813, %get3A_814] {strides = array<i32>} : memref<3x2x128xi32, #tpu.memory_space<vmem>>, vector<1x1x16xi32>,
        %get3A_816 = vector.shape_cast %get3A_815 : vector<1x1x16xi32> to vector<16xi32>
        %get3A_817 = arith.constant 1 : i32
        %get3A_818 = arith.index_cast %rem3A_738 : i32 to index
        %get3A_819 = arith.index_cast %get3A_817 : i32 to index
        %get3A_820 = arith.constant 0 : index
        %get3A_821 = tpu.vector_load %arg7[%get3A_818, %get3A_819, %get3A_820] {strides = array<i32>} : memref<3x2x128xi32, #tpu.memory_space<vmem>>, vector<1x1x16xi32>,
        %get3A_822 = vector.shape_cast %get3A_821 : vector<1x1x16xi32> to vector<16xi32>
        %get3A_823 = arith.index_cast %rem3A_738 : i32 to index
        %get3A_824 = arith.constant 0 : index
        %get3A_825 = tpu.vector_load %arg8[%get3A_823, %get3A_824] {strides = array<i32>} : memref<3x128xi32, #tpu.memory_space<vmem>>, vector<1x16xi32>,
        %get3A_826 = vector.shape_cast %get3A_825 : vector<1x16xi32> to vector<16xi32>
        %mul3A_827 = arith.constant 10240 : i32
        %mul3A_828 = vector.broadcast %mul3A_827 : i32 to vector<16xi32>
        %mul3A_829 = arith.muli %get3A_826, %mul3A_828 : vector<16xi32>
        %add3A_830 = arith.addi %mul3A_829, %get3A_816 : vector<16xi32>
        %swap3A_831 = arith.index_cast %sub3A_732 : i32 to index
        %swap3A_832 = arith.constant 0 : index
        %swap3A_833 = tpu.vector_load %arg9[%swap3A_831, %swap3A_832] {strides = array<i32>} : memref<2x128xi32, #tpu.memory_space<vmem>>, vector<1x16xi32>,
        %swap3A_834 = vector.shape_cast %swap3A_833 : vector<1x16xi32> to vector<16xi32>
        %swap3A_835 = vector.shape_cast %add3A_830 : vector<16xi32> to vector<1x16xi32>
        tpu.vector_store %arg9[%swap3A_831, %swap3A_832], %swap3A_835 {strides = array<i32>} : memref<2x128xi32, #tpu.memory_space<vmem>>, vector<1x16xi32>,
        %mul3A_836 = arith.constant 10240 : i32
        %mul3A_837 = vector.broadcast %mul3A_836 : i32 to vector<16xi32>
        %mul3A_838 = arith.muli %get3A_826, %mul3A_837 : vector<16xi32>
        %add3A_839 = arith.addi %mul3A_838, %get3A_822 : vector<16xi32>
        %swap3A_840 = arith.index_cast %rem3A_738 : i32 to index
        %swap3A_841 = arith.constant 0 : index
        %swap3A_842 = tpu.vector_load %arg10[%swap3A_840, %swap3A_841] {strides = array<i32>} : memref<3x128xi32, #tpu.memory_space<vmem>>, vector<1x16xi32>,
        %swap3A_843 = vector.shape_cast %swap3A_842 : vector<1x16xi32> to vector<16xi32>
        %swap3A_844 = vector.shape_cast %add3A_839 : vector<16xi32> to vector<1x16xi32>
        tpu.vector_store %arg10[%swap3A_840, %swap3A_841], %swap3A_844 {strides = array<i32>} : memref<3x128xi32, #tpu.memory_space<vmem>>, vector<1x16xi32>,
        %get3A_845 = arith.constant 0 : i32
        %get3A_846 = arith.index_cast %rem3A_738 : i32 to index
        %get3A_847 = arith.index_cast %get3A_845 : i32 to index
        %get3A_848 = arith.constant 16 : index
        %get3A_849 = tpu.vector_load %arg7[%get3A_846, %get3A_847, %get3A_848] {strides = array<i32>} : memref<3x2x128xi32, #tpu.memory_space<vmem>>, vector<1x1x16xi32>,
        %get3A_850 = vector.shape_cast %get3A_849 : vector<1x1x16xi32> to vector<16xi32>
        %get3A_851 = arith.constant 1 : i32
        %get3A_852 = arith.index_cast %rem3A_738 : i32 to index
        %get3A_853 = arith.index_cast %get3A_851 : i32 to index
        %get3A_854 = arith.constant 16 : index
        %get3A_855 = tpu.vector_load %arg7[%get3A_852, %get3A_853, %get3A_854] {strides = array<i32>} : memref<3x2x128xi32, #tpu.memory_space<vmem>>, vector<1x1x16xi32>,
        %get3A_856 = vector.shape_cast %get3A_855 : vector<1x1x16xi32> to vector<16xi32>
        %get3A_857 = arith.index_cast %rem3A_738 : i32 to index
        %get3A_858 = arith.constant 16 : index
        %get3A_859 = tpu.vector_load %arg8[%get3A_857, %get3A_858] {strides = array<i32>} : memref<3x128xi32, #tpu.memory_space<vmem>>, vector<1x16xi32>,
        %get3A_860 = vector.shape_cast %get3A_859 : vector<1x16xi32> to vector<16xi32>
        %mul3A_861 = arith.constant 10240 : i32
        %mul3A_862 = vector.broadcast %mul3A_861 : i32 to vector<16xi32>
        %mul3A_863 = arith.muli %get3A_860, %mul3A_862 : vector<16xi32>
        %add3A_864 = arith.addi %mul3A_863, %get3A_850 : vector<16xi32>
        %swap3A_865 = arith.index_cast %sub3A_732 : i32 to index
        %swap3A_866 = arith.constant 16 : index
        %swap3A_867 = tpu.vector_load %arg9[%swap3A_865, %swap3A_866] {strides = array<i32>} : memref<2x128xi32, #tpu.memory_space<vmem>>, vector<1x16xi32>,
        %swap3A_868 = vector.shape_cast %swap3A_867 : vector<1x16xi32> to vector<16xi32>
        %swap3A_869 = vector.shape_cast %add3A_864 : vector<16xi32> to vector<1x16xi32>
        tpu.vector_store %arg9[%swap3A_865, %swap3A_866], %swap3A_869 {strides = array<i32>} : memref<2x128xi32, #tpu.memory_space<vmem>>, vector<1x16xi32>,
        %mul3A_870 = arith.constant 10240 : i32
        %mul3A_871 = vector.broadcast %mul3A_870 : i32 to vector<16xi32>
        %mul3A_872 = arith.muli %get3A_860, %mul3A_871 : vector<16xi32>
        %add3A_873 = arith.addi %mul3A_872, %get3A_856 : vector<16xi32>
        %swap3A_874 = arith.index_cast %rem3A_738 : i32 to index
        %swap3A_875 = arith.constant 16 : index
        %swap3A_876 = tpu.vector_load %arg10[%swap3A_874, %swap3A_875] {strides = array<i32>} : memref<3x128xi32, #tpu.memory_space<vmem>>, vector<1x16xi32>,
        %swap3A_877 = vector.shape_cast %swap3A_876 : vector<1x16xi32> to vector<16xi32>
        %swap3A_878 = vector.shape_cast %add3A_873 : vector<16xi32> to vector<1x16xi32>
        tpu.vector_store %arg10[%swap3A_874, %swap3A_875], %swap3A_878 {strides = array<i32>} : memref<3x128xi32, #tpu.memory_space<vmem>>, vector<1x16xi32>,
        %get3A_879 = arith.constant 0 : i32
        %get3A_880 = arith.index_cast %rem3A_738 : i32 to index
        %get3A_881 = arith.index_cast %get3A_879 : i32 to index
        %get3A_882 = arith.constant 32 : index
        %get3A_883 = tpu.vector_load %arg7[%get3A_880, %get3A_881, %get3A_882] {strides = array<i32>} : memref<3x2x128xi32, #tpu.memory_space<vmem>>, vector<1x1x16xi32>,
        %get3A_884 = vector.shape_cast %get3A_883 : vector<1x1x16xi32> to vector<16xi32>
        %get3A_885 = arith.constant 1 : i32
        %get3A_886 = arith.index_cast %rem3A_738 : i32 to index
        %get3A_887 = arith.index_cast %get3A_885 : i32 to index
        %get3A_888 = arith.constant 32 : index
        %get3A_889 = tpu.vector_load %arg7[%get3A_886, %get3A_887, %get3A_888] {strides = array<i32>} : memref<3x2x128xi32, #tpu.memory_space<vmem>>, vector<1x1x16xi32>,
        %get3A_890 = vector.shape_cast %get3A_889 : vector<1x1x16xi32> to vector<16xi32>
        %get3A_891 = arith.index_cast %rem3A_738 : i32 to index
        %get3A_892 = arith.constant 32 : index
        %get3A_893 = tpu.vector_load %arg8[%get3A_891, %get3A_892] {strides = array<i32>} : memref<3x128xi32, #tpu.memory_space<vmem>>, vector<1x16xi32>,
        %get3A_894 = vector.shape_cast %get3A_893 : vector<1x16xi32> to vector<16xi32>
        %mul3A_895 = arith.constant 10240 : i32
        %mul3A_896 = vector.broadcast %mul3A_895 : i32 to vector<16xi32>
        %mul3A_897 = arith.muli %get3A_894, %mul3A_896 : vector<16xi32>
        %add3A_898 = arith.addi %mul3A_897, %get3A_884 : vector<16xi32>
        %swap3A_899 = arith.index_cast %sub3A_732 : i32 to index
        %swap3A_900 = arith.constant 32 : index
        %swap3A_901 = tpu.vector_load %arg9[%swap3A_899, %swap3A_900] {strides = array<i32>} : memref<2x128xi32, #tpu.memory_space<vmem>>, vector<1x16xi32>,
        %swap3A_902 = vector.shape_cast %swap3A_901 : vector<1x16xi32> to vector<16xi32>
        %swap3A_903 = vector.shape_cast %add3A_898 : vector<16xi32> to vector<1x16xi32>
        tpu.vector_store %arg9[%swap3A_899, %swap3A_900], %swap3A_903 {strides = array<i32>} : memref<2x128xi32, #tpu.memory_space<vmem>>, vector<1x16xi32>,
        %mul3A_904 = arith.constant 10240 : i32
        %mul3A_905 = vector.broadcast %mul3A_904 : i32 to vector<16xi32>
        %mul3A_906 = arith.muli %get3A_894, %mul3A_905 : vector<16xi32>
        %add3A_907 = arith.addi %mul3A_906, %get3A_890 : vector<16xi32>
        %swap3A_908 = arith.index_cast %rem3A_738 : i32 to index
        %swap3A_909 = arith.constant 32 : index
        %swap3A_910 = tpu.vector_load %arg10[%swap3A_908, %swap3A_909] {strides = array<i32>} : memref<3x128xi32, #tpu.memory_space<vmem>>, vector<1x16xi32>,
        %swap3A_911 = vector.shape_cast %swap3A_910 : vector<1x16xi32> to vector<16xi32>
        %swap3A_912 = vector.shape_cast %add3A_907 : vector<16xi32> to vector<1x16xi32>
        tpu.vector_store %arg10[%swap3A_908, %swap3A_909], %swap3A_912 {strides = array<i32>} : memref<3x128xi32, #tpu.memory_space<vmem>>, vector<1x16xi32>,
        %get3A_913 = arith.constant 0 : i32
        %get3A_914 = arith.index_cast %rem3A_738 : i32 to index
        %get3A_915 = arith.index_cast %get3A_913 : i32 to index
        %get3A_916 = arith.constant 48 : index
        %get3A_917 = tpu.vector_load %arg7[%get3A_914, %get3A_915, %get3A_916] {strides = array<i32>} : memref<3x2x128xi32, #tpu.memory_space<vmem>>, vector<1x1x16xi32>,
        %get3A_918 = vector.shape_cast %get3A_917 : vector<1x1x16xi32> to vector<16xi32>
        %get3A_919 = arith.constant 1 : i32
        %get3A_920 = arith.index_cast %rem3A_738 : i32 to index
        %get3A_921 = arith.index_cast %get3A_919 : i32 to index
        %get3A_922 = arith.constant 48 : index
        %get3A_923 = tpu.vector_load %arg7[%get3A_920, %get3A_921, %get3A_922] {strides = array<i32>} : memref<3x2x128xi32, #tpu.memory_space<vmem>>, vector<1x1x16xi32>,
        %get3A_924 = vector.shape_cast %get3A_923 : vector<1x1x16xi32> to vector<16xi32>
        %get3A_925 = arith.index_cast %rem3A_738 : i32 to index
        %get3A_926 = arith.constant 48 : index
        %get3A_927 = tpu.vector_load %arg8[%get3A_925, %get3A_926] {strides = array<i32>} : memref<3x128xi32, #tpu.memory_space<vmem>>, vector<1x16xi32>,
        %get3A_928 = vector.shape_cast %get3A_927 : vector<1x16xi32> to vector<16xi32>
        %mul3A_929 = arith.constant 10240 : i32
        %mul3A_930 = vector.broadcast %mul3A_929 : i32 to vector<16xi32>
        %mul3A_931 = arith.muli %get3A_928, %mul3A_930 : vector<16xi32>
        %add3A_932 = arith.addi %mul3A_931, %get3A_918 : vector<16xi32>
        %swap3A_933 = arith.index_cast %sub3A_732 : i32 to index
        %swap3A_934 = arith.constant 48 : index
        %swap3A_935 = tpu.vector_load %arg9[%swap3A_933, %swap3A_934] {strides = array<i32>} : memref<2x128xi32, #tpu.memory_space<vmem>>, vector<1x16xi32>,
        %swap3A_936 = vector.shape_cast %swap3A_935 : vector<1x16xi32> to vector<16xi32>
        %swap3A_937 = vector.shape_cast %add3A_932 : vector<16xi32> to vector<1x16xi32>
        tpu.vector_store %arg9[%swap3A_933, %swap3A_934], %swap3A_937 {strides = array<i32>} : memref<2x128xi32, #tpu.memory_space<vmem>>, vector<1x16xi32>,
        %mul3A_938 = arith.constant 10240 : i32
        %mul3A_939 = vector.broadcast %mul3A_938 : i32 to vector<16xi32>
        %mul3A_940 = arith.muli %get3A_928, %mul3A_939 : vector<16xi32>
        %add3A_941 = arith.addi %mul3A_940, %get3A_924 : vector<16xi32>
        %swap3A_942 = arith.index_cast %rem3A_738 : i32 to index
        %swap3A_943 = arith.constant 48 : index
        %swap3A_944 = tpu.vector_load %arg10[%swap3A_942, %swap3A_943] {strides = array<i32>} : memref<3x128xi32, #tpu.memory_space<vmem>>, vector<1x16xi32>,
        %swap3A_945 = vector.shape_cast %swap3A_944 : vector<1x16xi32> to vector<16xi32>
        %swap3A_946 = vector.shape_cast %add3A_941 : vector<16xi32> to vector<1x16xi32>
        tpu.vector_store %arg10[%swap3A_942, %swap3A_943], %swap3A_946 {strides = array<i32>} : memref<3x128xi32, #tpu.memory_space<vmem>>, vector<1x16xi32>,
        %get3A_947 = arith.constant 0 : i32
        %get3A_948 = arith.index_cast %rem3A_738 : i32 to index
        %get3A_949 = arith.index_cast %get3A_947 : i32 to index
        %get3A_950 = arith.constant 64 : index
        %get3A_951 = tpu.vector_load %arg7[%get3A_948, %get3A_949, %get3A_950] {strides = array<i32>} : memref<3x2x128xi32, #tpu.memory_space<vmem>>, vector<1x1x16xi32>,
        %get3A_952 = vector.shape_cast %get3A_951 : vector<1x1x16xi32> to vector<16xi32>
        %get3A_953 = arith.constant 1 : i32
        %get3A_954 = arith.index_cast %rem3A_738 : i32 to index
        %get3A_955 = arith.index_cast %get3A_953 : i32 to index
        %get3A_956 = arith.constant 64 : index
        %get3A_957 = tpu.vector_load %arg7[%get3A_954, %get3A_955, %get3A_956] {strides = array<i32>} : memref<3x2x128xi32, #tpu.memory_space<vmem>>, vector<1x1x16xi32>,
        %get3A_958 = vector.shape_cast %get3A_957 : vector<1x1x16xi32> to vector<16xi32>
        %get3A_959 = arith.index_cast %rem3A_738 : i32 to index
        %get3A_960 = arith.constant 64 : index
        %get3A_961 = tpu.vector_load %arg8[%get3A_959, %get3A_960] {strides = array<i32>} : memref<3x128xi32, #tpu.memory_space<vmem>>, vector<1x16xi32>,
        %get3A_962 = vector.shape_cast %get3A_961 : vector<1x16xi32> to vector<16xi32>
        %mul3A_963 = arith.constant 10240 : i32
        %mul3A_964 = vector.broadcast %mul3A_963 : i32 to vector<16xi32>
        %mul3A_965 = arith.muli %get3A_962, %mul3A_964 : vector<16xi32>
        %add3A_966 = arith.addi %mul3A_965, %get3A_952 : vector<16xi32>
        %swap3A_967 = arith.index_cast %sub3A_732 : i32 to index
        %swap3A_968 = arith.constant 64 : index
        %swap3A_969 = tpu.vector_load %arg9[%swap3A_967, %swap3A_968] {strides = array<i32>} : memref<2x128xi32, #tpu.memory_space<vmem>>, vector<1x16xi32>,
        %swap3A_970 = vector.shape_cast %swap3A_969 : vector<1x16xi32> to vector<16xi32>
        %swap3A_971 = vector.shape_cast %add3A_966 : vector<16xi32> to vector<1x16xi32>
        tpu.vector_store %arg9[%swap3A_967, %swap3A_968], %swap3A_971 {strides = array<i32>} : memref<2x128xi32, #tpu.memory_space<vmem>>, vector<1x16xi32>,
        %mul3A_972 = arith.constant 10240 : i32
        %mul3A_973 = vector.broadcast %mul3A_972 : i32 to vector<16xi32>
        %mul3A_974 = arith.muli %get3A_962, %mul3A_973 : vector<16xi32>
        %add3A_975 = arith.addi %mul3A_974, %get3A_958 : vector<16xi32>
        %swap3A_976 = arith.index_cast %rem3A_738 : i32 to index
        %swap3A_977 = arith.constant 64 : index
        %swap3A_978 = tpu.vector_load %arg10[%swap3A_976, %swap3A_977] {strides = array<i32>} : memref<3x128xi32, #tpu.memory_space<vmem>>, vector<1x16xi32>,
        %swap3A_979 = vector.shape_cast %swap3A_978 : vector<1x16xi32> to vector<16xi32>
        %swap3A_980 = vector.shape_cast %add3A_975 : vector<16xi32> to vector<1x16xi32>
        tpu.vector_store %arg10[%swap3A_976, %swap3A_977], %swap3A_980 {strides = array<i32>} : memref<3x128xi32, #tpu.memory_space<vmem>>, vector<1x16xi32>,
        %get3A_981 = arith.constant 0 : i32
        %get3A_982 = arith.index_cast %rem3A_738 : i32 to index
        %get3A_983 = arith.index_cast %get3A_981 : i32 to index
        %get3A_984 = arith.constant 80 : index
        %get3A_985 = tpu.vector_load %arg7[%get3A_982, %get3A_983, %get3A_984] {strides = array<i32>} : memref<3x2x128xi32, #tpu.memory_space<vmem>>, vector<1x1x16xi32>,
        %get3A_986 = vector.shape_cast %get3A_985 : vector<1x1x16xi32> to vector<16xi32>
        %get3A_987 = arith.constant 1 : i32
        %get3A_988 = arith.index_cast %rem3A_738 : i32 to index
        %get3A_989 = arith.index_cast %get3A_987 : i32 to index
        %get3A_990 = arith.constant 80 : index
        %get3A_991 = tpu.vector_load %arg7[%get3A_988, %get3A_989, %get3A_990] {strides = array<i32>} : memref<3x2x128xi32, #tpu.memory_space<vmem>>, vector<1x1x16xi32>,
        %get3A_992 = vector.shape_cast %get3A_991 : vector<1x1x16xi32> to vector<16xi32>
        %get3A_993 = arith.index_cast %rem3A_738 : i32 to index
        %get3A_994 = arith.constant 80 : index
        %get3A_995 = tpu.vector_load %arg8[%get3A_993, %get3A_994] {strides = array<i32>} : memref<3x128xi32, #tpu.memory_space<vmem>>, vector<1x16xi32>,
        %get3A_996 = vector.shape_cast %get3A_995 : vector<1x16xi32> to vector<16xi32>
        %mul3A_997 = arith.constant 10240 : i32
        %mul3A_998 = vector.broadcast %mul3A_997 : i32 to vector<16xi32>
        %mul3A_999 = arith.muli %get3A_996, %mul3A_998 : vector<16xi32>
        %add3A_1000 = arith.addi %mul3A_999, %get3A_986 : vector<16xi32>
        %swap3A_1001 = arith.index_cast %sub3A_732 : i32 to index
        %swap3A_1002 = arith.constant 80 : index
        %swap3A_1003 = tpu.vector_load %arg9[%swap3A_1001, %swap3A_1002] {strides = array<i32>} : memref<2x128xi32, #tpu.memory_space<vmem>>, vector<1x16xi32>,
        %swap3A_1004 = vector.shape_cast %swap3A_1003 : vector<1x16xi32> to vector<16xi32>
        %swap3A_1005 = vector.shape_cast %add3A_1000 : vector<16xi32> to vector<1x16xi32>
        tpu.vector_store %arg9[%swap3A_1001, %swap3A_1002], %swap3A_1005 {strides = array<i32>} : memref<2x128xi32, #tpu.memory_space<vmem>>, vector<1x16xi32>,
        %mul3A_1006 = arith.constant 10240 : i32
        %mul3A_1007 = vector.broadcast %mul3A_1006 : i32 to vector<16xi32>
        %mul3A_1008 = arith.muli %get3A_996, %mul3A_1007 : vector<16xi32>
        %add3A_1009 = arith.addi %mul3A_1008, %get3A_992 : vector<16xi32>
        %swap3A_1010 = arith.index_cast %rem3A_738 : i32 to index
        %swap3A_1011 = arith.constant 80 : index
        %swap3A_1012 = tpu.vector_load %arg10[%swap3A_1010, %swap3A_1011] {strides = array<i32>} : memref<3x128xi32, #tpu.memory_space<vmem>>, vector<1x16xi32>,
        %swap3A_1013 = vector.shape_cast %swap3A_1012 : vector<1x16xi32> to vector<16xi32>
        %swap3A_1014 = vector.shape_cast %add3A_1009 : vector<16xi32> to vector<1x16xi32>
        tpu.vector_store %arg10[%swap3A_1010, %swap3A_1011], %swap3A_1014 {strides = array<i32>} : memref<3x128xi32, #tpu.memory_space<vmem>>, vector<1x16xi32>,
        %get3A_1015 = arith.constant 0 : i32
        %get3A_1016 = arith.index_cast %rem3A_738 : i32 to index
        %get3A_1017 = arith.index_cast %get3A_1015 : i32 to index
        %get3A_1018 = arith.constant 96 : index
        %get3A_1019 = tpu.vector_load %arg7[%get3A_1016, %get3A_1017, %get3A_1018] {strides = array<i32>} : memref<3x2x128xi32, #tpu.memory_space<vmem>>, vector<1x1x16xi32>,
        %get3A_1020 = vector.shape_cast %get3A_1019 : vector<1x1x16xi32> to vector<16xi32>
        %get3A_1021 = arith.constant 1 : i32
        %get3A_1022 = arith.index_cast %rem3A_738 : i32 to index
        %get3A_1023 = arith.index_cast %get3A_1021 : i32 to index
        %get3A_1024 = arith.constant 96 : index
        %get3A_1025 = tpu.vector_load %arg7[%get3A_1022, %get3A_1023, %get3A_1024] {strides = array<i32>} : memref<3x2x128xi32, #tpu.memory_space<vmem>>, vector<1x1x16xi32>,
        %get3A_1026 = vector.shape_cast %get3A_1025 : vector<1x1x16xi32> to vector<16xi32>
        %get3A_1027 = arith.index_cast %rem3A_738 : i32 to index
        %get3A_1028 = arith.constant 96 : index
        %get3A_1029 = tpu.vector_load %arg8[%get3A_1027, %get3A_1028] {strides = array<i32>} : memref<3x128xi32, #tpu.memory_space<vmem>>, vector<1x16xi32>,
        %get3A_1030 = vector.shape_cast %get3A_1029 : vector<1x16xi32> to vector<16xi32>
        %mul3A_1031 = arith.constant 10240 : i32
        %mul3A_1032 = vector.broadcast %mul3A_1031 : i32 to vector<16xi32>
        %mul3A_1033 = arith.muli %get3A_1030, %mul3A_1032 : vector<16xi32>
        %add3A_1034 = arith.addi %mul3A_1033, %get3A_1020 : vector<16xi32>
        %swap3A_1035 = arith.index_cast %sub3A_732 : i32 to index
        %swap3A_1036 = arith.constant 96 : index
        %swap3A_1037 = tpu.vector_load %arg9[%swap3A_1035, %swap3A_1036] {strides = array<i32>} : memref<2x128xi32, #tpu.memory_space<vmem>>, vector<1x16xi32>,
        %swap3A_1038 = vector.shape_cast %swap3A_1037 : vector<1x16xi32> to vector<16xi32>
        %swap3A_1039 = vector.shape_cast %add3A_1034 : vector<16xi32> to vector<1x16xi32>
        tpu.vector_store %arg9[%swap3A_1035, %swap3A_1036], %swap3A_1039 {strides = array<i32>} : memref<2x128xi32, #tpu.memory_space<vmem>>, vector<1x16xi32>,
        %mul3A_1040 = arith.constant 10240 : i32
        %mul3A_1041 = vector.broadcast %mul3A_1040 : i32 to vector<16xi32>
        %mul3A_1042 = arith.muli %get3A_1030, %mul3A_1041 : vector<16xi32>
        %add3A_1043 = arith.addi %mul3A_1042, %get3A_1026 : vector<16xi32>
        %swap3A_1044 = arith.index_cast %rem3A_738 : i32 to index
        %swap3A_1045 = arith.constant 96 : index
        %swap3A_1046 = tpu.vector_load %arg10[%swap3A_1044, %swap3A_1045] {strides = array<i32>} : memref<3x128xi32, #tpu.memory_space<vmem>>, vector<1x16xi32>,
        %swap3A_1047 = vector.shape_cast %swap3A_1046 : vector<1x16xi32> to vector<16xi32>
        %swap3A_1048 = vector.shape_cast %add3A_1043 : vector<16xi32> to vector<1x16xi32>
        tpu.vector_store %arg10[%swap3A_1044, %swap3A_1045], %swap3A_1048 {strides = array<i32>} : memref<3x128xi32, #tpu.memory_space<vmem>>, vector<1x16xi32>,
        %get3A_1049 = arith.constant 0 : i32
        %get3A_1050 = arith.index_cast %rem3A_738 : i32 to index
        %get3A_1051 = arith.index_cast %get3A_1049 : i32 to index
        %get3A_1052 = arith.constant 112 : index
        %get3A_1053 = tpu.vector_load %arg7[%get3A_1050, %get3A_1051, %get3A_1052] {strides = array<i32>} : memref<3x2x128xi32, #tpu.memory_space<vmem>>, vector<1x1x16xi32>,
        %get3A_1054 = vector.shape_cast %get3A_1053 : vector<1x1x16xi32> to vector<16xi32>
        %get3A_1055 = arith.constant 1 : i32
        %get3A_1056 = arith.index_cast %rem3A_738 : i32 to index
        %get3A_1057 = arith.index_cast %get3A_1055 : i32 to index
        %get3A_1058 = arith.constant 112 : index
        %get3A_1059 = tpu.vector_load %arg7[%get3A_1056, %get3A_1057, %get3A_1058] {strides = array<i32>} : memref<3x2x128xi32, #tpu.memory_space<vmem>>, vector<1x1x16xi32>,
        %get3A_1060 = vector.shape_cast %get3A_1059 : vector<1x1x16xi32> to vector<16xi32>
        %get3A_1061 = arith.index_cast %rem3A_738 : i32 to index
        %get3A_1062 = arith.constant 112 : index
        %get3A_1063 = tpu.vector_load %arg8[%get3A_1061, %get3A_1062] {strides = array<i32>} : memref<3x128xi32, #tpu.memory_space<vmem>>, vector<1x16xi32>,
        %get3A_1064 = vector.shape_cast %get3A_1063 : vector<1x16xi32> to vector<16xi32>
        %mul3A_1065 = arith.constant 10240 : i32
        %mul3A_1066 = vector.broadcast %mul3A_1065 : i32 to vector<16xi32>
        %mul3A_1067 = arith.muli %get3A_1064, %mul3A_1066 : vector<16xi32>
        %add3A_1068 = arith.addi %mul3A_1067, %get3A_1054 : vector<16xi32>
        %swap3A_1069 = arith.index_cast %sub3A_732 : i32 to index
        %swap3A_1070 = arith.constant 112 : index
        %swap3A_1071 = tpu.vector_load %arg9[%swap3A_1069, %swap3A_1070] {strides = array<i32>} : memref<2x128xi32, #tpu.memory_space<vmem>>, vector<1x16xi32>,
        %swap3A_1072 = vector.shape_cast %swap3A_1071 : vector<1x16xi32> to vector<16xi32>
        %swap3A_1073 = vector.shape_cast %add3A_1068 : vector<16xi32> to vector<1x16xi32>
        tpu.vector_store %arg9[%swap3A_1069, %swap3A_1070], %swap3A_1073 {strides = array<i32>} : memref<2x128xi32, #tpu.memory_space<vmem>>, vector<1x16xi32>,
        %mul3A_1074 = arith.constant 10240 : i32
        %mul3A_1075 = vector.broadcast %mul3A_1074 : i32 to vector<16xi32>
        %mul3A_1076 = arith.muli %get3A_1064, %mul3A_1075 : vector<16xi32>
        %add3A_1077 = arith.addi %mul3A_1076, %get3A_1060 : vector<16xi32>
        %swap3A_1078 = arith.index_cast %rem3A_738 : i32 to index
        %swap3A_1079 = arith.constant 112 : index
        %swap3A_1080 = tpu.vector_load %arg10[%swap3A_1078, %swap3A_1079] {strides = array<i32>} : memref<3x128xi32, #tpu.memory_space<vmem>>, vector<1x16xi32>,
        %swap3A_1081 = vector.shape_cast %swap3A_1080 : vector<1x16xi32> to vector<16xi32>
        %swap3A_1082 = vector.shape_cast %add3A_1077 : vector<16xi32> to vector<1x16xi32>
        tpu.vector_store %arg10[%swap3A_1078, %swap3A_1079], %swap3A_1082 {strides = array<i32>} : memref<3x128xi32, #tpu.memory_space<vmem>>, vector<1x16xi32>,
        %dma_start3A_1083 = arith.constant 0 : i32
        %dma_start3A_1084 = arith.constant 0 : i32
        %dma_start3A_1085 = tpu.memref_slice %arg12[%sub3A_732, %dma_start3A_1083, %dma_start3A_1084] : memref<2x128x128xf32, #tpu.memory_space<vmem>> -> memref<1x128x128xf32, #tpu.memory_space<vmem>>
        %dma_start3A_1086 = tpu.memref_squeeze %dma_start3A_1085 : memref<1x128x128xf32, #tpu.memory_space<vmem>> -> memref<128x128xf32, #tpu.memory_space<vmem>>
        %dma_start3A_1087 = arith.constant 0 : i32
        %dma_start3A_1088 = tpu.memref_slice %arg9[%sub3A_732, %dma_start3A_1087] : memref<2x128xi32, #tpu.memory_space<vmem>> -> memref<1x128xi32, #tpu.memory_space<vmem>>
        %dma_start3A_1089 = tpu.memref_squeeze %dma_start3A_1088 : memref<1x128xi32, #tpu.memory_space<vmem>> -> memref<128xi32, #tpu.memory_space<vmem>>
        %dma_start3A_1090 = arith.constant 0 : i32
        %dma_start3A_1091 = arith.constant 0 : i32
        %dma_start3A_1092 = tpu.memref_slice %arg2[%dma_start3A_1090, %dma_start3A_1091] : memref<30720x128xf32, #tpu.memory_space<hbm>> -> memref<30720x128xf32, #tpu.memory_space<hbm>>
        tpu.enqueue_indirect_dma source(%dma_start3A_1092 : memref<30720x128xf32, #tpu.memory_space<hbm>>) target(%dma_start3A_1086 : memref<128x128xf32, #tpu.memory_space<vmem>>) offsets(%dma_start3A_1089 : memref<128xi32, #tpu.memory_space<vmem>>) semaphore(%arg17 : memref<!tpu.dma_semaphore, #tpu.memory_space<semaphore_mem>>)
      } else {
      }
      %dma_wait3A_757 = arith.constant 0 : i32
      %dma_wait3A_758 = arith.constant 0 : i32
      %dma_wait3A_759 = tpu.memref_slice %arg12[%rem3A_730, %dma_wait3A_757, %dma_wait3A_758] : memref<2x128x128xf32, #tpu.memory_space<vmem>> -> memref<1x128x128xf32, #tpu.memory_space<vmem>>
      %dma_wait3A_760 = tpu.memref_squeeze %dma_wait3A_759 : memref<1x128x128xf32, #tpu.memory_space<vmem>> -> memref<128x128xf32, #tpu.memory_space<vmem>>
      %dma_wait3A_761 = arith.constant 0 : i32
      %dma_wait3A_762 = arith.constant 0 : i32
      %dma_wait3A_763 = tpu.memref_slice %arg2[%dma_wait3A_761, %dma_wait3A_762] : memref<30720x128xf32, #tpu.memory_space<hbm>> -> memref<128x128xf32, #tpu.memory_space<hbm>>
      %dma_wait3A_764 = arith.constant 0 : i32
      %dma_wait3A_765 = arith.constant 0 : i32
      %dma_wait3A_766 = tpu.memref_slice %arg12[%rem3A_730, %dma_wait3A_764, %dma_wait3A_765] : memref<2x128x128xf32, #tpu.memory_space<vmem>> -> memref<1x128x128xf32, #tpu.memory_space<vmem>>
      %dma_wait3A_767 = tpu.memref_squeeze %dma_wait3A_766 : memref<1x128x128xf32, #tpu.memory_space<vmem>> -> memref<128x128xf32, #tpu.memory_space<vmem>>
      %dma_wait3A_768 = arith.constant 0 : i32
      %dma_wait3A_769 = arith.constant 0 : i32
      %dma_wait3A_770 = tpu.memref_slice %arg2[%dma_wait3A_768, %dma_wait3A_769] : memref<30720x128xf32, #tpu.memory_space<hbm>> -> memref<128x128xf32, #tpu.memory_space<hbm>>
      tpu.wait_dma2 semaphore(%arg17 : memref<!tpu.dma_semaphore, #tpu.memory_space<semaphore_mem>>) src(%dma_wait3A_770 : memref<128x128xf32, #tpu.memory_space<hbm>>) dst(%dma_wait3A_767 : memref<128x128xf32, #tpu.memory_space<vmem>>)
      %dma_start3A_771 = arith.constant 1 : i32
      %dma_start3A_772 = arith.constant 0 : i32
      %dma_start3A_773 = arith.constant 0 : i32
      %dma_start3A_774 = tpu.memref_slice %arg12[%rem3A_730, %dma_start3A_772, %dma_start3A_773] : memref<2x128x128xf32, #tpu.memory_space<vmem>> -> memref<1x128x128xf32, #tpu.memory_space<vmem>>
      %dma_start3A_775 = tpu.memref_squeeze %dma_start3A_774 : memref<1x128x128xf32, #tpu.memory_space<vmem>> -> memref<128x128xf32, #tpu.memory_space<vmem>>
      %dma_start3A_776 = arith.constant 0 : i32
      %dma_start3A_777 = tpu.memref_slice %arg7[%rem3A_734, %dma_start3A_771, %dma_start3A_776] : memref<3x2x128xi32, #tpu.memory_space<vmem>> -> memref<1x1x128xi32, #tpu.memory_space<vmem>>
      %dma_start3A_778 = tpu.memref_squeeze %dma_start3A_777 : memref<1x1x128xi32, #tpu.memory_space<vmem>> -> memref<128xi32, #tpu.memory_space<vmem>>
      %dma_start3A_779 = arith.constant 0 : i32
      %dma_start3A_780 = arith.constant 0 : i32
      %dma_start3A_781 = tpu.memref_slice %arg14[%dma_start3A_779, %dma_start3A_780] : memref<10240x128xf32, #tpu.memory_space<vmem_shared>> -> memref<10240x128xf32, #tpu.memory_space<vmem_shared>>
      tpu.enqueue_indirect_dma source(%dma_start3A_775 : memref<128x128xf32, #tpu.memory_space<vmem>>) target(%dma_start3A_781 : memref<10240x128xf32, #tpu.memory_space<vmem_shared>>) offsets(%dma_start3A_778 : memref<128xi32, #tpu.memory_space<vmem>>) semaphore(%arg18 : memref<!tpu.dma_semaphore, #tpu.memory_space<semaphore_mem>>) {add = true}
      %dma_start3A_782 = arith.constant 0 : i32
      %dma_start3A_783 = tpu.memref_slice %arg10[%rem3A_734, %dma_start3A_782] : memref<3x128xi32, #tpu.memory_space<vmem>> -> memref<1x128xi32, #tpu.memory_space<vmem>>
      %dma_start3A_784 = tpu.memref_squeeze %dma_start3A_783 : memref<1x128xi32, #tpu.memory_space<vmem>> -> memref<128xi32, #tpu.memory_space<vmem>>
      %dma_start3A_785 = arith.constant 0 : i32
      %dma_start3A_786 = tpu.memref_slice %arg15[%dma_start3A_785] : memref<30720xf32, #tpu.memory_space<vmem_shared>> -> memref<30720xf32, #tpu.memory_space<vmem_shared>>
      tpu.enqueue_indirect_dma source(%arg11 : memref<128xf32, #tpu.memory_space<vmem>>) target(%dma_start3A_786 : memref<30720xf32, #tpu.memory_space<vmem_shared>>) offsets(%dma_start3A_784 : memref<128xi32, #tpu.memory_space<vmem>>) semaphore(%arg18 : memref<!tpu.dma_semaphore, #tpu.memory_space<semaphore_mem>>) {add = true}
    }
    %while3A_505 = arith.constant 1 : i32
    scf.for %while3A_728 = %while3A_503 to %while3A_499 step %while3A_505  : i32 {
      %rem3A_729 = arith.constant 2 : i32
      %rem3A_730 = arith.remsi %while3A_728, %rem3A_729 : i32
      %sub3A_731 = arith.constant 1 : i32
      %sub3A_732 = arith.subi %sub3A_731, %rem3A_730 : i32
      %rem3A_733 = arith.constant 3 : i32
      %rem3A_734 = arith.remsi %while3A_728, %rem3A_733 : i32
      %add3A_735 = arith.constant 1 : i32
      %add3A_736 = arith.addi %while3A_728, %add3A_735 : i32
      %rem3A_737 = arith.constant 3 : i32
      %rem3A_738 = arith.remsi %add3A_736, %rem3A_737 : i32
      %add3A_739 = arith.constant 2 : i32
      %add3A_740 = arith.addi %while3A_728, %add3A_739 : i32
      %rem3A_741 = arith.constant 3 : i32
      %rem3A_742 = arith.remsi %add3A_740, %rem3A_741 : i32
      %add3A_743 = arith.constant 1 : i32
      %add3A_744 = arith.addi %while3A_728, %add3A_743 : i32
      %lt3A_745 = arith.cmpi slt, %add3A_744, %add3A_4 : i32
      %add3A_746 = arith.constant 2 : i32
      %add3A_747 = arith.addi %while3A_728, %add3A_746 : i32
      %lt3A_748 = arith.cmpi slt, %add3A_747, %add3A_4 : i32
      %gt3A = arith.constant 0 : i32
      %gt3A_749 = arith.cmpi sgt, %while3A_728, %gt3A : i32
      %convert_element_type3A = arith.extui %gt3A_749 : i1 to i32
      %cond3A = arith.constant 0 : i32
      %cond3A_750 = arith.cmpi ne, %convert_element_type3A, %cond3A : i32
      scf.if %cond3A_750 {
        %dma_wait3A_787 = arith.constant 1 : i32
        %dma_wait3A_788 = arith.constant 0 : i32
        %dma_wait3A_789 = arith.constant 0 : i32
        %dma_wait3A_790 = tpu.memref_slice %arg12[%sub3A_732, %dma_wait3A_788, %dma_wait3A_789] : memref<2x128x128xf32, #tpu.memory_space<vmem>> -> memref<1x128x128xf32, #tpu.memory_space<vmem>>
        %dma_wait3A_791 = tpu.memref_squeeze %dma_wait3A_790 : memref<1x128x128xf32, #tpu.memory_space<vmem>> -> memref<128x128xf32, #tpu.memory_space<vmem>>
        %dma_wait3A_792 = arith.constant 0 : i32
        %dma_wait3A_793 = tpu.memref_slice %arg7[%rem3A_742, %dma_wait3A_787, %dma_wait3A_792] : memref<3x2x128xi32, #tpu.memory_space<vmem>> -> memref<1x1x128xi32, #tpu.memory_space<vmem>>
        %dma_wait3A_794 = tpu.memref_squeeze %dma_wait3A_793 : memref<1x1x128xi32, #tpu.memory_space<vmem>> -> memref<128xi32, #tpu.memory_space<vmem>>
        %dma_wait3A_795 = arith.constant 0 : i32
        %dma_wait3A_796 = arith.constant 0 : i32
        %dma_wait3A_797 = tpu.memref_slice %arg14[%dma_wait3A_795, %dma_wait3A_796] : memref<10240x128xf32, #tpu.memory_space<vmem_shared>> -> memref<10240x128xf32, #tpu.memory_space<vmem_shared>>
        tpu.wait_indirect_dma semaphore(%arg18 : memref<!tpu.dma_semaphore, #tpu.memory_space<semaphore_mem>>) src(%dma_wait3A_791 : memref<128x128xf32, #tpu.memory_space<vmem>>) dst(%dma_wait3A_797 : memref<10240x128xf32, #tpu.memory_space<vmem_shared>>)
        %dma_wait3A_798 = arith.constant 0 : i32
        %dma_wait3A_799 = tpu.memref_slice %arg10[%rem3A_742, %dma_wait3A_798] : memref<3x128xi32, #tpu.memory_space<vmem>> -> memref<1x128xi32, #tpu.memory_space<vmem>>
        %dma_wait3A_800 = tpu.memref_squeeze %dma_wait3A_799 : memref<1x128xi32, #tpu.memory_space<vmem>> -> memref<128xi32, #tpu.memory_space<vmem>>
        %dma_wait3A_801 = arith.constant 0 : i32
        %dma_wait3A_802 = tpu.memref_slice %arg15[%dma_wait3A_801] : memref<30720xf32, #tpu.memory_space<vmem_shared>> -> memref<30720xf32, #tpu.memory_space<vmem_shared>>
        tpu.wait_indirect_dma semaphore(%arg18 : memref<!tpu.dma_semaphore, #tpu.memory_space<semaphore_mem>>) src(%arg11 : memref<128xf32, #tpu.memory_space<vmem>>) dst(%dma_wait3A_802 : memref<30720xf32, #tpu.memory_space<vmem_shared>>)
      } else {
      }
      %convert_element_type3A_751 = arith.extui %lt3A_748 : i1 to i32
      %cond3A_752 = arith.constant 0 : i32
      %cond3A_753 = arith.cmpi ne, %convert_element_type3A_751, %cond3A_752 : i32
      scf.if %cond3A_753 {
        %add3A_787 = arith.constant 2 : i32
        %add3A_788 = arith.addi %while3A_728, %add3A_787 : i32
        %mul3A_789 = arith.constant 32 : i32
        %mul3A_790 = arith.muli %add3A_788, %mul3A_789 : i32
        %add3A_791 = arith.addi %mul3A_790, %add3A : i32
        %mul3A_792 = arith.constant 128 : i32
        %mul3A_793 = arith.muli %add3A_791, %mul3A_792 : i32
        %dma_start3A_794 = arith.constant 0 : i32
        %dma_start3A_795 = arith.constant 0 : i32
        %dma_start3A_796 = tpu.memref_slice %arg7[%rem3A_742, %dma_start3A_794, %dma_start3A_795] : memref<3x2x128xi32, #tpu.memory_space<vmem>> -> memref<1x2x128xi32, #tpu.memory_space<vmem>>
        %dma_start3A_797 = tpu.memref_squeeze %dma_start3A_796 : memref<1x2x128xi32, #tpu.memory_space<vmem>> -> memref<2x128xi32, #tpu.memory_space<vmem>>
        %dma_start3A_798 = arith.constant 0 : i32
        %dma_start3A_799 = tpu.memref_slice %arg3[%dma_start3A_798, %mul3A_793] : memref<2x320000xi32, #tpu.memory_space<hbm>> -> memref<2x128xi32, #tpu.memory_space<hbm>>
        %dma_start3A_800 = arith.constant 0 : i32
        %dma_start3A_801 = arith.constant 0 : i32
        %dma_start3A_802 = tpu.memref_slice %arg7[%rem3A_742, %dma_start3A_800, %dma_start3A_801] : memref<3x2x128xi32, #tpu.memory_space<vmem>> -> memref<1x2x128xi32, #tpu.memory_space<vmem>>
        %dma_start3A_803 = tpu.memref_squeeze %dma_start3A_802 : memref<1x2x128xi32, #tpu.memory_space<vmem>> -> memref<2x128xi32, #tpu.memory_space<vmem>>
        %dma_start3A_804 = arith.constant 0 : i32
        %dma_start3A_805 = tpu.memref_slice %arg3[%dma_start3A_804, %mul3A_793] : memref<2x320000xi32, #tpu.memory_space<hbm>> -> memref<2x128xi32, #tpu.memory_space<hbm>>
        tpu.enqueue_dma source(%dma_start3A_805 : memref<2x128xi32, #tpu.memory_space<hbm>>) target(%dma_start3A_803 : memref<2x128xi32, #tpu.memory_space<vmem>>) target_semaphore(%arg16 : memref<!tpu.dma_semaphore, #tpu.memory_space<semaphore_mem>>)
        %dma_start3A_806 = arith.constant 0 : i32
        %dma_start3A_807 = tpu.memref_slice %arg8[%rem3A_742, %dma_start3A_806] : memref<3x128xi32, #tpu.memory_space<vmem>> -> memref<1x128xi32, #tpu.memory_space<vmem>>
        %dma_start3A_808 = tpu.memref_squeeze %dma_start3A_807 : memref<1x128xi32, #tpu.memory_space<vmem>> -> memref<128xi32, #tpu.memory_space<vmem>>
        %dma_start3A_809 = tpu.memref_slice %arg4[%mul3A_793] : memref<320000xi32, #tpu.memory_space<hbm>> -> memref<128xi32, #tpu.memory_space<hbm>>
        %dma_start3A_810 = arith.constant 0 : i32
        %dma_start3A_811 = tpu.memref_slice %arg8[%rem3A_742, %dma_start3A_810] : memref<3x128xi32, #tpu.memory_space<vmem>> -> memref<1x128xi32, #tpu.memory_space<vmem>>
        %dma_start3A_812 = tpu.memref_squeeze %dma_start3A_811 : memref<1x128xi32, #tpu.memory_space<vmem>> -> memref<128xi32, #tpu.memory_space<vmem>>
        %dma_start3A_813 = tpu.memref_slice %arg4[%mul3A_793] : memref<320000xi32, #tpu.memory_space<hbm>> -> memref<128xi32, #tpu.memory_space<hbm>>
        tpu.enqueue_dma source(%dma_start3A_813 : memref<128xi32, #tpu.memory_space<hbm>>) target(%dma_start3A_812 : memref<128xi32, #tpu.memory_space<vmem>>) target_semaphore(%arg16 : memref<!tpu.dma_semaphore, #tpu.memory_space<semaphore_mem>>)
      } else {
      }
      %convert_element_type3A_754 = arith.extui %lt3A_745 : i1 to i32
      %cond3A_755 = arith.constant 0 : i32
      %cond3A_756 = arith.cmpi ne, %convert_element_type3A_754, %cond3A_755 : i32
      scf.if %cond3A_756 {
        %dma_wait3A_787 = arith.constant 0 : i32
        %dma_wait3A_788 = arith.constant 0 : i32
        %dma_wait3A_789 = tpu.memref_slice %arg7[%rem3A_738, %dma_wait3A_787, %dma_wait3A_788] : memref<3x2x128xi32, #tpu.memory_space<vmem>> -> memref<1x2x128xi32, #tpu.memory_space<vmem>>
        %dma_wait3A_790 = tpu.memref_squeeze %dma_wait3A_789 : memref<1x2x128xi32, #tpu.memory_space<vmem>> -> memref<2x128xi32, #tpu.memory_space<vmem>>
        %dma_wait3A_791 = arith.constant 0 : i32
        %dma_wait3A_792 = arith.constant 0 : i32
        %dma_wait3A_793 = tpu.memref_slice %arg3[%dma_wait3A_791, %dma_wait3A_792] : memref<2x320000xi32, #tpu.memory_space<hbm>> -> memref<2x128xi32, #tpu.memory_space<hbm>>
        %dma_wait3A_794 = arith.constant 0 : i32
        %dma_wait3A_795 = arith.constant 0 : i32
        %dma_wait3A_796 = tpu.memref_slice %arg7[%rem3A_738, %dma_wait3A_794, %dma_wait3A_795] : memref<3x2x128xi32, #tpu.memory_space<vmem>> -> memref<1x2x128xi32, #tpu.memory_space<vmem>>
        %dma_wait3A_797 = tpu.memref_squeeze %dma_wait3A_796 : memref<1x2x128xi32, #tpu.memory_space<vmem>> -> memref<2x128xi32, #tpu.memory_space<vmem>>
        %dma_wait3A_798 = arith.constant 0 : i32
        %dma_wait3A_799 = arith.constant 0 : i32
        %dma_wait3A_800 = tpu.memref_slice %arg3[%dma_wait3A_798, %dma_wait3A_799] : memref<2x320000xi32, #tpu.memory_space<hbm>> -> memref<2x128xi32, #tpu.memory_space<hbm>>
        tpu.wait_dma2 semaphore(%arg16 : memref<!tpu.dma_semaphore, #tpu.memory_space<semaphore_mem>>) src(%dma_wait3A_800 : memref<2x128xi32, #tpu.memory_space<hbm>>) dst(%dma_wait3A_797 : memref<2x128xi32, #tpu.memory_space<vmem>>)
        %dma_wait3A_801 = arith.constant 0 : i32
        %dma_wait3A_802 = tpu.memref_slice %arg8[%rem3A_738, %dma_wait3A_801] : memref<3x128xi32, #tpu.memory_space<vmem>> -> memref<1x128xi32, #tpu.memory_space<vmem>>
        %dma_wait3A_803 = tpu.memref_squeeze %dma_wait3A_802 : memref<1x128xi32, #tpu.memory_space<vmem>> -> memref<128xi32, #tpu.memory_space<vmem>>
        %dma_wait3A_804 = arith.constant 0 : i32
        %dma_wait3A_805 = tpu.memref_slice %arg4[%dma_wait3A_804] : memref<320000xi32, #tpu.memory_space<hbm>> -> memref<128xi32, #tpu.memory_space<hbm>>
        %dma_wait3A_806 = arith.constant 0 : i32
        %dma_wait3A_807 = tpu.memref_slice %arg8[%rem3A_738, %dma_wait3A_806] : memref<3x128xi32, #tpu.memory_space<vmem>> -> memref<1x128xi32, #tpu.memory_space<vmem>>
        %dma_wait3A_808 = tpu.memref_squeeze %dma_wait3A_807 : memref<1x128xi32, #tpu.memory_space<vmem>> -> memref<128xi32, #tpu.memory_space<vmem>>
        %dma_wait3A_809 = arith.constant 0 : i32
        %dma_wait3A_810 = tpu.memref_slice %arg4[%dma_wait3A_809] : memref<320000xi32, #tpu.memory_space<hbm>> -> memref<128xi32, #tpu.memory_space<hbm>>
        tpu.wait_dma2 semaphore(%arg16 : memref<!tpu.dma_semaphore, #tpu.memory_space<semaphore_mem>>) src(%dma_wait3A_810 : memref<128xi32, #tpu.memory_space<hbm>>) dst(%dma_wait3A_808 : memref<128xi32, #tpu.memory_space<vmem>>)
        %get3A_811 = arith.constant 0 : i32
        %get3A_812 = arith.index_cast %rem3A_738 : i32 to index
        %get3A_813 = arith.index_cast %get3A_811 : i32 to index
        %get3A_814 = arith.constant 0 : index
        %get3A_815 = tpu.vector_load %arg7[%get3A_812, %get3A_813, %get3A_814] {strides = array<i32>} : memref<3x2x128xi32, #tpu.memory_space<vmem>>, vector<1x1x16xi32>,
        %get3A_816 = vector.shape_cast %get3A_815 : vector<1x1x16xi32> to vector<16xi32>
        %get3A_817 = arith.constant 1 : i32
        %get3A_818 = arith.index_cast %rem3A_738 : i32 to index
        %get3A_819 = arith.index_cast %get3A_817 : i32 to index
        %get3A_820 = arith.constant 0 : index
        %get3A_821 = tpu.vector_load %arg7[%get3A_818, %get3A_819, %get3A_820] {strides = array<i32>} : memref<3x2x128xi32, #tpu.memory_space<vmem>>, vector<1x1x16xi32>,
        %get3A_822 = vector.shape_cast %get3A_821 : vector<1x1x16xi32> to vector<16xi32>
        %get3A_823 = arith.index_cast %rem3A_738 : i32 to index
        %get3A_824 = arith.constant 0 : index
        %get3A_825 = tpu.vector_load %arg8[%get3A_823, %get3A_824] {strides = array<i32>} : memref<3x128xi32, #tpu.memory_space<vmem>>, vector<1x16xi32>,
        %get3A_826 = vector.shape_cast %get3A_825 : vector<1x16xi32> to vector<16xi32>
        %mul3A_827 = arith.constant 10240 : i32
        %mul3A_828 = vector.broadcast %mul3A_827 : i32 to vector<16xi32>
        %mul3A_829 = arith.muli %get3A_826, %mul3A_828 : vector<16xi32>
        %add3A_830 = arith.addi %mul3A_829, %get3A_816 : vector<16xi32>
        %swap3A_831 = arith.index_cast %sub3A_732 : i32 to index
        %swap3A_832 = arith.constant 0 : index
        %swap3A_833 = tpu.vector_load %arg9[%swap3A_831, %swap3A_832] {strides = array<i32>} : memref<2x128xi32, #tpu.memory_space<vmem>>, vector<1x16xi32>,
        %swap3A_834 = vector.shape_cast %swap3A_833 : vector<1x16xi32> to vector<16xi32>
        %swap3A_835 = vector.shape_cast %add3A_830 : vector<16xi32> to vector<1x16xi32>
        tpu.vector_store %arg9[%swap3A_831, %swap3A_832], %swap3A_835 {strides = array<i32>} : memref<2x128xi32, #tpu.memory_space<vmem>>, vector<1x16xi32>,
        %mul3A_836 = arith.constant 10240 : i32
        %mul3A_837 = vector.broadcast %mul3A_836 : i32 to vector<16xi32>
        %mul3A_838 = arith.muli %get3A_826, %mul3A_837 : vector<16xi32>
        %add3A_839 = arith.addi %mul3A_838, %get3A_822 : vector<16xi32>
        %swap3A_840 = arith.index_cast %rem3A_738 : i32 to index
        %swap3A_841 = arith.constant 0 : index
        %swap3A_842 = tpu.vector_load %arg10[%swap3A_840, %swap3A_841] {strides = array<i32>} : memref<3x128xi32, #tpu.memory_space<vmem>>, vector<1x16xi32>,
        %swap3A_843 = vector.shape_cast %swap3A_842 : vector<1x16xi32> to vector<16xi32>
        %swap3A_844 = vector.shape_cast %add3A_839 : vector<16xi32> to vector<1x16xi32>
        tpu.vector_store %arg10[%swap3A_840, %swap3A_841], %swap3A_844 {strides = array<i32>} : memref<3x128xi32, #tpu.memory_space<vmem>>, vector<1x16xi32>,
        %get3A_845 = arith.constant 0 : i32
        %get3A_846 = arith.index_cast %rem3A_738 : i32 to index
        %get3A_847 = arith.index_cast %get3A_845 : i32 to index
        %get3A_848 = arith.constant 16 : index
        %get3A_849 = tpu.vector_load %arg7[%get3A_846, %get3A_847, %get3A_848] {strides = array<i32>} : memref<3x2x128xi32, #tpu.memory_space<vmem>>, vector<1x1x16xi32>,
        %get3A_850 = vector.shape_cast %get3A_849 : vector<1x1x16xi32> to vector<16xi32>
        %get3A_851 = arith.constant 1 : i32
        %get3A_852 = arith.index_cast %rem3A_738 : i32 to index
        %get3A_853 = arith.index_cast %get3A_851 : i32 to index
        %get3A_854 = arith.constant 16 : index
        %get3A_855 = tpu.vector_load %arg7[%get3A_852, %get3A_853, %get3A_854] {strides = array<i32>} : memref<3x2x128xi32, #tpu.memory_space<vmem>>, vector<1x1x16xi32>,
        %get3A_856 = vector.shape_cast %get3A_855 : vector<1x1x16xi32> to vector<16xi32>
        %get3A_857 = arith.index_cast %rem3A_738 : i32 to index
        %get3A_858 = arith.constant 16 : index
        %get3A_859 = tpu.vector_load %arg8[%get3A_857, %get3A_858] {strides = array<i32>} : memref<3x128xi32, #tpu.memory_space<vmem>>, vector<1x16xi32>,
        %get3A_860 = vector.shape_cast %get3A_859 : vector<1x16xi32> to vector<16xi32>
        %mul3A_861 = arith.constant 10240 : i32
        %mul3A_862 = vector.broadcast %mul3A_861 : i32 to vector<16xi32>
        %mul3A_863 = arith.muli %get3A_860, %mul3A_862 : vector<16xi32>
        %add3A_864 = arith.addi %mul3A_863, %get3A_850 : vector<16xi32>
        %swap3A_865 = arith.index_cast %sub3A_732 : i32 to index
        %swap3A_866 = arith.constant 16 : index
        %swap3A_867 = tpu.vector_load %arg9[%swap3A_865, %swap3A_866] {strides = array<i32>} : memref<2x128xi32, #tpu.memory_space<vmem>>, vector<1x16xi32>,
        %swap3A_868 = vector.shape_cast %swap3A_867 : vector<1x16xi32> to vector<16xi32>
        %swap3A_869 = vector.shape_cast %add3A_864 : vector<16xi32> to vector<1x16xi32>
        tpu.vector_store %arg9[%swap3A_865, %swap3A_866], %swap3A_869 {strides = array<i32>} : memref<2x128xi32, #tpu.memory_space<vmem>>, vector<1x16xi32>,
        %mul3A_870 = arith.constant 10240 : i32
        %mul3A_871 = vector.broadcast %mul3A_870 : i32 to vector<16xi32>
        %mul3A_872 = arith.muli %get3A_860, %mul3A_871 : vector<16xi32>
        %add3A_873 = arith.addi %mul3A_872, %get3A_856 : vector<16xi32>
        %swap3A_874 = arith.index_cast %rem3A_738 : i32 to index
        %swap3A_875 = arith.constant 16 : index
        %swap3A_876 = tpu.vector_load %arg10[%swap3A_874, %swap3A_875] {strides = array<i32>} : memref<3x128xi32, #tpu.memory_space<vmem>>, vector<1x16xi32>,
        %swap3A_877 = vector.shape_cast %swap3A_876 : vector<1x16xi32> to vector<16xi32>
        %swap3A_878 = vector.shape_cast %add3A_873 : vector<16xi32> to vector<1x16xi32>
        tpu.vector_store %arg10[%swap3A_874, %swap3A_875], %swap3A_878 {strides = array<i32>} : memref<3x128xi32, #tpu.memory_space<vmem>>, vector<1x16xi32>,
        %get3A_879 = arith.constant 0 : i32
        %get3A_880 = arith.index_cast %rem3A_738 : i32 to index
        %get3A_881 = arith.index_cast %get3A_879 : i32 to index
        %get3A_882 = arith.constant 32 : index
        %get3A_883 = tpu.vector_load %arg7[%get3A_880, %get3A_881, %get3A_882] {strides = array<i32>} : memref<3x2x128xi32, #tpu.memory_space<vmem>>, vector<1x1x16xi32>,
        %get3A_884 = vector.shape_cast %get3A_883 : vector<1x1x16xi32> to vector<16xi32>
        %get3A_885 = arith.constant 1 : i32
        %get3A_886 = arith.index_cast %rem3A_738 : i32 to index
        %get3A_887 = arith.index_cast %get3A_885 : i32 to index
        %get3A_888 = arith.constant 32 : index
        %get3A_889 = tpu.vector_load %arg7[%get3A_886, %get3A_887, %get3A_888] {strides = array<i32>} : memref<3x2x128xi32, #tpu.memory_space<vmem>>, vector<1x1x16xi32>,
        %get3A_890 = vector.shape_cast %get3A_889 : vector<1x1x16xi32> to vector<16xi32>
        %get3A_891 = arith.index_cast %rem3A_738 : i32 to index
        %get3A_892 = arith.constant 32 : index
        %get3A_893 = tpu.vector_load %arg8[%get3A_891, %get3A_892] {strides = array<i32>} : memref<3x128xi32, #tpu.memory_space<vmem>>, vector<1x16xi32>,
        %get3A_894 = vector.shape_cast %get3A_893 : vector<1x16xi32> to vector<16xi32>
        %mul3A_895 = arith.constant 10240 : i32
        %mul3A_896 = vector.broadcast %mul3A_895 : i32 to vector<16xi32>
        %mul3A_897 = arith.muli %get3A_894, %mul3A_896 : vector<16xi32>
        %add3A_898 = arith.addi %mul3A_897, %get3A_884 : vector<16xi32>
        %swap3A_899 = arith.index_cast %sub3A_732 : i32 to index
        %swap3A_900 = arith.constant 32 : index
        %swap3A_901 = tpu.vector_load %arg9[%swap3A_899, %swap3A_900] {strides = array<i32>} : memref<2x128xi32, #tpu.memory_space<vmem>>, vector<1x16xi32>,
        %swap3A_902 = vector.shape_cast %swap3A_901 : vector<1x16xi32> to vector<16xi32>
        %swap3A_903 = vector.shape_cast %add3A_898 : vector<16xi32> to vector<1x16xi32>
        tpu.vector_store %arg9[%swap3A_899, %swap3A_900], %swap3A_903 {strides = array<i32>} : memref<2x128xi32, #tpu.memory_space<vmem>>, vector<1x16xi32>,
        %mul3A_904 = arith.constant 10240 : i32
        %mul3A_905 = vector.broadcast %mul3A_904 : i32 to vector<16xi32>
        %mul3A_906 = arith.muli %get3A_894, %mul3A_905 : vector<16xi32>
        %add3A_907 = arith.addi %mul3A_906, %get3A_890 : vector<16xi32>
        %swap3A_908 = arith.index_cast %rem3A_738 : i32 to index
        %swap3A_909 = arith.constant 32 : index
        %swap3A_910 = tpu.vector_load %arg10[%swap3A_908, %swap3A_909] {strides = array<i32>} : memref<3x128xi32, #tpu.memory_space<vmem>>, vector<1x16xi32>,
        %swap3A_911 = vector.shape_cast %swap3A_910 : vector<1x16xi32> to vector<16xi32>
        %swap3A_912 = vector.shape_cast %add3A_907 : vector<16xi32> to vector<1x16xi32>
        tpu.vector_store %arg10[%swap3A_908, %swap3A_909], %swap3A_912 {strides = array<i32>} : memref<3x128xi32, #tpu.memory_space<vmem>>, vector<1x16xi32>,
        %get3A_913 = arith.constant 0 : i32
        %get3A_914 = arith.index_cast %rem3A_738 : i32 to index
        %get3A_915 = arith.index_cast %get3A_913 : i32 to index
        %get3A_916 = arith.constant 48 : index
        %get3A_917 = tpu.vector_load %arg7[%get3A_914, %get3A_915, %get3A_916] {strides = array<i32>} : memref<3x2x128xi32, #tpu.memory_space<vmem>>, vector<1x1x16xi32>,
        %get3A_918 = vector.shape_cast %get3A_917 : vector<1x1x16xi32> to vector<16xi32>
        %get3A_919 = arith.constant 1 : i32
        %get3A_920 = arith.index_cast %rem3A_738 : i32 to index
        %get3A_921 = arith.index_cast %get3A_919 : i32 to index
        %get3A_922 = arith.constant 48 : index
        %get3A_923 = tpu.vector_load %arg7[%get3A_920, %get3A_921, %get3A_922] {strides = array<i32>} : memref<3x2x128xi32, #tpu.memory_space<vmem>>, vector<1x1x16xi32>,
        %get3A_924 = vector.shape_cast %get3A_923 : vector<1x1x16xi32> to vector<16xi32>
        %get3A_925 = arith.index_cast %rem3A_738 : i32 to index
        %get3A_926 = arith.constant 48 : index
        %get3A_927 = tpu.vector_load %arg8[%get3A_925, %get3A_926] {strides = array<i32>} : memref<3x128xi32, #tpu.memory_space<vmem>>, vector<1x16xi32>,
        %get3A_928 = vector.shape_cast %get3A_927 : vector<1x16xi32> to vector<16xi32>
        %mul3A_929 = arith.constant 10240 : i32
        %mul3A_930 = vector.broadcast %mul3A_929 : i32 to vector<16xi32>
        %mul3A_931 = arith.muli %get3A_928, %mul3A_930 : vector<16xi32>
        %add3A_932 = arith.addi %mul3A_931, %get3A_918 : vector<16xi32>
        %swap3A_933 = arith.index_cast %sub3A_732 : i32 to index
        %swap3A_934 = arith.constant 48 : index
        %swap3A_935 = tpu.vector_load %arg9[%swap3A_933, %swap3A_934] {strides = array<i32>} : memref<2x128xi32, #tpu.memory_space<vmem>>, vector<1x16xi32>,
        %swap3A_936 = vector.shape_cast %swap3A_935 : vector<1x16xi32> to vector<16xi32>
        %swap3A_937 = vector.shape_cast %add3A_932 : vector<16xi32> to vector<1x16xi32>
        tpu.vector_store %arg9[%swap3A_933, %swap3A_934], %swap3A_937 {strides = array<i32>} : memref<2x128xi32, #tpu.memory_space<vmem>>, vector<1x16xi32>,
        %mul3A_938 = arith.constant 10240 : i32
        %mul3A_939 = vector.broadcast %mul3A_938 : i32 to vector<16xi32>
        %mul3A_940 = arith.muli %get3A_928, %mul3A_939 : vector<16xi32>
        %add3A_941 = arith.addi %mul3A_940, %get3A_924 : vector<16xi32>
        %swap3A_942 = arith.index_cast %rem3A_738 : i32 to index
        %swap3A_943 = arith.constant 48 : index
        %swap3A_944 = tpu.vector_load %arg10[%swap3A_942, %swap3A_943] {strides = array<i32>} : memref<3x128xi32, #tpu.memory_space<vmem>>, vector<1x16xi32>,
        %swap3A_945 = vector.shape_cast %swap3A_944 : vector<1x16xi32> to vector<16xi32>
        %swap3A_946 = vector.shape_cast %add3A_941 : vector<16xi32> to vector<1x16xi32>
        tpu.vector_store %arg10[%swap3A_942, %swap3A_943], %swap3A_946 {strides = array<i32>} : memref<3x128xi32, #tpu.memory_space<vmem>>, vector<1x16xi32>,
        %get3A_947 = arith.constant 0 : i32
        %get3A_948 = arith.index_cast %rem3A_738 : i32 to index
        %get3A_949 = arith.index_cast %get3A_947 : i32 to index
        %get3A_950 = arith.constant 64 : index
        %get3A_951 = tpu.vector_load %arg7[%get3A_948, %get3A_949, %get3A_950] {strides = array<i32>} : memref<3x2x128xi32, #tpu.memory_space<vmem>>, vector<1x1x16xi32>,
        %get3A_952 = vector.shape_cast %get3A_951 : vector<1x1x16xi32> to vector<16xi32>
        %get3A_953 = arith.constant 1 : i32
        %get3A_954 = arith.index_cast %rem3A_738 : i32 to index
        %get3A_955 = arith.index_cast %get3A_953 : i32 to index
        %get3A_956 = arith.constant 64 : index
        %get3A_957 = tpu.vector_load %arg7[%get3A_954, %get3A_955, %get3A_956] {strides = array<i32>} : memref<3x2x128xi32, #tpu.memory_space<vmem>>, vector<1x1x16xi32>,
        %get3A_958 = vector.shape_cast %get3A_957 : vector<1x1x16xi32> to vector<16xi32>
        %get3A_959 = arith.index_cast %rem3A_738 : i32 to index
        %get3A_960 = arith.constant 64 : index
        %get3A_961 = tpu.vector_load %arg8[%get3A_959, %get3A_960] {strides = array<i32>} : memref<3x128xi32, #tpu.memory_space<vmem>>, vector<1x16xi32>,
        %get3A_962 = vector.shape_cast %get3A_961 : vector<1x16xi32> to vector<16xi32>
        %mul3A_963 = arith.constant 10240 : i32
        %mul3A_964 = vector.broadcast %mul3A_963 : i32 to vector<16xi32>
        %mul3A_965 = arith.muli %get3A_962, %mul3A_964 : vector<16xi32>
        %add3A_966 = arith.addi %mul3A_965, %get3A_952 : vector<16xi32>
        %swap3A_967 = arith.index_cast %sub3A_732 : i32 to index
        %swap3A_968 = arith.constant 64 : index
        %swap3A_969 = tpu.vector_load %arg9[%swap3A_967, %swap3A_968] {strides = array<i32>} : memref<2x128xi32, #tpu.memory_space<vmem>>, vector<1x16xi32>,
        %swap3A_970 = vector.shape_cast %swap3A_969 : vector<1x16xi32> to vector<16xi32>
        %swap3A_971 = vector.shape_cast %add3A_966 : vector<16xi32> to vector<1x16xi32>
        tpu.vector_store %arg9[%swap3A_967, %swap3A_968], %swap3A_971 {strides = array<i32>} : memref<2x128xi32, #tpu.memory_space<vmem>>, vector<1x16xi32>,
        %mul3A_972 = arith.constant 10240 : i32
        %mul3A_973 = vector.broadcast %mul3A_972 : i32 to vector<16xi32>
        %mul3A_974 = arith.muli %get3A_962, %mul3A_973 : vector<16xi32>
        %add3A_975 = arith.addi %mul3A_974, %get3A_958 : vector<16xi32>
        %swap3A_976 = arith.index_cast %rem3A_738 : i32 to index
        %swap3A_977 = arith.constant 64 : index
        %swap3A_978 = tpu.vector_load %arg10[%swap3A_976, %swap3A_977] {strides = array<i32>} : memref<3x128xi32, #tpu.memory_space<vmem>>, vector<1x16xi32>,
        %swap3A_979 = vector.shape_cast %swap3A_978 : vector<1x16xi32> to vector<16xi32>
        %swap3A_980 = vector.shape_cast %add3A_975 : vector<16xi32> to vector<1x16xi32>
        tpu.vector_store %arg10[%swap3A_976, %swap3A_977], %swap3A_980 {strides = array<i32>} : memref<3x128xi32, #tpu.memory_space<vmem>>, vector<1x16xi32>,
        %get3A_981 = arith.constant 0 : i32
        %get3A_982 = arith.index_cast %rem3A_738 : i32 to index
        %get3A_983 = arith.index_cast %get3A_981 : i32 to index
        %get3A_984 = arith.constant 80 : index
        %get3A_985 = tpu.vector_load %arg7[%get3A_982, %get3A_983, %get3A_984] {strides = array<i32>} : memref<3x2x128xi32, #tpu.memory_space<vmem>>, vector<1x1x16xi32>,
        %get3A_986 = vector.shape_cast %get3A_985 : vector<1x1x16xi32> to vector<16xi32>
        %get3A_987 = arith.constant 1 : i32
        %get3A_988 = arith.index_cast %rem3A_738 : i32 to index
        %get3A_989 = arith.index_cast %get3A_987 : i32 to index
        %get3A_990 = arith.constant 80 : index
        %get3A_991 = tpu.vector_load %arg7[%get3A_988, %get3A_989, %get3A_990] {strides = array<i32>} : memref<3x2x128xi32, #tpu.memory_space<vmem>>, vector<1x1x16xi32>,
        %get3A_992 = vector.shape_cast %get3A_991 : vector<1x1x16xi32> to vector<16xi32>
        %get3A_993 = arith.index_cast %rem3A_738 : i32 to index
        %get3A_994 = arith.constant 80 : index
        %get3A_995 = tpu.vector_load %arg8[%get3A_993, %get3A_994] {strides = array<i32>} : memref<3x128xi32, #tpu.memory_space<vmem>>, vector<1x16xi32>,
        %get3A_996 = vector.shape_cast %get3A_995 : vector<1x16xi32> to vector<16xi32>
        %mul3A_997 = arith.constant 10240 : i32
        %mul3A_998 = vector.broadcast %mul3A_997 : i32 to vector<16xi32>
        %mul3A_999 = arith.muli %get3A_996, %mul3A_998 : vector<16xi32>
        %add3A_1000 = arith.addi %mul3A_999, %get3A_986 : vector<16xi32>
        %swap3A_1001 = arith.index_cast %sub3A_732 : i32 to index
        %swap3A_1002 = arith.constant 80 : index
        %swap3A_1003 = tpu.vector_load %arg9[%swap3A_1001, %swap3A_1002] {strides = array<i32>} : memref<2x128xi32, #tpu.memory_space<vmem>>, vector<1x16xi32>,
        %swap3A_1004 = vector.shape_cast %swap3A_1003 : vector<1x16xi32> to vector<16xi32>
        %swap3A_1005 = vector.shape_cast %add3A_1000 : vector<16xi32> to vector<1x16xi32>
        tpu.vector_store %arg9[%swap3A_1001, %swap3A_1002], %swap3A_1005 {strides = array<i32>} : memref<2x128xi32, #tpu.memory_space<vmem>>, vector<1x16xi32>,
        %mul3A_1006 = arith.constant 10240 : i32
        %mul3A_1007 = vector.broadcast %mul3A_1006 : i32 to vector<16xi32>
        %mul3A_1008 = arith.muli %get3A_996, %mul3A_1007 : vector<16xi32>
        %add3A_1009 = arith.addi %mul3A_1008, %get3A_992 : vector<16xi32>
        %swap3A_1010 = arith.index_cast %rem3A_738 : i32 to index
        %swap3A_1011 = arith.constant 80 : index
        %swap3A_1012 = tpu.vector_load %arg10[%swap3A_1010, %swap3A_1011] {strides = array<i32>} : memref<3x128xi32, #tpu.memory_space<vmem>>, vector<1x16xi32>,
        %swap3A_1013 = vector.shape_cast %swap3A_1012 : vector<1x16xi32> to vector<16xi32>
        %swap3A_1014 = vector.shape_cast %add3A_1009 : vector<16xi32> to vector<1x16xi32>
        tpu.vector_store %arg10[%swap3A_1010, %swap3A_1011], %swap3A_1014 {strides = array<i32>} : memref<3x128xi32, #tpu.memory_space<vmem>>, vector<1x16xi32>,
        %get3A_1015 = arith.constant 0 : i32
        %get3A_1016 = arith.index_cast %rem3A_738 : i32 to index
        %get3A_1017 = arith.index_cast %get3A_1015 : i32 to index
        %get3A_1018 = arith.constant 96 : index
        %get3A_1019 = tpu.vector_load %arg7[%get3A_1016, %get3A_1017, %get3A_1018] {strides = array<i32>} : memref<3x2x128xi32, #tpu.memory_space<vmem>>, vector<1x1x16xi32>,
        %get3A_1020 = vector.shape_cast %get3A_1019 : vector<1x1x16xi32> to vector<16xi32>
        %get3A_1021 = arith.constant 1 : i32
        %get3A_1022 = arith.index_cast %rem3A_738 : i32 to index
        %get3A_1023 = arith.index_cast %get3A_1021 : i32 to index
        %get3A_1024 = arith.constant 96 : index
        %get3A_1025 = tpu.vector_load %arg7[%get3A_1022, %get3A_1023, %get3A_1024] {strides = array<i32>} : memref<3x2x128xi32, #tpu.memory_space<vmem>>, vector<1x1x16xi32>,
        %get3A_1026 = vector.shape_cast %get3A_1025 : vector<1x1x16xi32> to vector<16xi32>
        %get3A_1027 = arith.index_cast %rem3A_738 : i32 to index
        %get3A_1028 = arith.constant 96 : index
        %get3A_1029 = tpu.vector_load %arg8[%get3A_1027, %get3A_1028] {strides = array<i32>} : memref<3x128xi32, #tpu.memory_space<vmem>>, vector<1x16xi32>,
        %get3A_1030 = vector.shape_cast %get3A_1029 : vector<1x16xi32> to vector<16xi32>
        %mul3A_1031 = arith.constant 10240 : i32
        %mul3A_1032 = vector.broadcast %mul3A_1031 : i32 to vector<16xi32>
        %mul3A_1033 = arith.muli %get3A_1030, %mul3A_1032 : vector<16xi32>
        %add3A_1034 = arith.addi %mul3A_1033, %get3A_1020 : vector<16xi32>
        %swap3A_1035 = arith.index_cast %sub3A_732 : i32 to index
        %swap3A_1036 = arith.constant 96 : index
        %swap3A_1037 = tpu.vector_load %arg9[%swap3A_1035, %swap3A_1036] {strides = array<i32>} : memref<2x128xi32, #tpu.memory_space<vmem>>, vector<1x16xi32>,
        %swap3A_1038 = vector.shape_cast %swap3A_1037 : vector<1x16xi32> to vector<16xi32>
        %swap3A_1039 = vector.shape_cast %add3A_1034 : vector<16xi32> to vector<1x16xi32>
        tpu.vector_store %arg9[%swap3A_1035, %swap3A_1036], %swap3A_1039 {strides = array<i32>} : memref<2x128xi32, #tpu.memory_space<vmem>>, vector<1x16xi32>,
        %mul3A_1040 = arith.constant 10240 : i32
        %mul3A_1041 = vector.broadcast %mul3A_1040 : i32 to vector<16xi32>
        %mul3A_1042 = arith.muli %get3A_1030, %mul3A_1041 : vector<16xi32>
        %add3A_1043 = arith.addi %mul3A_1042, %get3A_1026 : vector<16xi32>
        %swap3A_1044 = arith.index_cast %rem3A_738 : i32 to index
        %swap3A_1045 = arith.constant 96 : index
        %swap3A_1046 = tpu.vector_load %arg10[%swap3A_1044, %swap3A_1045] {strides = array<i32>} : memref<3x128xi32, #tpu.memory_space<vmem>>, vector<1x16xi32>,
        %swap3A_1047 = vector.shape_cast %swap3A_1046 : vector<1x16xi32> to vector<16xi32>
        %swap3A_1048 = vector.shape_cast %add3A_1043 : vector<16xi32> to vector<1x16xi32>
        tpu.vector_store %arg10[%swap3A_1044, %swap3A_1045], %swap3A_1048 {strides = array<i32>} : memref<3x128xi32, #tpu.memory_space<vmem>>, vector<1x16xi32>,
        %get3A_1049 = arith.constant 0 : i32
        %get3A_1050 = arith.index_cast %rem3A_738 : i32 to index
        %get3A_1051 = arith.index_cast %get3A_1049 : i32 to index
        %get3A_1052 = arith.constant 112 : index
        %get3A_1053 = tpu.vector_load %arg7[%get3A_1050, %get3A_1051, %get3A_1052] {strides = array<i32>} : memref<3x2x128xi32, #tpu.memory_space<vmem>>, vector<1x1x16xi32>,
        %get3A_1054 = vector.shape_cast %get3A_1053 : vector<1x1x16xi32> to vector<16xi32>
        %get3A_1055 = arith.constant 1 : i32
        %get3A_1056 = arith.index_cast %rem3A_738 : i32 to index
        %get3A_1057 = arith.index_cast %get3A_1055 : i32 to index
        %get3A_1058 = arith.constant 112 : index
        %get3A_1059 = tpu.vector_load %arg7[%get3A_1056, %get3A_1057, %get3A_1058] {strides = array<i32>} : memref<3x2x128xi32, #tpu.memory_space<vmem>>, vector<1x1x16xi32>,
        %get3A_1060 = vector.shape_cast %get3A_1059 : vector<1x1x16xi32> to vector<16xi32>
        %get3A_1061 = arith.index_cast %rem3A_738 : i32 to index
        %get3A_1062 = arith.constant 112 : index
        %get3A_1063 = tpu.vector_load %arg8[%get3A_1061, %get3A_1062] {strides = array<i32>} : memref<3x128xi32, #tpu.memory_space<vmem>>, vector<1x16xi32>,
        %get3A_1064 = vector.shape_cast %get3A_1063 : vector<1x16xi32> to vector<16xi32>
        %mul3A_1065 = arith.constant 10240 : i32
        %mul3A_1066 = vector.broadcast %mul3A_1065 : i32 to vector<16xi32>
        %mul3A_1067 = arith.muli %get3A_1064, %mul3A_1066 : vector<16xi32>
        %add3A_1068 = arith.addi %mul3A_1067, %get3A_1054 : vector<16xi32>
        %swap3A_1069 = arith.index_cast %sub3A_732 : i32 to index
        %swap3A_1070 = arith.constant 112 : index
        %swap3A_1071 = tpu.vector_load %arg9[%swap3A_1069, %swap3A_1070] {strides = array<i32>} : memref<2x128xi32, #tpu.memory_space<vmem>>, vector<1x16xi32>,
        %swap3A_1072 = vector.shape_cast %swap3A_1071 : vector<1x16xi32> to vector<16xi32>
        %swap3A_1073 = vector.shape_cast %add3A_1068 : vector<16xi32> to vector<1x16xi32>
        tpu.vector_store %arg9[%swap3A_1069, %swap3A_1070], %swap3A_1073 {strides = array<i32>} : memref<2x128xi32, #tpu.memory_space<vmem>>, vector<1x16xi32>,
        %mul3A_1074 = arith.constant 10240 : i32
        %mul3A_1075 = vector.broadcast %mul3A_1074 : i32 to vector<16xi32>
        %mul3A_1076 = arith.muli %get3A_1064, %mul3A_1075 : vector<16xi32>
        %add3A_1077 = arith.addi %mul3A_1076, %get3A_1060 : vector<16xi32>
        %swap3A_1078 = arith.index_cast %rem3A_738 : i32 to index
        %swap3A_1079 = arith.constant 112 : index
        %swap3A_1080 = tpu.vector_load %arg10[%swap3A_1078, %swap3A_1079] {strides = array<i32>} : memref<3x128xi32, #tpu.memory_space<vmem>>, vector<1x16xi32>,
        %swap3A_1081 = vector.shape_cast %swap3A_1080 : vector<1x16xi32> to vector<16xi32>
        %swap3A_1082 = vector.shape_cast %add3A_1077 : vector<16xi32> to vector<1x16xi32>
        tpu.vector_store %arg10[%swap3A_1078, %swap3A_1079], %swap3A_1082 {strides = array<i32>} : memref<3x128xi32, #tpu.memory_space<vmem>>, vector<1x16xi32>,
        %dma_start3A_1083 = arith.constant 0 : i32
        %dma_start3A_1084 = arith.constant 0 : i32
        %dma_start3A_1085 = tpu.memref_slice %arg12[%sub3A_732, %dma_start3A_1083, %dma_start3A_1084] : memref<2x128x128xf32, #tpu.memory_space<vmem>> -> memref<1x128x128xf32, #tpu.memory_space<vmem>>
        %dma_start3A_1086 = tpu.memref_squeeze %dma_start3A_1085 : memref<1x128x128xf32, #tpu.memory_space<vmem>> -> memref<128x128xf32, #tpu.memory_space<vmem>>
        %dma_start3A_1087 = arith.constant 0 : i32
        %dma_start3A_1088 = tpu.memref_slice %arg9[%sub3A_732, %dma_start3A_1087] : memref<2x128xi32, #tpu.memory_space<vmem>> -> memref<1x128xi32, #tpu.memory_space<vmem>>
        %dma_start3A_1089 = tpu.memref_squeeze %dma_start3A_1088 : memref<1x128xi32, #tpu.memory_space<vmem>> -> memref<128xi32, #tpu.memory_space<vmem>>
        %dma_start3A_1090 = arith.constant 0 : i32
        %dma_start3A_1091 = arith.constant 0 : i32
        %dma_start3A_1092 = tpu.memref_slice %arg2[%dma_start3A_1090, %dma_start3A_1091] : memref<30720x128xf32, #tpu.memory_space<hbm>> -> memref<30720x128xf32, #tpu.memory_space<hbm>>
        tpu.enqueue_indirect_dma source(%dma_start3A_1092 : memref<30720x128xf32, #tpu.memory_space<hbm>>) target(%dma_start3A_1086 : memref<128x128xf32, #tpu.memory_space<vmem>>) offsets(%dma_start3A_1089 : memref<128xi32, #tpu.memory_space<vmem>>) semaphore(%arg17 : memref<!tpu.dma_semaphore, #tpu.memory_space<semaphore_mem>>)
      } else {
      }
      %dma_wait3A_757 = arith.constant 0 : i32
      %dma_wait3A_758 = arith.constant 0 : i32
      %dma_wait3A_759 = tpu.memref_slice %arg12[%rem3A_730, %dma_wait3A_757, %dma_wait3A_758] : memref<2x128x128xf32, #tpu.memory_space<vmem>> -> memref<1x128x128xf32, #tpu.memory_space<vmem>>
      %dma_wait3A_760 = tpu.memref_squeeze %dma_wait3A_759 : memref<1x128x128xf32, #tpu.memory_space<vmem>> -> memref<128x128xf32, #tpu.memory_space<vmem>>
      %dma_wait3A_761 = arith.constant 0 : i32
      %dma_wait3A_762 = arith.constant 0 : i32
      %dma_wait3A_763 = tpu.memref_slice %arg2[%dma_wait3A_761, %dma_wait3A_762] : memref<30720x128xf32, #tpu.memory_space<hbm>> -> memref<128x128xf32, #tpu.memory_space<hbm>>
      %dma_wait3A_764 = arith.constant 0 : i32
      %dma_wait3A_765 = arith.constant 0 : i32
      %dma_wait3A_766 = tpu.memref_slice %arg12[%rem3A_730, %dma_wait3A_764, %dma_wait3A_765] : memref<2x128x128xf32, #tpu.memory_space<vmem>> -> memref<1x128x128xf32, #tpu.memory_space<vmem>>
      %dma_wait3A_767 = tpu.memref_squeeze %dma_wait3A_766 : memref<1x128x128xf32, #tpu.memory_space<vmem>> -> memref<128x128xf32, #tpu.memory_space<vmem>>
      %dma_wait3A_768 = arith.constant 0 : i32
      %dma_wait3A_769 = arith.constant 0 : i32
      %dma_wait3A_770 = tpu.memref_slice %arg2[%dma_wait3A_768, %dma_wait3A_769] : memref<30720x128xf32, #tpu.memory_space<hbm>> -> memref<128x128xf32, #tpu.memory_space<hbm>>
      tpu.wait_dma2 semaphore(%arg17 : memref<!tpu.dma_semaphore, #tpu.memory_space<semaphore_mem>>) src(%dma_wait3A_770 : memref<128x128xf32, #tpu.memory_space<hbm>>) dst(%dma_wait3A_767 : memref<128x128xf32, #tpu.memory_space<vmem>>)
      %dma_start3A_771 = arith.constant 1 : i32
      %dma_start3A_772 = arith.constant 0 : i32
      %dma_start3A_773 = arith.constant 0 : i32
      %dma_start3A_774 = tpu.memref_slice %arg12[%rem3A_730, %dma_start3A_772, %dma_start3A_773] : memref<2x128x128xf32, #tpu.memory_space<vmem>> -> memref<1x128x128xf32, #tpu.memory_space<vmem>>
      %dma_start3A_775 = tpu.memref_squeeze %dma_start3A_774 : memref<1x128x128xf32, #tpu.memory_space<vmem>> -> memref<128x128xf32, #tpu.memory_space<vmem>>
      %dma_start3A_776 = arith.constant 0 : i32
      %dma_start3A_777 = tpu.memref_slice %arg7[%rem3A_734, %dma_start3A_771, %dma_start3A_776] : memref<3x2x128xi32, #tpu.memory_space<vmem>> -> memref<1x1x128xi32, #tpu.memory_space<vmem>>
      %dma_start3A_778 = tpu.memref_squeeze %dma_start3A_777 : memref<1x1x128xi32, #tpu.memory_space<vmem>> -> memref<128xi32, #tpu.memory_space<vmem>>
      %dma_start3A_779 = arith.constant 0 : i32
      %dma_start3A_780 = arith.constant 0 : i32
      %dma_start3A_781 = tpu.memref_slice %arg14[%dma_start3A_779, %dma_start3A_780] : memref<10240x128xf32, #tpu.memory_space<vmem_shared>> -> memref<10240x128xf32, #tpu.memory_space<vmem_shared>>
      tpu.enqueue_indirect_dma source(%dma_start3A_775 : memref<128x128xf32, #tpu.memory_space<vmem>>) target(%dma_start3A_781 : memref<10240x128xf32, #tpu.memory_space<vmem_shared>>) offsets(%dma_start3A_778 : memref<128xi32, #tpu.memory_space<vmem>>) semaphore(%arg18 : memref<!tpu.dma_semaphore, #tpu.memory_space<semaphore_mem>>) {add = true}
      %dma_start3A_782 = arith.constant 0 : i32
      %dma_start3A_783 = tpu.memref_slice %arg10[%rem3A_734, %dma_start3A_782] : memref<3x128xi32, #tpu.memory_space<vmem>> -> memref<1x128xi32, #tpu.memory_space<vmem>>
      %dma_start3A_784 = tpu.memref_squeeze %dma_start3A_783 : memref<1x128xi32, #tpu.memory_space<vmem>> -> memref<128xi32, #tpu.memory_space<vmem>>
      %dma_start3A_785 = arith.constant 0 : i32
      %dma_start3A_786 = tpu.memref_slice %arg15[%dma_start3A_785] : memref<30720xf32, #tpu.memory_space<vmem_shared>> -> memref<30720xf32, #tpu.memory_space<vmem_shared>>
      tpu.enqueue_indirect_dma source(%arg11 : memref<128xf32, #tpu.memory_space<vmem>>) target(%dma_start3A_786 : memref<30720xf32, #tpu.memory_space<vmem_shared>>) offsets(%dma_start3A_784 : memref<128xi32, #tpu.memory_space<vmem>>) semaphore(%arg18 : memref<!tpu.dma_semaphore, #tpu.memory_space<semaphore_mem>>) {add = true}
    }
    %sub3A = arith.constant 1 : i32
    %sub3A_506 = arith.subi %add3A_4, %sub3A : i32
    %rem3A = arith.constant 2 : i32
    %rem3A_507 = arith.remsi %sub3A_506, %rem3A : i32
    %sub3A_508 = arith.constant 1 : i32
    %sub3A_509 = arith.subi %add3A_4, %sub3A_508 : i32
    %rem3A_510 = arith.constant 3 : i32
    %rem3A_511 = arith.remsi %sub3A_509, %rem3A_510 : i32
    %dma_wait3A_512 = arith.constant 1 : i32
    %dma_wait3A_513 = arith.constant 0 : i32
    %dma_wait3A_514 = arith.constant 0 : i32
    %dma_wait3A_515 = tpu.memref_slice %arg12[%rem3A_507, %dma_wait3A_513, %dma_wait3A_514] : memref<2x128x128xf32, #tpu.memory_space<vmem>> -> memref<1x128x128xf32, #tpu.memory_space<vmem>>
    %dma_wait3A_516 = tpu.memref_squeeze %dma_wait3A_515 : memref<1x128x128xf32, #tpu.memory_space<vmem>> -> memref<128x128xf32, #tpu.memory_space<vmem>>
    %dma_wait3A_517 = arith.constant 0 : i32
    %dma_wait3A_518 = tpu.memref_slice %arg7[%rem3A_511, %dma_wait3A_512, %dma_wait3A_517] : memref<3x2x128xi32, #tpu.memory_space<vmem>> -> memref<1x1x128xi32, #tpu.memory_space<vmem>>
    %dma_wait3A_519 = tpu.memref_squeeze %dma_wait3A_518 : memref<1x1x128xi32, #tpu.memory_space<vmem>> -> memref<128xi32, #tpu.memory_space<vmem>>
    %dma_wait3A_520 = arith.constant 0 : i32
    %dma_wait3A_521 = arith.constant 0 : i32
    %dma_wait3A_522 = tpu.memref_slice %arg14[%dma_wait3A_520, %dma_wait3A_521] : memref<10240x128xf32, #tpu.memory_space<vmem_shared>> -> memref<10240x128xf32, #tpu.memory_space<vmem_shared>>
    tpu.wait_indirect_dma semaphore(%arg18 : memref<!tpu.dma_semaphore, #tpu.memory_space<semaphore_mem>>) src(%dma_wait3A_516 : memref<128x128xf32, #tpu.memory_space<vmem>>) dst(%dma_wait3A_522 : memref<10240x128xf32, #tpu.memory_space<vmem_shared>>)
    %dma_wait3A_523 = arith.constant 0 : i32
    %dma_wait3A_524 = tpu.memref_slice %arg10[%rem3A_511, %dma_wait3A_523] : memref<3x128xi32, #tpu.memory_space<vmem>> -> memref<1x128xi32, #tpu.memory_space<vmem>>
    %dma_wait3A_525 = tpu.memref_squeeze %dma_wait3A_524 : memref<1x128xi32, #tpu.memory_space<vmem>> -> memref<128xi32, #tpu.memory_space<vmem>>
    %dma_wait3A_526 = arith.constant 0 : i32
    %dma_wait3A_527 = tpu.memref_slice %arg15[%dma_wait3A_526] : memref<30720xf32, #tpu.memory_space<vmem_shared>> -> memref<30720xf32, #tpu.memory_space<vmem_shared>>
    tpu.wait_indirect_dma semaphore(%arg18 : memref<!tpu.dma_semaphore, #tpu.memory_space<semaphore_mem>>) src(%arg11 : memref<128xf32, #tpu.memory_space<vmem>>) dst(%dma_wait3A_527 : memref<30720xf32, #tpu.memory_space<vmem_shared>>)
    %barrier3A_528 = arith.constant 0 : index
    tpu.barrier barrier_id(%barrier3A_528)
    %mul3A_529 = arith.constant 640 : i32
    %mul3A_530 = arith.muli %arg1, %mul3A_529 : i32
    %add3A_531 = arith.constant 0 : i32
    %add3A_532 = arith.addi %mul3A_530, %add3A_531 : i32
    %run_scoped3A_533 = arith.constant 0 : i32
    "tpu.region"() ({
      %run_scoped3A_728 = tpu.sem_alloc : memref<!tpu.dma_semaphore, #tpu.memory_space<semaphore_mem>>
      %dma_start3A_729 = arith.constant 0 : i32
      %dma_start3A_730 = arith.constant 0 : i32
      %dma_start3A_731 = tpu.memref_slice %arg12[%run_scoped3A_533, %dma_start3A_729, %dma_start3A_730] : memref<2x128x128xf32, #tpu.memory_space<vmem>> -> memref<1x128x128xf32, #tpu.memory_space<vmem>>
      %dma_start3A_732 = tpu.memref_squeeze %dma_start3A_731 : memref<1x128x128xf32, #tpu.memory_space<vmem>> -> memref<128x128xf32, #tpu.memory_space<vmem>>
      %dma_start3A_733 = arith.constant 0 : i32
      %dma_start3A_734 = tpu.memref_slice %arg14[%add3A_532, %dma_start3A_733] : memref<10240x128xf32, #tpu.memory_space<vmem_shared>> -> memref<128x128xf32, #tpu.memory_space<vmem_shared>>
      %dma_start3A_735 = arith.constant 0 : i32
      %dma_start3A_736 = arith.constant 0 : i32
      %dma_start3A_737 = tpu.memref_slice %arg12[%run_scoped3A_533, %dma_start3A_735, %dma_start3A_736] : memref<2x128x128xf32, #tpu.memory_space<vmem>> -> memref<1x128x128xf32, #tpu.memory_space<vmem>>
      %dma_start3A_738 = tpu.memref_squeeze %dma_start3A_737 : memref<1x128x128xf32, #tpu.memory_space<vmem>> -> memref<128x128xf32, #tpu.memory_space<vmem>>
      %dma_start3A_739 = arith.constant 0 : i32
      %dma_start3A_740 = tpu.memref_slice %arg14[%add3A_532, %dma_start3A_739] : memref<10240x128xf32, #tpu.memory_space<vmem_shared>> -> memref<128x128xf32, #tpu.memory_space<vmem_shared>>
      tpu.enqueue_dma source(%dma_start3A_740 : memref<128x128xf32, #tpu.memory_space<vmem_shared>>) target(%dma_start3A_738 : memref<128x128xf32, #tpu.memory_space<vmem>>) target_semaphore(%run_scoped3A_728 : memref<!tpu.dma_semaphore, #tpu.memory_space<semaphore_mem>>)
      %dma_wait3A_741 = arith.constant 0 : i32
      %dma_wait3A_742 = arith.constant 0 : i32
      %dma_wait3A_743 = tpu.memref_slice %arg12[%run_scoped3A_533, %dma_wait3A_741, %dma_wait3A_742] : memref<2x128x128xf32, #tpu.memory_space<vmem>> -> memref<1x128x128xf32, #tpu.memory_space<vmem>>
      %dma_wait3A_744 = tpu.memref_squeeze %dma_wait3A_743 : memref<1x128x128xf32, #tpu.memory_space<vmem>> -> memref<128x128xf32, #tpu.memory_space<vmem>>
      %dma_wait3A_745 = arith.constant 0 : i32
      %dma_wait3A_746 = tpu.memref_slice %arg14[%add3A_532, %dma_wait3A_745] : memref<10240x128xf32, #tpu.memory_space<vmem_shared>> -> memref<128x128xf32, #tpu.memory_space<vmem_shared>>
      %dma_wait3A_747 = arith.constant 0 : i32
      %dma_wait3A_748 = arith.constant 0 : i32
      %dma_wait3A_749 = tpu.memref_slice %arg12[%run_scoped3A_533, %dma_wait3A_747, %dma_wait3A_748] : memref<2x128x128xf32, #tpu.memory_space<vmem>> -> memref<1x128x128xf32, #tpu.memory_space<vmem>>
      %dma_wait3A_750 = tpu.memref_squeeze %dma_wait3A_749 : memref<1x128x128xf32, #tpu.memory_space<vmem>> -> memref<128x128xf32, #tpu.memory_space<vmem>>
      %dma_wait3A_751 = arith.constant 0 : i32
      %dma_wait3A_752 = tpu.memref_slice %arg14[%add3A_532, %dma_wait3A_751] : memref<10240x128xf32, #tpu.memory_space<vmem_shared>> -> memref<128x128xf32, #tpu.memory_space<vmem_shared>>
      tpu.wait_dma2 semaphore(%run_scoped3A_728 : memref<!tpu.dma_semaphore, #tpu.memory_space<semaphore_mem>>) src(%dma_wait3A_752 : memref<128x128xf32, #tpu.memory_space<vmem_shared>>) dst(%dma_wait3A_750 : memref<128x128xf32, #tpu.memory_space<vmem>>)
      tpu.yield
    }) : () -> ()
    %dma_start3A_534 = arith.constant 0 : i32
    %dma_start3A_535 = arith.constant 0 : i32
    %dma_start3A_536 = arith.constant 0 : i32
    %dma_start3A_537 = tpu.memref_slice %arg12[%dma_start3A_534, %dma_start3A_535, %dma_start3A_536] : memref<2x128x128xf32, #tpu.memory_space<vmem>> -> memref<1x128x128xf32, #tpu.memory_space<vmem>>
    %dma_start3A_538 = tpu.memref_squeeze %dma_start3A_537 : memref<1x128x128xf32, #tpu.memory_space<vmem>> -> memref<128x128xf32, #tpu.memory_space<vmem>>
    %dma_start3A_539 = arith.constant 0 : i32
    %dma_start3A_540 = tpu.memref_slice %arg5[%arg0, %add3A_532, %dma_start3A_539] : memref<2x10240x128xf32, #tpu.memory_space<hbm>> -> memref<1x128x128xf32, #tpu.memory_space<hbm>>
    %dma_start3A_541 = tpu.memref_squeeze %dma_start3A_540 : memref<1x128x128xf32, #tpu.memory_space<hbm>> -> memref<128x128xf32, #tpu.memory_space<hbm>>
    %dma_start3A_542 = arith.constant 0 : i32
    %dma_start3A_543 = tpu.memref_slice %arg5[%arg0, %add3A_532, %dma_start3A_542] : memref<2x10240x128xf32, #tpu.memory_space<hbm>> -> memref<1x128x128xf32, #tpu.memory_space<hbm>>
    %dma_start3A_544 = tpu.memref_squeeze %dma_start3A_543 : memref<1x128x128xf32, #tpu.memory_space<hbm>> -> memref<128x128xf32, #tpu.memory_space<hbm>>
    %dma_start3A_545 = arith.constant 0 : i32
    %dma_start3A_546 = arith.constant 0 : i32
    %dma_start3A_547 = tpu.memref_slice %arg12[%dma_start3A_534, %dma_start3A_545, %dma_start3A_546] : memref<2x128x128xf32, #tpu.memory_space<vmem>> -> memref<1x128x128xf32, #tpu.memory_space<vmem>>
    %dma_start3A_548 = tpu.memref_squeeze %dma_start3A_547 : memref<1x128x128xf32, #tpu.memory_space<vmem>> -> memref<128x128xf32, #tpu.memory_space<vmem>>
    tpu.enqueue_dma source(%dma_start3A_548 : memref<128x128xf32, #tpu.memory_space<vmem>>) target(%dma_start3A_544 : memref<128x128xf32, #tpu.memory_space<hbm>>) target_semaphore(%arg18 : memref<!tpu.dma_semaphore, #tpu.memory_space<semaphore_mem>>)
    %mul3A_549 = arith.constant 640 : i32
    %mul3A_550 = arith.muli %arg1, %mul3A_549 : i32
    %add3A_551 = arith.constant 128 : i32
    %add3A_552 = arith.addi %mul3A_550, %add3A_551 : i32
    %run_scoped3A_553 = arith.constant 1 : i32
    "tpu.region"() ({
      %run_scoped3A_728 = tpu.sem_alloc : memref<!tpu.dma_semaphore, #tpu.memory_space<semaphore_mem>>
      %dma_start3A_729 = arith.constant 0 : i32
      %dma_start3A_730 = arith.constant 0 : i32
      %dma_start3A_731 = tpu.memref_slice %arg12[%run_scoped3A_553, %dma_start3A_729, %dma_start3A_730] : memref<2x128x128xf32, #tpu.memory_space<vmem>> -> memref<1x128x128xf32, #tpu.memory_space<vmem>>
      %dma_start3A_732 = tpu.memref_squeeze %dma_start3A_731 : memref<1x128x128xf32, #tpu.memory_space<vmem>> -> memref<128x128xf32, #tpu.memory_space<vmem>>
      %dma_start3A_733 = arith.constant 0 : i32
      %dma_start3A_734 = tpu.memref_slice %arg14[%add3A_552, %dma_start3A_733] : memref<10240x128xf32, #tpu.memory_space<vmem_shared>> -> memref<128x128xf32, #tpu.memory_space<vmem_shared>>
      %dma_start3A_735 = arith.constant 0 : i32
      %dma_start3A_736 = arith.constant 0 : i32
      %dma_start3A_737 = tpu.memref_slice %arg12[%run_scoped3A_553, %dma_start3A_735, %dma_start3A_736] : memref<2x128x128xf32, #tpu.memory_space<vmem>> -> memref<1x128x128xf32, #tpu.memory_space<vmem>>
      %dma_start3A_738 = tpu.memref_squeeze %dma_start3A_737 : memref<1x128x128xf32, #tpu.memory_space<vmem>> -> memref<128x128xf32, #tpu.memory_space<vmem>>
      %dma_start3A_739 = arith.constant 0 : i32
      %dma_start3A_740 = tpu.memref_slice %arg14[%add3A_552, %dma_start3A_739] : memref<10240x128xf32, #tpu.memory_space<vmem_shared>> -> memref<128x128xf32, #tpu.memory_space<vmem_shared>>
      tpu.enqueue_dma source(%dma_start3A_740 : memref<128x128xf32, #tpu.memory_space<vmem_shared>>) target(%dma_start3A_738 : memref<128x128xf32, #tpu.memory_space<vmem>>) target_semaphore(%run_scoped3A_728 : memref<!tpu.dma_semaphore, #tpu.memory_space<semaphore_mem>>)
      %dma_wait3A_741 = arith.constant 0 : i32
      %dma_wait3A_742 = arith.constant 0 : i32
      %dma_wait3A_743 = tpu.memref_slice %arg12[%run_scoped3A_553, %dma_wait3A_741, %dma_wait3A_742] : memref<2x128x128xf32, #tpu.memory_space<vmem>> -> memref<1x128x128xf32, #tpu.memory_space<vmem>>
      %dma_wait3A_744 = tpu.memref_squeeze %dma_wait3A_743 : memref<1x128x128xf32, #tpu.memory_space<vmem>> -> memref<128x128xf32, #tpu.memory_space<vmem>>
      %dma_wait3A_745 = arith.constant 0 : i32
      %dma_wait3A_746 = tpu.memref_slice %arg14[%add3A_552, %dma_wait3A_745] : memref<10240x128xf32, #tpu.memory_space<vmem_shared>> -> memref<128x128xf32, #tpu.memory_space<vmem_shared>>
      %dma_wait3A_747 = arith.constant 0 : i32
      %dma_wait3A_748 = arith.constant 0 : i32
      %dma_wait3A_749 = tpu.memref_slice %arg12[%run_scoped3A_553, %dma_wait3A_747, %dma_wait3A_748] : memref<2x128x128xf32, #tpu.memory_space<vmem>> -> memref<1x128x128xf32, #tpu.memory_space<vmem>>
      %dma_wait3A_750 = tpu.memref_squeeze %dma_wait3A_749 : memref<1x128x128xf32, #tpu.memory_space<vmem>> -> memref<128x128xf32, #tpu.memory_space<vmem>>
      %dma_wait3A_751 = arith.constant 0 : i32
      %dma_wait3A_752 = tpu.memref_slice %arg14[%add3A_552, %dma_wait3A_751] : memref<10240x128xf32, #tpu.memory_space<vmem_shared>> -> memref<128x128xf32, #tpu.memory_space<vmem_shared>>
      tpu.wait_dma2 semaphore(%run_scoped3A_728 : memref<!tpu.dma_semaphore, #tpu.memory_space<semaphore_mem>>) src(%dma_wait3A_752 : memref<128x128xf32, #tpu.memory_space<vmem_shared>>) dst(%dma_wait3A_750 : memref<128x128xf32, #tpu.memory_space<vmem>>)
      tpu.yield
    }) : () -> ()
    %dma_start3A_554 = arith.constant 1 : i32
    %dma_start3A_555 = arith.constant 0 : i32
    %dma_start3A_556 = arith.constant 0 : i32
    %dma_start3A_557 = tpu.memref_slice %arg12[%dma_start3A_554, %dma_start3A_555, %dma_start3A_556] : memref<2x128x128xf32, #tpu.memory_space<vmem>> -> memref<1x128x128xf32, #tpu.memory_space<vmem>>
    %dma_start3A_558 = tpu.memref_squeeze %dma_start3A_557 : memref<1x128x128xf32, #tpu.memory_space<vmem>> -> memref<128x128xf32, #tpu.memory_space<vmem>>
    %dma_start3A_559 = arith.constant 0 : i32
    %dma_start3A_560 = tpu.memref_slice %arg5[%arg0, %add3A_552, %dma_start3A_559] : memref<2x10240x128xf32, #tpu.memory_space<hbm>> -> memref<1x128x128xf32, #tpu.memory_space<hbm>>
    %dma_start3A_561 = tpu.memref_squeeze %dma_start3A_560 : memref<1x128x128xf32, #tpu.memory_space<hbm>> -> memref<128x128xf32, #tpu.memory_space<hbm>>
    %dma_start3A_562 = arith.constant 0 : i32
    %dma_start3A_563 = tpu.memref_slice %arg5[%arg0, %add3A_552, %dma_start3A_562] : memref<2x10240x128xf32, #tpu.memory_space<hbm>> -> memref<1x128x128xf32, #tpu.memory_space<hbm>>
    %dma_start3A_564 = tpu.memref_squeeze %dma_start3A_563 : memref<1x128x128xf32, #tpu.memory_space<hbm>> -> memref<128x128xf32, #tpu.memory_space<hbm>>
    %dma_start3A_565 = arith.constant 0 : i32
    %dma_start3A_566 = arith.constant 0 : i32
    %dma_start3A_567 = tpu.memref_slice %arg12[%dma_start3A_554, %dma_start3A_565, %dma_start3A_566] : memref<2x128x128xf32, #tpu.memory_space<vmem>> -> memref<1x128x128xf32, #tpu.memory_space<vmem>>
    %dma_start3A_568 = tpu.memref_squeeze %dma_start3A_567 : memref<1x128x128xf32, #tpu.memory_space<vmem>> -> memref<128x128xf32, #tpu.memory_space<vmem>>
    tpu.enqueue_dma source(%dma_start3A_568 : memref<128x128xf32, #tpu.memory_space<vmem>>) target(%dma_start3A_564 : memref<128x128xf32, #tpu.memory_space<hbm>>) target_semaphore(%arg18 : memref<!tpu.dma_semaphore, #tpu.memory_space<semaphore_mem>>)
    %mul3A_569 = arith.constant 640 : i32
    %mul3A_570 = arith.muli %arg1, %mul3A_569 : i32
    %add3A_571 = arith.constant 256 : i32
    %add3A_572 = arith.addi %mul3A_570, %add3A_571 : i32
    %dma_wait3A_573 = arith.constant 0 : i32
    %dma_wait3A_574 = arith.constant 0 : i32
    %dma_wait3A_575 = arith.constant 0 : i32
    %dma_wait3A_576 = tpu.memref_slice %arg12[%dma_wait3A_573, %dma_wait3A_574, %dma_wait3A_575] : memref<2x128x128xf32, #tpu.memory_space<vmem>> -> memref<1x128x128xf32, #tpu.memory_space<vmem>>
    %dma_wait3A_577 = tpu.memref_squeeze %dma_wait3A_576 : memref<1x128x128xf32, #tpu.memory_space<vmem>> -> memref<128x128xf32, #tpu.memory_space<vmem>>
    %dma_wait3A_578 = arith.constant 0 : i32
    %dma_wait3A_579 = arith.constant 0 : i32
    %dma_wait3A_580 = tpu.memref_slice %arg5[%arg0, %dma_wait3A_578, %dma_wait3A_579] : memref<2x10240x128xf32, #tpu.memory_space<hbm>> -> memref<1x128x128xf32, #tpu.memory_space<hbm>>
    %dma_wait3A_581 = tpu.memref_squeeze %dma_wait3A_580 : memref<1x128x128xf32, #tpu.memory_space<hbm>> -> memref<128x128xf32, #tpu.memory_space<hbm>>
    %dma_wait3A_582 = arith.constant 0 : i32
    %dma_wait3A_583 = arith.constant 0 : i32
    %dma_wait3A_584 = tpu.memref_slice %arg5[%arg0, %dma_wait3A_582, %dma_wait3A_583] : memref<2x10240x128xf32, #tpu.memory_space<hbm>> -> memref<1x128x128xf32, #tpu.memory_space<hbm>>
    %dma_wait3A_585 = tpu.memref_squeeze %dma_wait3A_584 : memref<1x128x128xf32, #tpu.memory_space<hbm>> -> memref<128x128xf32, #tpu.memory_space<hbm>>
    %dma_wait3A_586 = arith.constant 0 : i32
    %dma_wait3A_587 = arith.constant 0 : i32
    %dma_wait3A_588 = tpu.memref_slice %arg12[%dma_wait3A_573, %dma_wait3A_586, %dma_wait3A_587] : memref<2x128x128xf32, #tpu.memory_space<vmem>> -> memref<1x128x128xf32, #tpu.memory_space<vmem>>
    %dma_wait3A_589 = tpu.memref_squeeze %dma_wait3A_588 : memref<1x128x128xf32, #tpu.memory_space<vmem>> -> memref<128x128xf32, #tpu.memory_space<vmem>>
    tpu.wait_dma2 semaphore(%arg18 : memref<!tpu.dma_semaphore, #tpu.memory_space<semaphore_mem>>) src(%dma_wait3A_589 : memref<128x128xf32, #tpu.memory_space<vmem>>) dst(%dma_wait3A_585 : memref<128x128xf32, #tpu.memory_space<hbm>>)
    %run_scoped3A_590 = arith.constant 0 : i32
    "tpu.region"() ({
      %run_scoped3A_728 = tpu.sem_alloc : memref<!tpu.dma_semaphore, #tpu.memory_space<semaphore_mem>>
      %dma_start3A_729 = arith.constant 0 : i32
      %dma_start3A_730 = arith.constant 0 : i32
      %dma_start3A_731 = tpu.memref_slice %arg12[%run_scoped3A_590, %dma_start3A_729, %dma_start3A_730] : memref<2x128x128xf32, #tpu.memory_space<vmem>> -> memref<1x128x128xf32, #tpu.memory_space<vmem>>
      %dma_start3A_732 = tpu.memref_squeeze %dma_start3A_731 : memref<1x128x128xf32, #tpu.memory_space<vmem>> -> memref<128x128xf32, #tpu.memory_space<vmem>>
      %dma_start3A_733 = arith.constant 0 : i32
      %dma_start3A_734 = tpu.memref_slice %arg14[%add3A_572, %dma_start3A_733] : memref<10240x128xf32, #tpu.memory_space<vmem_shared>> -> memref<128x128xf32, #tpu.memory_space<vmem_shared>>
      %dma_start3A_735 = arith.constant 0 : i32
      %dma_start3A_736 = arith.constant 0 : i32
      %dma_start3A_737 = tpu.memref_slice %arg12[%run_scoped3A_590, %dma_start3A_735, %dma_start3A_736] : memref<2x128x128xf32, #tpu.memory_space<vmem>> -> memref<1x128x128xf32, #tpu.memory_space<vmem>>
      %dma_start3A_738 = tpu.memref_squeeze %dma_start3A_737 : memref<1x128x128xf32, #tpu.memory_space<vmem>> -> memref<128x128xf32, #tpu.memory_space<vmem>>
      %dma_start3A_739 = arith.constant 0 : i32
      %dma_start3A_740 = tpu.memref_slice %arg14[%add3A_572, %dma_start3A_739] : memref<10240x128xf32, #tpu.memory_space<vmem_shared>> -> memref<128x128xf32, #tpu.memory_space<vmem_shared>>
      tpu.enqueue_dma source(%dma_start3A_740 : memref<128x128xf32, #tpu.memory_space<vmem_shared>>) target(%dma_start3A_738 : memref<128x128xf32, #tpu.memory_space<vmem>>) target_semaphore(%run_scoped3A_728 : memref<!tpu.dma_semaphore, #tpu.memory_space<semaphore_mem>>)
      %dma_wait3A_741 = arith.constant 0 : i32
      %dma_wait3A_742 = arith.constant 0 : i32
      %dma_wait3A_743 = tpu.memref_slice %arg12[%run_scoped3A_590, %dma_wait3A_741, %dma_wait3A_742] : memref<2x128x128xf32, #tpu.memory_space<vmem>> -> memref<1x128x128xf32, #tpu.memory_space<vmem>>
      %dma_wait3A_744 = tpu.memref_squeeze %dma_wait3A_743 : memref<1x128x128xf32, #tpu.memory_space<vmem>> -> memref<128x128xf32, #tpu.memory_space<vmem>>
      %dma_wait3A_745 = arith.constant 0 : i32
      %dma_wait3A_746 = tpu.memref_slice %arg14[%add3A_572, %dma_wait3A_745] : memref<10240x128xf32, #tpu.memory_space<vmem_shared>> -> memref<128x128xf32, #tpu.memory_space<vmem_shared>>
      %dma_wait3A_747 = arith.constant 0 : i32
      %dma_wait3A_748 = arith.constant 0 : i32
      %dma_wait3A_749 = tpu.memref_slice %arg12[%run_scoped3A_590, %dma_wait3A_747, %dma_wait3A_748] : memref<2x128x128xf32, #tpu.memory_space<vmem>> -> memref<1x128x128xf32, #tpu.memory_space<vmem>>
      %dma_wait3A_750 = tpu.memref_squeeze %dma_wait3A_749 : memref<1x128x128xf32, #tpu.memory_space<vmem>> -> memref<128x128xf32, #tpu.memory_space<vmem>>
      %dma_wait3A_751 = arith.constant 0 : i32
      %dma_wait3A_752 = tpu.memref_slice %arg14[%add3A_572, %dma_wait3A_751] : memref<10240x128xf32, #tpu.memory_space<vmem_shared>> -> memref<128x128xf32, #tpu.memory_space<vmem_shared>>
      tpu.wait_dma2 semaphore(%run_scoped3A_728 : memref<!tpu.dma_semaphore, #tpu.memory_space<semaphore_mem>>) src(%dma_wait3A_752 : memref<128x128xf32, #tpu.memory_space<vmem_shared>>) dst(%dma_wait3A_750 : memref<128x128xf32, #tpu.memory_space<vmem>>)
      tpu.yield
    }) : () -> ()
    %dma_start3A_591 = arith.constant 0 : i32
    %dma_start3A_592 = arith.constant 0 : i32
    %dma_start3A_593 = arith.constant 0 : i32
    %dma_start3A_594 = tpu.memref_slice %arg12[%dma_start3A_591, %dma_start3A_592, %dma_start3A_593] : memref<2x128x128xf32, #tpu.memory_space<vmem>> -> memref<1x128x128xf32, #tpu.memory_space<vmem>>
    %dma_start3A_595 = tpu.memref_squeeze %dma_start3A_594 : memref<1x128x128xf32, #tpu.memory_space<vmem>> -> memref<128x128xf32, #tpu.memory_space<vmem>>
    %dma_start3A_596 = arith.constant 0 : i32
    %dma_start3A_597 = tpu.memref_slice %arg5[%arg0, %add3A_572, %dma_start3A_596] : memref<2x10240x128xf32, #tpu.memory_space<hbm>> -> memref<1x128x128xf32, #tpu.memory_space<hbm>>
    %dma_start3A_598 = tpu.memref_squeeze %dma_start3A_597 : memref<1x128x128xf32, #tpu.memory_space<hbm>> -> memref<128x128xf32, #tpu.memory_space<hbm>>
    %dma_start3A_599 = arith.constant 0 : i32
    %dma_start3A_600 = tpu.memref_slice %arg5[%arg0, %add3A_572, %dma_start3A_599] : memref<2x10240x128xf32, #tpu.memory_space<hbm>> -> memref<1x128x128xf32, #tpu.memory_space<hbm>>
    %dma_start3A_601 = tpu.memref_squeeze %dma_start3A_600 : memref<1x128x128xf32, #tpu.memory_space<hbm>> -> memref<128x128xf32, #tpu.memory_space<hbm>>
    %dma_start3A_602 = arith.constant 0 : i32
    %dma_start3A_603 = arith.constant 0 : i32
    %dma_start3A_604 = tpu.memref_slice %arg12[%dma_start3A_591, %dma_start3A_602, %dma_start3A_603] : memref<2x128x128xf32, #tpu.memory_space<vmem>> -> memref<1x128x128xf32, #tpu.memory_space<vmem>>
    %dma_start3A_605 = tpu.memref_squeeze %dma_start3A_604 : memref<1x128x128xf32, #tpu.memory_space<vmem>> -> memref<128x128xf32, #tpu.memory_space<vmem>>
    tpu.enqueue_dma source(%dma_start3A_605 : memref<128x128xf32, #tpu.memory_space<vmem>>) target(%dma_start3A_601 : memref<128x128xf32, #tpu.memory_space<hbm>>) target_semaphore(%arg18 : memref<!tpu.dma_semaphore, #tpu.memory_space<semaphore_mem>>)
    %mul3A_606 = arith.constant 640 : i32
    %mul3A_607 = arith.muli %arg1, %mul3A_606 : i32
    %add3A_608 = arith.constant 384 : i32
    %add3A_609 = arith.addi %mul3A_607, %add3A_608 : i32
    %dma_wait3A_610 = arith.constant 1 : i32
    %dma_wait3A_611 = arith.constant 0 : i32
    %dma_wait3A_612 = arith.constant 0 : i32
    %dma_wait3A_613 = tpu.memref_slice %arg12[%dma_wait3A_610, %dma_wait3A_611, %dma_wait3A_612] : memref<2x128x128xf32, #tpu.memory_space<vmem>> -> memref<1x128x128xf32, #tpu.memory_space<vmem>>
    %dma_wait3A_614 = tpu.memref_squeeze %dma_wait3A_613 : memref<1x128x128xf32, #tpu.memory_space<vmem>> -> memref<128x128xf32, #tpu.memory_space<vmem>>
    %dma_wait3A_615 = arith.constant 0 : i32
    %dma_wait3A_616 = arith.constant 0 : i32
    %dma_wait3A_617 = tpu.memref_slice %arg5[%arg0, %dma_wait3A_615, %dma_wait3A_616] : memref<2x10240x128xf32, #tpu.memory_space<hbm>> -> memref<1x128x128xf32, #tpu.memory_space<hbm>>
    %dma_wait3A_618 = tpu.memref_squeeze %dma_wait3A_617 : memref<1x128x128xf32, #tpu.memory_space<hbm>> -> memref<128x128xf32, #tpu.memory_space<hbm>>
    %dma_wait3A_619 = arith.constant 0 : i32
    %dma_wait3A_620 = arith.constant 0 : i32
    %dma_wait3A_621 = tpu.memref_slice %arg5[%arg0, %dma_wait3A_619, %dma_wait3A_620] : memref<2x10240x128xf32, #tpu.memory_space<hbm>> -> memref<1x128x128xf32, #tpu.memory_space<hbm>>
    %dma_wait3A_622 = tpu.memref_squeeze %dma_wait3A_621 : memref<1x128x128xf32, #tpu.memory_space<hbm>> -> memref<128x128xf32, #tpu.memory_space<hbm>>
    %dma_wait3A_623 = arith.constant 0 : i32
    %dma_wait3A_624 = arith.constant 0 : i32
    %dma_wait3A_625 = tpu.memref_slice %arg12[%dma_wait3A_610, %dma_wait3A_623, %dma_wait3A_624] : memref<2x128x128xf32, #tpu.memory_space<vmem>> -> memref<1x128x128xf32, #tpu.memory_space<vmem>>
    %dma_wait3A_626 = tpu.memref_squeeze %dma_wait3A_625 : memref<1x128x128xf32, #tpu.memory_space<vmem>> -> memref<128x128xf32, #tpu.memory_space<vmem>>
    tpu.wait_dma2 semaphore(%arg18 : memref<!tpu.dma_semaphore, #tpu.memory_space<semaphore_mem>>) src(%dma_wait3A_626 : memref<128x128xf32, #tpu.memory_space<vmem>>) dst(%dma_wait3A_622 : memref<128x128xf32, #tpu.memory_space<hbm>>)
    %run_scoped3A_627 = arith.constant 1 : i32
    "tpu.region"() ({
      %run_scoped3A_728 = tpu.sem_alloc : memref<!tpu.dma_semaphore, #tpu.memory_space<semaphore_mem>>
      %dma_start3A_729 = arith.constant 0 : i32
      %dma_start3A_730 = arith.constant 0 : i32
      %dma_start3A_731 = tpu.memref_slice %arg12[%run_scoped3A_627, %dma_start3A_729, %dma_start3A_730] : memref<2x128x128xf32, #tpu.memory_space<vmem>> -> memref<1x128x128xf32, #tpu.memory_space<vmem>>
      %dma_start3A_732 = tpu.memref_squeeze %dma_start3A_731 : memref<1x128x128xf32, #tpu.memory_space<vmem>> -> memref<128x128xf32, #tpu.memory_space<vmem>>
      %dma_start3A_733 = arith.constant 0 : i32
      %dma_start3A_734 = tpu.memref_slice %arg14[%add3A_609, %dma_start3A_733] : memref<10240x128xf32, #tpu.memory_space<vmem_shared>> -> memref<128x128xf32, #tpu.memory_space<vmem_shared>>
      %dma_start3A_735 = arith.constant 0 : i32
      %dma_start3A_736 = arith.constant 0 : i32
      %dma_start3A_737 = tpu.memref_slice %arg12[%run_scoped3A_627, %dma_start3A_735, %dma_start3A_736] : memref<2x128x128xf32, #tpu.memory_space<vmem>> -> memref<1x128x128xf32, #tpu.memory_space<vmem>>
      %dma_start3A_738 = tpu.memref_squeeze %dma_start3A_737 : memref<1x128x128xf32, #tpu.memory_space<vmem>> -> memref<128x128xf32, #tpu.memory_space<vmem>>
      %dma_start3A_739 = arith.constant 0 : i32
      %dma_start3A_740 = tpu.memref_slice %arg14[%add3A_609, %dma_start3A_739] : memref<10240x128xf32, #tpu.memory_space<vmem_shared>> -> memref<128x128xf32, #tpu.memory_space<vmem_shared>>
      tpu.enqueue_dma source(%dma_start3A_740 : memref<128x128xf32, #tpu.memory_space<vmem_shared>>) target(%dma_start3A_738 : memref<128x128xf32, #tpu.memory_space<vmem>>) target_semaphore(%run_scoped3A_728 : memref<!tpu.dma_semaphore, #tpu.memory_space<semaphore_mem>>)
      %dma_wait3A_741 = arith.constant 0 : i32
      %dma_wait3A_742 = arith.constant 0 : i32
      %dma_wait3A_743 = tpu.memref_slice %arg12[%run_scoped3A_627, %dma_wait3A_741, %dma_wait3A_742] : memref<2x128x128xf32, #tpu.memory_space<vmem>> -> memref<1x128x128xf32, #tpu.memory_space<vmem>>
      %dma_wait3A_744 = tpu.memref_squeeze %dma_wait3A_743 : memref<1x128x128xf32, #tpu.memory_space<vmem>> -> memref<128x128xf32, #tpu.memory_space<vmem>>
      %dma_wait3A_745 = arith.constant 0 : i32
      %dma_wait3A_746 = tpu.memref_slice %arg14[%add3A_609, %dma_wait3A_745] : memref<10240x128xf32, #tpu.memory_space<vmem_shared>> -> memref<128x128xf32, #tpu.memory_space<vmem_shared>>
      %dma_wait3A_747 = arith.constant 0 : i32
      %dma_wait3A_748 = arith.constant 0 : i32
      %dma_wait3A_749 = tpu.memref_slice %arg12[%run_scoped3A_627, %dma_wait3A_747, %dma_wait3A_748] : memref<2x128x128xf32, #tpu.memory_space<vmem>> -> memref<1x128x128xf32, #tpu.memory_space<vmem>>
      %dma_wait3A_750 = tpu.memref_squeeze %dma_wait3A_749 : memref<1x128x128xf32, #tpu.memory_space<vmem>> -> memref<128x128xf32, #tpu.memory_space<vmem>>
      %dma_wait3A_751 = arith.constant 0 : i32
      %dma_wait3A_752 = tpu.memref_slice %arg14[%add3A_609, %dma_wait3A_751] : memref<10240x128xf32, #tpu.memory_space<vmem_shared>> -> memref<128x128xf32, #tpu.memory_space<vmem_shared>>
      tpu.wait_dma2 semaphore(%run_scoped3A_728 : memref<!tpu.dma_semaphore, #tpu.memory_space<semaphore_mem>>) src(%dma_wait3A_752 : memref<128x128xf32, #tpu.memory_space<vmem_shared>>) dst(%dma_wait3A_750 : memref<128x128xf32, #tpu.memory_space<vmem>>)
      tpu.yield
    }) : () -> ()
    %dma_start3A_628 = arith.constant 1 : i32
    %dma_start3A_629 = arith.constant 0 : i32
    %dma_start3A_630 = arith.constant 0 : i32
    %dma_start3A_631 = tpu.memref_slice %arg12[%dma_start3A_628, %dma_start3A_629, %dma_start3A_630] : memref<2x128x128xf32, #tpu.memory_space<vmem>> -> memref<1x128x128xf32, #tpu.memory_space<vmem>>
    %dma_start3A_632 = tpu.memref_squeeze %dma_start3A_631 : memref<1x128x128xf32, #tpu.memory_space<vmem>> -> memref<128x128xf32, #tpu.memory_space<vmem>>
    %dma_start3A_633 = arith.constant 0 : i32
    %dma_start3A_634 = tpu.memref_slice %arg5[%arg0, %add3A_609, %dma_start3A_633] : memref<2x10240x128xf32, #tpu.memory_space<hbm>> -> memref<1x128x128xf32, #tpu.memory_space<hbm>>
    %dma_start3A_635 = tpu.memref_squeeze %dma_start3A_634 : memref<1x128x128xf32, #tpu.memory_space<hbm>> -> memref<128x128xf32, #tpu.memory_space<hbm>>
    %dma_start3A_636 = arith.constant 0 : i32
    %dma_start3A_637 = tpu.memref_slice %arg5[%arg0, %add3A_609, %dma_start3A_636] : memref<2x10240x128xf32, #tpu.memory_space<hbm>> -> memref<1x128x128xf32, #tpu.memory_space<hbm>>
    %dma_start3A_638 = tpu.memref_squeeze %dma_start3A_637 : memref<1x128x128xf32, #tpu.memory_space<hbm>> -> memref<128x128xf32, #tpu.memory_space<hbm>>
    %dma_start3A_639 = arith.constant 0 : i32
    %dma_start3A_640 = arith.constant 0 : i32
    %dma_start3A_641 = tpu.memref_slice %arg12[%dma_start3A_628, %dma_start3A_639, %dma_start3A_640] : memref<2x128x128xf32, #tpu.memory_space<vmem>> -> memref<1x128x128xf32, #tpu.memory_space<vmem>>
    %dma_start3A_642 = tpu.memref_squeeze %dma_start3A_641 : memref<1x128x128xf32, #tpu.memory_space<vmem>> -> memref<128x128xf32, #tpu.memory_space<vmem>>
    tpu.enqueue_dma source(%dma_start3A_642 : memref<128x128xf32, #tpu.memory_space<vmem>>) target(%dma_start3A_638 : memref<128x128xf32, #tpu.memory_space<hbm>>) target_semaphore(%arg18 : memref<!tpu.dma_semaphore, #tpu.memory_space<semaphore_mem>>)
    %mul3A_643 = arith.constant 640 : i32
    %mul3A_644 = arith.muli %arg1, %mul3A_643 : i32
    %add3A_645 = arith.constant 512 : i32
    %add3A_646 = arith.addi %mul3A_644, %add3A_645 : i32
    %dma_wait3A_647 = arith.constant 0 : i32
    %dma_wait3A_648 = arith.constant 0 : i32
    %dma_wait3A_649 = arith.constant 0 : i32
    %dma_wait3A_650 = tpu.memref_slice %arg12[%dma_wait3A_647, %dma_wait3A_648, %dma_wait3A_649] : memref<2x128x128xf32, #tpu.memory_space<vmem>> -> memref<1x128x128xf32, #tpu.memory_space<vmem>>
    %dma_wait3A_651 = tpu.memref_squeeze %dma_wait3A_650 : memref<1x128x128xf32, #tpu.memory_space<vmem>> -> memref<128x128xf32, #tpu.memory_space<vmem>>
    %dma_wait3A_652 = arith.constant 0 : i32
    %dma_wait3A_653 = arith.constant 0 : i32
    %dma_wait3A_654 = tpu.memref_slice %arg5[%arg0, %dma_wait3A_652, %dma_wait3A_653] : memref<2x10240x128xf32, #tpu.memory_space<hbm>> -> memref<1x128x128xf32, #tpu.memory_space<hbm>>
    %dma_wait3A_655 = tpu.memref_squeeze %dma_wait3A_654 : memref<1x128x128xf32, #tpu.memory_space<hbm>> -> memref<128x128xf32, #tpu.memory_space<hbm>>
    %dma_wait3A_656 = arith.constant 0 : i32
    %dma_wait3A_657 = arith.constant 0 : i32
    %dma_wait3A_658 = tpu.memref_slice %arg5[%arg0, %dma_wait3A_656, %dma_wait3A_657] : memref<2x10240x128xf32, #tpu.memory_space<hbm>> -> memref<1x128x128xf32, #tpu.memory_space<hbm>>
    %dma_wait3A_659 = tpu.memref_squeeze %dma_wait3A_658 : memref<1x128x128xf32, #tpu.memory_space<hbm>> -> memref<128x128xf32, #tpu.memory_space<hbm>>
    %dma_wait3A_660 = arith.constant 0 : i32
    %dma_wait3A_661 = arith.constant 0 : i32
    %dma_wait3A_662 = tpu.memref_slice %arg12[%dma_wait3A_647, %dma_wait3A_660, %dma_wait3A_661] : memref<2x128x128xf32, #tpu.memory_space<vmem>> -> memref<1x128x128xf32, #tpu.memory_space<vmem>>
    %dma_wait3A_663 = tpu.memref_squeeze %dma_wait3A_662 : memref<1x128x128xf32, #tpu.memory_space<vmem>> -> memref<128x128xf32, #tpu.memory_space<vmem>>
    tpu.wait_dma2 semaphore(%arg18 : memref<!tpu.dma_semaphore, #tpu.memory_space<semaphore_mem>>) src(%dma_wait3A_663 : memref<128x128xf32, #tpu.memory_space<vmem>>) dst(%dma_wait3A_659 : memref<128x128xf32, #tpu.memory_space<hbm>>)
    %run_scoped3A_664 = arith.constant 0 : i32
    "tpu.region"() ({
      %run_scoped3A_728 = tpu.sem_alloc : memref<!tpu.dma_semaphore, #tpu.memory_space<semaphore_mem>>
      %dma_start3A_729 = arith.constant 0 : i32
      %dma_start3A_730 = arith.constant 0 : i32
      %dma_start3A_731 = tpu.memref_slice %arg12[%run_scoped3A_664, %dma_start3A_729, %dma_start3A_730] : memref<2x128x128xf32, #tpu.memory_space<vmem>> -> memref<1x128x128xf32, #tpu.memory_space<vmem>>
      %dma_start3A_732 = tpu.memref_squeeze %dma_start3A_731 : memref<1x128x128xf32, #tpu.memory_space<vmem>> -> memref<128x128xf32, #tpu.memory_space<vmem>>
      %dma_start3A_733 = arith.constant 0 : i32
      %dma_start3A_734 = tpu.memref_slice %arg14[%add3A_646, %dma_start3A_733] : memref<10240x128xf32, #tpu.memory_space<vmem_shared>> -> memref<128x128xf32, #tpu.memory_space<vmem_shared>>
      %dma_start3A_735 = arith.constant 0 : i32
      %dma_start3A_736 = arith.constant 0 : i32
      %dma_start3A_737 = tpu.memref_slice %arg12[%run_scoped3A_664, %dma_start3A_735, %dma_start3A_736] : memref<2x128x128xf32, #tpu.memory_space<vmem>> -> memref<1x128x128xf32, #tpu.memory_space<vmem>>
      %dma_start3A_738 = tpu.memref_squeeze %dma_start3A_737 : memref<1x128x128xf32, #tpu.memory_space<vmem>> -> memref<128x128xf32, #tpu.memory_space<vmem>>
      %dma_start3A_739 = arith.constant 0 : i32
      %dma_start3A_740 = tpu.memref_slice %arg14[%add3A_646, %dma_start3A_739] : memref<10240x128xf32, #tpu.memory_space<vmem_shared>> -> memref<128x128xf32, #tpu.memory_space<vmem_shared>>
      tpu.enqueue_dma source(%dma_start3A_740 : memref<128x128xf32, #tpu.memory_space<vmem_shared>>) target(%dma_start3A_738 : memref<128x128xf32, #tpu.memory_space<vmem>>) target_semaphore(%run_scoped3A_728 : memref<!tpu.dma_semaphore, #tpu.memory_space<semaphore_mem>>)
      %dma_wait3A_741 = arith.constant 0 : i32
      %dma_wait3A_742 = arith.constant 0 : i32
      %dma_wait3A_743 = tpu.memref_slice %arg12[%run_scoped3A_664, %dma_wait3A_741, %dma_wait3A_742] : memref<2x128x128xf32, #tpu.memory_space<vmem>> -> memref<1x128x128xf32, #tpu.memory_space<vmem>>
      %dma_wait3A_744 = tpu.memref_squeeze %dma_wait3A_743 : memref<1x128x128xf32, #tpu.memory_space<vmem>> -> memref<128x128xf32, #tpu.memory_space<vmem>>
      %dma_wait3A_745 = arith.constant 0 : i32
      %dma_wait3A_746 = tpu.memref_slice %arg14[%add3A_646, %dma_wait3A_745] : memref<10240x128xf32, #tpu.memory_space<vmem_shared>> -> memref<128x128xf32, #tpu.memory_space<vmem_shared>>
      %dma_wait3A_747 = arith.constant 0 : i32
      %dma_wait3A_748 = arith.constant 0 : i32
      %dma_wait3A_749 = tpu.memref_slice %arg12[%run_scoped3A_664, %dma_wait3A_747, %dma_wait3A_748] : memref<2x128x128xf32, #tpu.memory_space<vmem>> -> memref<1x128x128xf32, #tpu.memory_space<vmem>>
      %dma_wait3A_750 = tpu.memref_squeeze %dma_wait3A_749 : memref<1x128x128xf32, #tpu.memory_space<vmem>> -> memref<128x128xf32, #tpu.memory_space<vmem>>
      %dma_wait3A_751 = arith.constant 0 : i32
      %dma_wait3A_752 = tpu.memref_slice %arg14[%add3A_646, %dma_wait3A_751] : memref<10240x128xf32, #tpu.memory_space<vmem_shared>> -> memref<128x128xf32, #tpu.memory_space<vmem_shared>>
      tpu.wait_dma2 semaphore(%run_scoped3A_728 : memref<!tpu.dma_semaphore, #tpu.memory_space<semaphore_mem>>) src(%dma_wait3A_752 : memref<128x128xf32, #tpu.memory_space<vmem_shared>>) dst(%dma_wait3A_750 : memref<128x128xf32, #tpu.memory_space<vmem>>)
      tpu.yield
    }) : () -> ()
    %dma_start3A_665 = arith.constant 0 : i32
    %dma_start3A_666 = arith.constant 0 : i32
    %dma_start3A_667 = arith.constant 0 : i32
    %dma_start3A_668 = tpu.memref_slice %arg12[%dma_start3A_665, %dma_start3A_666, %dma_start3A_667] : memref<2x128x128xf32, #tpu.memory_space<vmem>> -> memref<1x128x128xf32, #tpu.memory_space<vmem>>
    %dma_start3A_669 = tpu.memref_squeeze %dma_start3A_668 : memref<1x128x128xf32, #tpu.memory_space<vmem>> -> memref<128x128xf32, #tpu.memory_space<vmem>>
    %dma_start3A_670 = arith.constant 0 : i32
    %dma_start3A_671 = tpu.memref_slice %arg5[%arg0, %add3A_646, %dma_start3A_670] : memref<2x10240x128xf32, #tpu.memory_space<hbm>> -> memref<1x128x128xf32, #tpu.memory_space<hbm>>
    %dma_start3A_672 = tpu.memref_squeeze %dma_start3A_671 : memref<1x128x128xf32, #tpu.memory_space<hbm>> -> memref<128x128xf32, #tpu.memory_space<hbm>>
    %dma_start3A_673 = arith.constant 0 : i32
    %dma_start3A_674 = tpu.memref_slice %arg5[%arg0, %add3A_646, %dma_start3A_673] : memref<2x10240x128xf32, #tpu.memory_space<hbm>> -> memref<1x128x128xf32, #tpu.memory_space<hbm>>
    %dma_start3A_675 = tpu.memref_squeeze %dma_start3A_674 : memref<1x128x128xf32, #tpu.memory_space<hbm>> -> memref<128x128xf32, #tpu.memory_space<hbm>>
    %dma_start3A_676 = arith.constant 0 : i32
    %dma_start3A_677 = arith.constant 0 : i32
    %dma_start3A_678 = tpu.memref_slice %arg12[%dma_start3A_665, %dma_start3A_676, %dma_start3A_677] : memref<2x128x128xf32, #tpu.memory_space<vmem>> -> memref<1x128x128xf32, #tpu.memory_space<vmem>>
    %dma_start3A_679 = tpu.memref_squeeze %dma_start3A_678 : memref<1x128x128xf32, #tpu.memory_space<vmem>> -> memref<128x128xf32, #tpu.memory_space<vmem>>
    tpu.enqueue_dma source(%dma_start3A_679 : memref<128x128xf32, #tpu.memory_space<vmem>>) target(%dma_start3A_675 : memref<128x128xf32, #tpu.memory_space<hbm>>) target_semaphore(%arg18 : memref<!tpu.dma_semaphore, #tpu.memory_space<semaphore_mem>>)
    %mul3A_680 = arith.constant 1920 : i32
    %mul3A_681 = arith.muli %arg1, %mul3A_680 : i32
    "tpu.region"() ({
      %run_scoped3A_728 = tpu.sem_alloc : memref<!tpu.dma_semaphore, #tpu.memory_space<semaphore_mem>>
      %dma_start3A_729 = tpu.memref_slice %arg15[%mul3A_681] : memref<30720xf32, #tpu.memory_space<vmem_shared>> -> memref<1920xf32, #tpu.memory_space<vmem_shared>>
      %dma_start3A_730 = tpu.memref_slice %arg15[%mul3A_681] : memref<30720xf32, #tpu.memory_space<vmem_shared>> -> memref<1920xf32, #tpu.memory_space<vmem_shared>>
      tpu.enqueue_dma source(%dma_start3A_730 : memref<1920xf32, #tpu.memory_space<vmem_shared>>) target(%arg13 : memref<1920xf32, #tpu.memory_space<vmem>>) target_semaphore(%run_scoped3A_728 : memref<!tpu.dma_semaphore, #tpu.memory_space<semaphore_mem>>)
      %dma_wait3A_731 = tpu.memref_slice %arg15[%mul3A_681] : memref<30720xf32, #tpu.memory_space<vmem_shared>> -> memref<1920xf32, #tpu.memory_space<vmem_shared>>
      %dma_wait3A_732 = tpu.memref_slice %arg15[%mul3A_681] : memref<30720xf32, #tpu.memory_space<vmem_shared>> -> memref<1920xf32, #tpu.memory_space<vmem_shared>>
      tpu.wait_dma2 semaphore(%run_scoped3A_728 : memref<!tpu.dma_semaphore, #tpu.memory_space<semaphore_mem>>) src(%dma_wait3A_732 : memref<1920xf32, #tpu.memory_space<vmem_shared>>) dst(%arg13 : memref<1920xf32, #tpu.memory_space<vmem>>)
      tpu.yield
    }) : () -> ()
    %mul3A_682 = arith.constant 1920 : i32
    %mul3A_683 = arith.muli %arg1, %mul3A_682 : i32
    %dma_start3A_684 = tpu.memref_slice %arg6[%arg0, %mul3A_683] : memref<2x30720xf32, #tpu.memory_space<hbm>> -> memref<1x1920xf32, #tpu.memory_space<hbm>>
    %dma_start3A_685 = tpu.memref_squeeze %dma_start3A_684 : memref<1x1920xf32, #tpu.memory_space<hbm>> -> memref<1920xf32, #tpu.memory_space<hbm>>
    %dma_start3A_686 = tpu.memref_slice %arg6[%arg0, %mul3A_683] : memref<2x30720xf32, #tpu.memory_space<hbm>> -> memref<1x1920xf32, #tpu.memory_space<hbm>>
    %dma_start3A_687 = tpu.memref_squeeze %dma_start3A_686 : memref<1x1920xf32, #tpu.memory_space<hbm>> -> memref<1920xf32, #tpu.memory_space<hbm>>
    tpu.enqueue_dma source(%arg13 : memref<1920xf32, #tpu.memory_space<vmem>>) target(%dma_start3A_687 : memref<1920xf32, #tpu.memory_space<hbm>>) target_semaphore(%arg18 : memref<!tpu.dma_semaphore, #tpu.memory_space<semaphore_mem>>)
    %dma_wait3A_688 = arith.constant 1 : i32
    %dma_wait3A_689 = arith.constant 0 : i32
    %dma_wait3A_690 = arith.constant 0 : i32
    %dma_wait3A_691 = tpu.memref_slice %arg12[%dma_wait3A_688, %dma_wait3A_689, %dma_wait3A_690] : memref<2x128x128xf32, #tpu.memory_space<vmem>> -> memref<1x128x128xf32, #tpu.memory_space<vmem>>
    %dma_wait3A_692 = tpu.memref_squeeze %dma_wait3A_691 : memref<1x128x128xf32, #tpu.memory_space<vmem>> -> memref<128x128xf32, #tpu.memory_space<vmem>>
    %dma_wait3A_693 = arith.constant 0 : i32
    %dma_wait3A_694 = arith.constant 0 : i32
    %dma_wait3A_695 = tpu.memref_slice %arg5[%arg0, %dma_wait3A_693, %dma_wait3A_694] : memref<2x10240x128xf32, #tpu.memory_space<hbm>> -> memref<1x128x128xf32, #tpu.memory_space<hbm>>
    %dma_wait3A_696 = tpu.memref_squeeze %dma_wait3A_695 : memref<1x128x128xf32, #tpu.memory_space<hbm>> -> memref<128x128xf32, #tpu.memory_space<hbm>>
    %dma_wait3A_697 = arith.constant 0 : i32
    %dma_wait3A_698 = arith.constant 0 : i32
    %dma_wait3A_699 = tpu.memref_slice %arg5[%arg0, %dma_wait3A_697, %dma_wait3A_698] : memref<2x10240x128xf32, #tpu.memory_space<hbm>> -> memref<1x128x128xf32, #tpu.memory_space<hbm>>
    %dma_wait3A_700 = tpu.memref_squeeze %dma_wait3A_699 : memref<1x128x128xf32, #tpu.memory_space<hbm>> -> memref<128x128xf32, #tpu.memory_space<hbm>>
    %dma_wait3A_701 = arith.constant 0 : i32
    %dma_wait3A_702 = arith.constant 0 : i32
    %dma_wait3A_703 = tpu.memref_slice %arg12[%dma_wait3A_688, %dma_wait3A_701, %dma_wait3A_702] : memref<2x128x128xf32, #tpu.memory_space<vmem>> -> memref<1x128x128xf32, #tpu.memory_space<vmem>>
    %dma_wait3A_704 = tpu.memref_squeeze %dma_wait3A_703 : memref<1x128x128xf32, #tpu.memory_space<vmem>> -> memref<128x128xf32, #tpu.memory_space<vmem>>
    tpu.wait_dma2 semaphore(%arg18 : memref<!tpu.dma_semaphore, #tpu.memory_space<semaphore_mem>>) src(%dma_wait3A_704 : memref<128x128xf32, #tpu.memory_space<vmem>>) dst(%dma_wait3A_700 : memref<128x128xf32, #tpu.memory_space<hbm>>)
    %dma_wait3A_705 = arith.constant 0 : i32
    %dma_wait3A_706 = arith.constant 0 : i32
    %dma_wait3A_707 = arith.constant 0 : i32
    %dma_wait3A_708 = tpu.memref_slice %arg12[%dma_wait3A_705, %dma_wait3A_706, %dma_wait3A_707] : memref<2x128x128xf32, #tpu.memory_space<vmem>> -> memref<1x128x128xf32, #tpu.memory_space<vmem>>
    %dma_wait3A_709 = tpu.memref_squeeze %dma_wait3A_708 : memref<1x128x128xf32, #tpu.memory_space<vmem>> -> memref<128x128xf32, #tpu.memory_space<vmem>>
    %dma_wait3A_710 = arith.constant 0 : i32
    %dma_wait3A_711 = arith.constant 0 : i32
    %dma_wait3A_712 = tpu.memref_slice %arg5[%arg0, %dma_wait3A_710, %dma_wait3A_711] : memref<2x10240x128xf32, #tpu.memory_space<hbm>> -> memref<1x128x128xf32, #tpu.memory_space<hbm>>
    %dma_wait3A_713 = tpu.memref_squeeze %dma_wait3A_712 : memref<1x128x128xf32, #tpu.memory_space<hbm>> -> memref<128x128xf32, #tpu.memory_space<hbm>>
    %dma_wait3A_714 = arith.constant 0 : i32
    %dma_wait3A_715 = arith.constant 0 : i32
    %dma_wait3A_716 = tpu.memref_slice %arg5[%arg0, %dma_wait3A_714, %dma_wait3A_715] : memref<2x10240x128xf32, #tpu.memory_space<hbm>> -> memref<1x128x128xf32, #tpu.memory_space<hbm>>
    %dma_wait3A_717 = tpu.memref_squeeze %dma_wait3A_716 : memref<1x128x128xf32, #tpu.memory_space<hbm>> -> memref<128x128xf32, #tpu.memory_space<hbm>>
    %dma_wait3A_718 = arith.constant 0 : i32
    %dma_wait3A_719 = arith.constant 0 : i32
    %dma_wait3A_720 = tpu.memref_slice %arg12[%dma_wait3A_705, %dma_wait3A_718, %dma_wait3A_719] : memref<2x128x128xf32, #tpu.memory_space<vmem>> -> memref<1x128x128xf32, #tpu.memory_space<vmem>>
    %dma_wait3A_721 = tpu.memref_squeeze %dma_wait3A_720 : memref<1x128x128xf32, #tpu.memory_space<vmem>> -> memref<128x128xf32, #tpu.memory_space<vmem>>
    tpu.wait_dma2 semaphore(%arg18 : memref<!tpu.dma_semaphore, #tpu.memory_space<semaphore_mem>>) src(%dma_wait3A_721 : memref<128x128xf32, #tpu.memory_space<vmem>>) dst(%dma_wait3A_717 : memref<128x128xf32, #tpu.memory_space<hbm>>)
    %dma_wait3A_722 = arith.constant 0 : i32
    %dma_wait3A_723 = tpu.memref_slice %arg6[%arg0, %dma_wait3A_722] : memref<2x30720xf32, #tpu.memory_space<hbm>> -> memref<1x1920xf32, #tpu.memory_space<hbm>>
    %dma_wait3A_724 = tpu.memref_squeeze %dma_wait3A_723 : memref<1x1920xf32, #tpu.memory_space<hbm>> -> memref<1920xf32, #tpu.memory_space<hbm>>
    %dma_wait3A_725 = arith.constant 0 : i32
    %dma_wait3A_726 = tpu.memref_slice %arg6[%arg0, %dma_wait3A_725] : memref<2x30720xf32, #tpu.memory_space<hbm>> -> memref<1x1920xf32, #tpu.memory_space<hbm>>
    %dma_wait3A_727 = tpu.memref_squeeze %dma_wait3A_726 : memref<1x1920xf32, #tpu.memory_space<hbm>> -> memref<1920xf32, #tpu.memory_space<hbm>>
    tpu.wait_dma2 semaphore(%arg18 : memref<!tpu.dma_semaphore, #tpu.memory_space<semaphore_mem>>) src(%arg13 : memref<1920xf32, #tpu.memory_space<vmem>>) dst(%dma_wait3A_727 : memref<1920xf32, #tpu.memory_space<hbm>>)
    return
  }
}

module attributes {stable_mosaic.version = 14 : i64} {
  func.func @_ybuild_body(%arg0: i32, %arg1: memref<2000x128xf32, #tpu.memory_space<vmem>>, %arg2: memref<128x128xf32, #tpu.memory_space<vmem>>, %arg3: memref<128x128xf32, #tpu.memory_space<vmem>>, %arg4: memref<128x128xf32, #tpu.memory_space<vmem>>, %arg5: memref<3x2000x128xf32, #tpu.memory_space<vmem>>) attributes {dimension_semantics = [#tpu.dimension_semantics<arbitrary>], iteration_bounds = array<i64: 5>, scalar_prefetch = 0 : i64, scratch_operands = 0 : i64, tpu.core_type = #tpu.core_type<tc>, window_params = [{transform_indices = @transform_0, window_bounds = array<i64: 2000, 128>}, {pipeline_mode = #tpu.pipeline_mode<synchronous>, transform_indices = @transform_1, window_bounds = array<i64: 128, 128>}, {pipeline_mode = #tpu.pipeline_mode<synchronous>, transform_indices = @transform_2, window_bounds = array<i64: 128, 128>}, {pipeline_mode = #tpu.pipeline_mode<synchronous>, transform_indices = @transform_3, window_bounds = array<i64: 128, 128>}, {transform_indices = @transform_4, window_bounds = array<i64: 3, 2000, 128>}]} {
    %get3A = arith.constant 0 : index
    %get3A_0 = arith.constant 0 : index
    %get3A_1 = vector.load %arg1[%get3A, %get3A_0] : memref<2000x128xf32, #tpu.memory_space<vmem>>, vector<2000x128xf32>
    %get3A_2 = arith.constant 0 : index
    %get3A_3 = arith.constant 0 : index
    %get3A_4 = vector.load %arg2[%get3A_2, %get3A_3] : memref<128x128xf32, #tpu.memory_space<vmem>>, vector<128x128xf32>
    %dot_general3A = arith.constant dense<0.000000e+00> : vector<2000x128xf32>
    %dot_general3A_5 = tpu.matmul %get3A_1, %get3A_4, %dot_general3A {dimension_numbers = #tpu.dot_dimension_numbers<[1], [1], [0], [0], [0, 0, 1, 0], [], []>, transpose_lhs_hint = false} : vector<2000x128xf32>, vector<128x128xf32>, vector<2000x128xf32> -> vector<2000x128xf32>
    %swap3A = arith.constant 0 : index
    %swap3A_6 = arith.constant 0 : index
    %swap3A_7 = arith.constant 0 : index
    %swap3A_8 = vector.load %arg5[%swap3A, %swap3A_6, %swap3A_7] : memref<3x2000x128xf32, #tpu.memory_space<vmem>>, vector<1x2000x128xf32>
    %swap3A_9 = vector.shape_cast %swap3A_8 : vector<1x2000x128xf32> to vector<2000x128xf32>
    %swap3A_10 = vector.shape_cast %dot_general3A_5 : vector<2000x128xf32> to vector<1x2000x128xf32>
    tpu.vector_store %arg5[%swap3A, %swap3A_6, %swap3A_7], %swap3A_10 {strides = array<i32>} : memref<3x2000x128xf32, #tpu.memory_space<vmem>>, vector<1x2000x128xf32>,
    %get3A_11 = arith.constant 0 : index
    %get3A_12 = arith.constant 0 : index
    %get3A_13 = vector.load %arg3[%get3A_11, %get3A_12] : memref<128x128xf32, #tpu.memory_space<vmem>>, vector<128x128xf32>
    %dot_general3A_14 = arith.constant dense<0.000000e+00> : vector<2000x128xf32>
    %dot_general3A_15 = tpu.matmul %get3A_1, %get3A_13, %dot_general3A_14 {dimension_numbers = #tpu.dot_dimension_numbers<[1], [1], [0], [0], [0, 0, 1, 0], [], []>, transpose_lhs_hint = false} : vector<2000x128xf32>, vector<128x128xf32>, vector<2000x128xf32> -> vector<2000x128xf32>
    %swap3A_16 = arith.constant 1 : index
    %swap3A_17 = arith.constant 0 : index
    %swap3A_18 = arith.constant 0 : index
    %swap3A_19 = vector.load %arg5[%swap3A_16, %swap3A_17, %swap3A_18] : memref<3x2000x128xf32, #tpu.memory_space<vmem>>, vector<1x2000x128xf32>
    %swap3A_20 = vector.shape_cast %swap3A_19 : vector<1x2000x128xf32> to vector<2000x128xf32>
    %swap3A_21 = vector.shape_cast %dot_general3A_15 : vector<2000x128xf32> to vector<1x2000x128xf32>
    tpu.vector_store %arg5[%swap3A_16, %swap3A_17, %swap3A_18], %swap3A_21 {strides = array<i32>} : memref<3x2000x128xf32, #tpu.memory_space<vmem>>, vector<1x2000x128xf32>,
    %get3A_22 = arith.constant 0 : index
    %get3A_23 = arith.constant 0 : index
    %get3A_24 = vector.load %arg4[%get3A_22, %get3A_23] : memref<128x128xf32, #tpu.memory_space<vmem>>, vector<128x128xf32>
    %dot_general3A_25 = arith.constant dense<0.000000e+00> : vector<2000x128xf32>
    %dot_general3A_26 = tpu.matmul %get3A_1, %get3A_24, %dot_general3A_25 {dimension_numbers = #tpu.dot_dimension_numbers<[1], [1], [0], [0], [0, 0, 1, 0], [], []>, transpose_lhs_hint = false} : vector<2000x128xf32>, vector<128x128xf32>, vector<2000x128xf32> -> vector<2000x128xf32>
    %swap3A_27 = arith.constant 2 : index
    %swap3A_28 = arith.constant 0 : index
    %swap3A_29 = arith.constant 0 : index
    %swap3A_30 = vector.load %arg5[%swap3A_27, %swap3A_28, %swap3A_29] : memref<3x2000x128xf32, #tpu.memory_space<vmem>>, vector<1x2000x128xf32>
    %swap3A_31 = vector.shape_cast %swap3A_30 : vector<1x2000x128xf32> to vector<2000x128xf32>
    %swap3A_32 = vector.shape_cast %dot_general3A_26 : vector<2000x128xf32> to vector<1x2000x128xf32>
    tpu.vector_store %arg5[%swap3A_27, %swap3A_28, %swap3A_29], %swap3A_32 {strides = array<i32>} : memref<3x2000x128xf32, #tpu.memory_space<vmem>>, vector<1x2000x128xf32>,
    return
  }
  func.func @transform_0(%arg0: i32) -> (i32, i32) {
    %c0_i32 = arith.constant 0 : i32
    %c0_i32_0 = arith.constant 0 : i32
    return %arg0, %c0_i32 : i32, i32
  }
  func.func @transform_1(%arg0: i32) -> (i32, i32) {
    %c0_i32 = arith.constant 0 : i32
    %c0_i32_0 = arith.constant 0 : i32
    %c0_i32_1 = arith.constant 0 : i32
    return %c0_i32, %c0_i32_0 : i32, i32
  }
  func.func @transform_2(%arg0: i32) -> (i32, i32) {
    %c0_i32 = arith.constant 0 : i32
    %c0_i32_0 = arith.constant 0 : i32
    %c0_i32_1 = arith.constant 0 : i32
    return %c0_i32, %c0_i32_0 : i32, i32
  }
  func.func @transform_3(%arg0: i32) -> (i32, i32) {
    %c0_i32 = arith.constant 0 : i32
    %c0_i32_0 = arith.constant 0 : i32
    %c0_i32_1 = arith.constant 0 : i32
    return %c0_i32, %c0_i32_0 : i32, i32
  }
  func.func @transform_4(%arg0: i32) -> (i32, i32, i32) {
    %c0_i32 = arith.constant 0 : i32
    %c0_i32_0 = arith.constant 0 : i32
    %c0_i32_1 = arith.constant 0 : i32
    return %c0_i32, %arg0, %c0_i32_0 : i32, i32, i32
  }
}

module attributes {stable_mosaic.version = 14 : i64} {
  func.func @_combine_body(%arg0: i32, %arg1: memref<2x2048x128xf32, #tpu.memory_space<vmem>>, %arg2: memref<2x3x2048xf32, #tpu.memory_space<vmem>>, %arg3: memref<2048x128xf32, #tpu.memory_space<vmem>>, %arg4: memref<128x128xf32, #tpu.memory_space<vmem>>, %arg5: memref<128x128xf32, #tpu.memory_space<vmem>>, %arg6: memref<128x128xf32, #tpu.memory_space<vmem>>, %arg7: memref<128x128xf32, #tpu.memory_space<vmem>>, %arg8: memref<1x128xf32, #tpu.memory_space<vmem>>, %arg9: memref<1x128xf32, #tpu.memory_space<vmem>>, %arg10: memref<1x128xf32, #tpu.memory_space<vmem>>, %arg11: memref<1x128xf32, #tpu.memory_space<vmem>>, %arg12: memref<2048x128xf32, #tpu.memory_space<vmem>>) attributes {dimension_semantics = [#tpu.dimension_semantics<arbitrary>], iteration_bounds = array<i64: 5>, scalar_prefetch = 0 : i64, scratch_operands = 0 : i64, tpu.core_type = #tpu.core_type<tc>, window_params = [{transform_indices = @transform_0, window_bounds = array<i64: 2, 2048, 128>}, {transform_indices = @transform_1, window_bounds = array<i64: 2, 3, 2048>}, {transform_indices = @transform_2, window_bounds = array<i64: 2048, 128>}, {pipeline_mode = #tpu.pipeline_mode<synchronous>, transform_indices = @transform_3, window_bounds = array<i64: 128, 128>}, {pipeline_mode = #tpu.pipeline_mode<synchronous>, transform_indices = @transform_4, window_bounds = array<i64: 128, 128>}, {pipeline_mode = #tpu.pipeline_mode<synchronous>, transform_indices = @transform_5, window_bounds = array<i64: 128, 128>}, {pipeline_mode = #tpu.pipeline_mode<synchronous>, transform_indices = @transform_6, window_bounds = array<i64: 128, 128>}, {pipeline_mode = #tpu.pipeline_mode<synchronous>, transform_indices = @transform_7, window_bounds = array<i64: 1, 128>}, {pipeline_mode = #tpu.pipeline_mode<synchronous>, transform_indices = @transform_8, window_bounds = array<i64: 1, 128>}, {pipeline_mode = #tpu.pipeline_mode<synchronous>, transform_indices = @transform_9, window_bounds = array<i64: 1, 128>}, {pipeline_mode = #tpu.pipeline_mode<synchronous>, transform_indices = @transform_10, window_bounds = array<i64: 1, 128>}, {transform_indices = @transform_11, window_bounds = array<i64: 2048, 128>}]} {
    %get3A = arith.constant 0 : index
    %get3A_0 = arith.constant 0 : index
    %get3A_1 = arith.constant 0 : index
    %get3A_2 = vector.load %arg1[%get3A, %get3A_0, %get3A_1] : memref<2x2048x128xf32, #tpu.memory_space<vmem>>, vector<1x2048x128xf32>
    %get3A_3 = vector.shape_cast %get3A_2 : vector<1x2048x128xf32> to vector<2048x128xf32>
    %get3A_4 = arith.constant 1 : index
    %get3A_5 = arith.constant 0 : index
    %get3A_6 = arith.constant 0 : index
    %get3A_7 = vector.load %arg1[%get3A_4, %get3A_5, %get3A_6] : memref<2x2048x128xf32, #tpu.memory_space<vmem>>, vector<1x2048x128xf32>
    %get3A_8 = vector.shape_cast %get3A_7 : vector<1x2048x128xf32> to vector<2048x128xf32>
    %add3A = arith.addf %get3A_3, %get3A_8 : vector<2048x128xf32>
    %get3A_9 = arith.constant 0 : index
    %get3A_10 = arith.constant 0 : index
    %get3A_11 = arith.constant 0 : index
    %get3A_12 = vector.load %arg2[%get3A_9, %get3A_10, %get3A_11] : memref<2x3x2048xf32, #tpu.memory_space<vmem>>, vector<1x3x2048xf32>
    %get3A_13 = vector.shape_cast %get3A_12 : vector<1x3x2048xf32> to vector<3x2048xf32>
    %get3A_14 = arith.constant 1 : index
    %get3A_15 = arith.constant 0 : index
    %get3A_16 = arith.constant 0 : index
    %get3A_17 = vector.load %arg2[%get3A_14, %get3A_15, %get3A_16] : memref<2x3x2048xf32, #tpu.memory_space<vmem>>, vector<1x3x2048xf32>
    %get3A_18 = vector.shape_cast %get3A_17 : vector<1x3x2048xf32> to vector<3x2048xf32>
    %add3A_19 = arith.addf %get3A_13, %get3A_18 : vector<3x2048xf32>
    %transpose3A = tpu.transpose %add3A_19, [1, 0] : vector<3x2048xf32> -> vector<2048x3xf32>
    %get3A_20 = arith.constant 0 : index
    %get3A_21 = arith.constant 0 : index
    %get3A_22 = vector.load %arg3[%get3A_20, %get3A_21] : memref<2048x128xf32, #tpu.memory_space<vmem>>, vector<2048x128xf32>
    %broadcast_in_dim3A = arith.constant 0.000000e+00 : f32
    %broadcast_in_dim3A_23 = vector.broadcast %broadcast_in_dim3A : f32 to vector<2048x128xf32>
    %get3A_24 = arith.constant 0 : index
    %get3A_25 = arith.constant 0 : index
    %get3A_26 = vector.load %arg4[%get3A_24, %get3A_25] : memref<128x128xf32, #tpu.memory_space<vmem>>, vector<128x128xf32>
    %dot_general3A = arith.constant dense<0.000000e+00> : vector<2048x128xf32>
    %dot_general3A_27 = tpu.matmul %get3A_22, %get3A_26, %dot_general3A {dimension_numbers = #tpu.dot_dimension_numbers<[1], [1], [0], [0], [0, 0, 1, 0], [], []>, transpose_lhs_hint = false} : vector<2048x128xf32>, vector<128x128xf32>, vector<2048x128xf32> -> vector<2048x128xf32>
    %slice3A = vector.extract_strided_slice %transpose3A {offsets = [0, 0], sizes = [2048, 1], strides = [1, 1]} : vector<2048x3xf32> to vector<2048x1xf32>
    %get3A_28 = arith.constant 0 : index
    %get3A_29 = arith.constant 0 : index
    %get3A_30 = vector.load %arg8[%get3A_28, %get3A_29] : memref<1x128xf32, #tpu.memory_space<vmem>>, vector<1x128xf32>
    %sub3A = vector.broadcast %get3A_30 : vector<1x128xf32> to vector<2048x128xf32>
    %sub3A_31 = arith.subf %dot_general3A_27, %sub3A : vector<2048x128xf32>
    %mul3A = vector.broadcast %slice3A : vector<2048x1xf32> to vector<2048x128xf32>
    %mul3A_32 = arith.mulf %mul3A, %sub3A_31 : vector<2048x128xf32>
    %add3A_33 = arith.addf %broadcast_in_dim3A_23, %mul3A_32 : vector<2048x128xf32>
    %get3A_34 = arith.constant 0 : index
    %get3A_35 = arith.constant 0 : index
    %get3A_36 = vector.load %arg5[%get3A_34, %get3A_35] : memref<128x128xf32, #tpu.memory_space<vmem>>, vector<128x128xf32>
    %dot_general3A_37 = arith.constant dense<0.000000e+00> : vector<2048x128xf32>
    %dot_general3A_38 = tpu.matmul %get3A_22, %get3A_36, %dot_general3A_37 {dimension_numbers = #tpu.dot_dimension_numbers<[1], [1], [0], [0], [0, 0, 1, 0], [], []>, transpose_lhs_hint = false} : vector<2048x128xf32>, vector<128x128xf32>, vector<2048x128xf32> -> vector<2048x128xf32>
    %slice3A_39 = vector.extract_strided_slice %transpose3A {offsets = [0, 1], sizes = [2048, 1], strides = [1, 1]} : vector<2048x3xf32> to vector<2048x1xf32>
    %get3A_40 = arith.constant 0 : index
    %get3A_41 = arith.constant 0 : index
    %get3A_42 = vector.load %arg9[%get3A_40, %get3A_41] : memref<1x128xf32, #tpu.memory_space<vmem>>, vector<1x128xf32>
    %sub3A_43 = vector.broadcast %get3A_42 : vector<1x128xf32> to vector<2048x128xf32>
    %sub3A_44 = arith.subf %dot_general3A_38, %sub3A_43 : vector<2048x128xf32>
    %mul3A_45 = vector.broadcast %slice3A_39 : vector<2048x1xf32> to vector<2048x128xf32>
    %mul3A_46 = arith.mulf %mul3A_45, %sub3A_44 : vector<2048x128xf32>
    %add3A_47 = arith.addf %add3A_33, %mul3A_46 : vector<2048x128xf32>
    %get3A_48 = arith.constant 0 : index
    %get3A_49 = arith.constant 0 : index
    %get3A_50 = vector.load %arg6[%get3A_48, %get3A_49] : memref<128x128xf32, #tpu.memory_space<vmem>>, vector<128x128xf32>
    %dot_general3A_51 = arith.constant dense<0.000000e+00> : vector<2048x128xf32>
    %dot_general3A_52 = tpu.matmul %get3A_22, %get3A_50, %dot_general3A_51 {dimension_numbers = #tpu.dot_dimension_numbers<[1], [1], [0], [0], [0, 0, 1, 0], [], []>, transpose_lhs_hint = false} : vector<2048x128xf32>, vector<128x128xf32>, vector<2048x128xf32> -> vector<2048x128xf32>
    %slice3A_53 = vector.extract_strided_slice %transpose3A {offsets = [0, 2], sizes = [2048, 1], strides = [1, 1]} : vector<2048x3xf32> to vector<2048x1xf32>
    %get3A_54 = arith.constant 0 : index
    %get3A_55 = arith.constant 0 : index
    %get3A_56 = vector.load %arg10[%get3A_54, %get3A_55] : memref<1x128xf32, #tpu.memory_space<vmem>>, vector<1x128xf32>
    %sub3A_57 = vector.broadcast %get3A_56 : vector<1x128xf32> to vector<2048x128xf32>
    %sub3A_58 = arith.subf %dot_general3A_52, %sub3A_57 : vector<2048x128xf32>
    %mul3A_59 = vector.broadcast %slice3A_53 : vector<2048x1xf32> to vector<2048x128xf32>
    %mul3A_60 = arith.mulf %mul3A_59, %sub3A_58 : vector<2048x128xf32>
    %add3A_61 = arith.addf %add3A_47, %mul3A_60 : vector<2048x128xf32>
    %get3A_62 = arith.constant 0 : index
    %get3A_63 = arith.constant 0 : index
    %get3A_64 = vector.load %arg7[%get3A_62, %get3A_63] : memref<128x128xf32, #tpu.memory_space<vmem>>, vector<128x128xf32>
    %dot_general3A_65 = arith.constant dense<0.000000e+00> : vector<2048x128xf32>
    %dot_general3A_66 = tpu.matmul %get3A_22, %get3A_64, %dot_general3A_65 {dimension_numbers = #tpu.dot_dimension_numbers<[1], [1], [0], [0], [0, 0, 1, 0], [], []>, transpose_lhs_hint = false} : vector<2048x128xf32>, vector<128x128xf32>, vector<2048x128xf32> -> vector<2048x128xf32>
    %sub3A_67 = arith.subf %add3A, %add3A_61 : vector<2048x128xf32>
    %add3A_68 = arith.addf %sub3A_67, %dot_general3A_66 : vector<2048x128xf32>
    %get3A_69 = arith.constant 0 : index
    %get3A_70 = arith.constant 0 : index
    %get3A_71 = vector.load %arg11[%get3A_69, %get3A_70] : memref<1x128xf32, #tpu.memory_space<vmem>>, vector<1x128xf32>
    %add3A_72 = vector.broadcast %get3A_71 : vector<1x128xf32> to vector<2048x128xf32>
    %add3A_73 = arith.addf %add3A_68, %add3A_72 : vector<2048x128xf32>
    %swap3A = arith.constant 0 : index
    %swap3A_74 = arith.constant 0 : index
    %swap3A_75 = vector.load %arg12[%swap3A, %swap3A_74] : memref<2048x128xf32, #tpu.memory_space<vmem>>, vector<2048x128xf32>
    tpu.vector_store %arg12[%swap3A, %swap3A_74], %add3A_73 {strides = array<i32>} : memref<2048x128xf32, #tpu.memory_space<vmem>>, vector<2048x128xf32>,
    return
  }
  func.func @transform_0(%arg0: i32) -> (i32, i32, i32) {
    %c0_i32 = arith.constant 0 : i32
    %c0_i32_0 = arith.constant 0 : i32
    %c0_i32_1 = arith.constant 0 : i32
    return %c0_i32, %arg0, %c0_i32_0 : i32, i32, i32
  }
  func.func @transform_1(%arg0: i32) -> (i32, i32, i32) {
    %c0_i32 = arith.constant 0 : i32
    %c0_i32_0 = arith.constant 0 : i32
    %c0_i32_1 = arith.constant 0 : i32
    return %c0_i32, %c0_i32_0, %arg0 : i32, i32, i32
  }
  func.func @transform_2(%arg0: i32) -> (i32, i32) {
    %c0_i32 = arith.constant 0 : i32
    %c0_i32_0 = arith.constant 0 : i32
    return %arg0, %c0_i32 : i32, i32
  }
  func.func @transform_3(%arg0: i32) -> (i32, i32) {
    %c0_i32 = arith.constant 0 : i32
    %c0_i32_0 = arith.constant 0 : i32
    %c0_i32_1 = arith.constant 0 : i32
    return %c0_i32, %c0_i32_0 : i32, i32
  }
  func.func @transform_4(%arg0: i32) -> (i32, i32) {
    %c0_i32 = arith.constant 0 : i32
    %c0_i32_0 = arith.constant 0 : i32
    %c0_i32_1 = arith.constant 0 : i32
    return %c0_i32, %c0_i32_0 : i32, i32
  }
  func.func @transform_5(%arg0: i32) -> (i32, i32) {
    %c0_i32 = arith.constant 0 : i32
    %c0_i32_0 = arith.constant 0 : i32
    %c0_i32_1 = arith.constant 0 : i32
    return %c0_i32, %c0_i32_0 : i32, i32
  }
  func.func @transform_6(%arg0: i32) -> (i32, i32) {
    %c0_i32 = arith.constant 0 : i32
    %c0_i32_0 = arith.constant 0 : i32
    %c0_i32_1 = arith.constant 0 : i32
    return %c0_i32, %c0_i32_0 : i32, i32
  }
  func.func @transform_7(%arg0: i32) -> (i32, i32) {
    %c0_i32 = arith.constant 0 : i32
    %c0_i32_0 = arith.constant 0 : i32
    %c0_i32_1 = arith.constant 0 : i32
    return %c0_i32, %c0_i32_0 : i32, i32
  }
  func.func @transform_8(%arg0: i32) -> (i32, i32) {
    %c0_i32 = arith.constant 0 : i32
    %c0_i32_0 = arith.constant 0 : i32
    %c0_i32_1 = arith.constant 0 : i32
    return %c0_i32, %c0_i32_0 : i32, i32
  }
  func.func @transform_9(%arg0: i32) -> (i32, i32) {
    %c0_i32 = arith.constant 0 : i32
    %c0_i32_0 = arith.constant 0 : i32
    %c0_i32_1 = arith.constant 0 : i32
    return %c0_i32, %c0_i32_0 : i32, i32
  }
  func.func @transform_10(%arg0: i32) -> (i32, i32) {
    %c0_i32 = arith.constant 0 : i32
    %c0_i32_0 = arith.constant 0 : i32
    %c0_i32_1 = arith.constant 0 : i32
    return %c0_i32, %c0_i32_0 : i32, i32
  }
  func.func @transform_11(%arg0: i32) -> (i32, i32) {
    %c0_i32 = arith.constant 0 : i32
    %c0_i32_0 = arith.constant 0 : i32
    return %arg0, %c0_i32 : i32, i32
  }
}

</mosaic_0001>

<sc_bundles>
// kernel: kernel.5.cloned.1.call-start
scs
__scs_entry_jumppad:
0x0: {  	(pc) =	sbr.rel $0x88, $3  }
0x1: {  	(tag) =	ssettag $0x0;
	lr =	simm.s32 $0x1  }
0x2: {  	[smem:$0x3F96] =	sst lr;
	_ =	strace $0xD0000000  }
0x3: {  	_ = 	snop  }
0x4: {  	_ = 	snop  }
0x5: {  	_ = 	snop  }
0x6: {  	_ = 	snop  }
0x7: {  	_ = 	snop  }
__scs_overlays_trampoline_lowered:
0x8: {  	[smem:$0x3FA5] =	sst s0  }
0x9: {  	[smem:$0x3FA6] =	sst s1  }
0xa: {  	[smem:$0x3FA7] =	sst s2  }
0xb: {  	[smem:$0x3FA8] =	sst s3  }
0xc: {  	[smem:$0x3FA9] =	sst s4  }
0xd: {  	[smem:$0x3FAA] =	sst s5  }
0xe: {  	[smem:$0x3FAB] =	sst s6  }
0xf: {  	[smem:$0x3FAC] =	sst s7  }
0x10: {  	[smem:$0x3FAD] =	sst s8  }
0x11: {  	[smem:$0x3FAE] =	sst s9;
	s0 =	simm.s32 @!p0 $0x0  }
0x12: {  	s1 =	sld [smem:$0x3F94];
	s0 =	simm.s32 @p0 $0x1  }
0x13: {  	[smem:$0x3FAF] =	sst s0;
	s0 =	simm.s32 @!p1 $0x0  }
0x14: {  	s2 =	sld [smem:$0x3F93];
	s0 =	simm.s32 @p1 $0x1  }
0x15: {  	[smem:$0x3FB0] =	sst s0;
	s0 =	simm.s32 @!p2 $0x0  }
0x16: {  	s3 =	sld [smem:$0x3FDB];
	s0 =	simm.s32 @p2 $0x1  }
0x17: {  	s4 =	simm.s32 $0x1BF5;
	[smem:$0x3FB2] =	sst s0  }
0x18: {  	s0 =	sld [smem:$0x3F95];
	_ =	swait.ge [sflag:s4], $0x0  }
0x19: {  	s7 =	sld [smem:$0x3F96]  }
0x1a: {  	s8 =	sadd.s32 $0xFFFFE003, lr  }
0x1b: {  	s9 =	sadd.s32 $0xFFFFFEF7, lr;
	s5 =	simm.s32 $0xFFFFFFFF;
	p2 =	slt.u32 s8, $0xFFFFF086  }
0x1c: {  	p1 =	slt.u32 s9, $0xF7A;
	s5 =	simm.s32 @!p2 $0x0  }
0x1d: {  	s5 =	simm.s32 @p1 $0x1;
	p0 =	seq.s32 s7, s2  }
0x1e: {  	s7 =	smul.u32 @!p0 $0xF7A, s2;
	p2 =	seq.s32 @!p0 s5, $0x0  }
0x1f: {  	s9 =	smul.u32 $0xF7A, s1;
	s8 =	simm.s32 @!p0 $0x1BF5;
	p2 =	por !p2, p0  }
0x20: {  	[sflag:s8] =	ssyncset.s32 @!p0 $0xFFFFF086;
	s6 =	sadd.s32 @!p0 s3, s7;
	s7 =	simm.s32 @!p0 $0x108  }
0x21: {  	s3 =	sadd.s32 s3, s9;
	s6 =	sadd.s32 @!p0 $0x88, s6;
	s7 =	simm.s32 @p2 $0x1082  }
0x22: {  	[simem:s7], [sflag:s8] =	dma.local @!p0 [hbm:s6], $0xF7A  }
0x23: {  	s9 =	sor.u32 $0xD0000000, s2;
	s6 =	simm.s32 $0x108;
	_ =	swait.ge @!p0 [sflag:s8], $0x0  }
0x24: {  	s3 =	sadd.s32 $0x88, s3;
	s6 =	simm.s32 @!p1 $0x1082;
	[sflag:s4] =	ssyncset.s32 $0xFFFFF086  }
0x25: {  	[simem:s6], [sflag:s4] =	dma.local [hbm:s3], $0xF7A  }
0x26: {  	[smem:$0x3F96] =	sst s1;
	(tag) =	ssettag s2;
	_ =	strace s9  }
0x27: {  	s1 =	sld [smem:$0x3FA6]  }
0x28: {  	s2 =	sld [smem:$0x3FA7]  }
0x29: {  	s4 =	sld [smem:$0x3FA9]  }
0x2a: {  	p0 =	seq.s32 s5, $0x0;
	s5 =	sld [smem:$0x3FAA]  }
0x2b: {  	s6 =	sld [smem:$0x3FAB]  }
0x2c: {  	s7 =	sld [smem:$0x3FAC]  }
0x2d: {  	s3 =	simm.s32 $0x108;
	s8 =	sld [smem:$0x3FAD]  }
0x2e: {  	s3 =	simm.s32 @!p0 $0x1082;
	s9 =	sld [smem:$0x3FAE]  }
0x2f: {  	lr =	sadd.s32 s0, s3;
	s0 =	sld [smem:$0x3FA5]  }
0x30: {  	s3 =	sld [smem:$0x3FA8]  }
0x31: {  	[smem:$0x3FB1] =	sst s10  }
0x32: {  	s10 =	sld [smem:$0x3FAF];
	_ =	sdelay $0x3  }
0x33: {  	p0 =	seq.s32 s10, $0x1;
	s10 =	sld [smem:$0x3FB1];
	_ =	sdelay $0x3  }
0x34: {  	[smem:$0x3FB1] =	sst s10  }
0x35: {  	s10 =	sld [smem:$0x3FB0];
	_ =	sdelay $0x3  }
0x36: {  	p1 =	seq.s32 s10, $0x1;
	s10 =	sld [smem:$0x3FB1];
	_ =	sdelay $0x3  }
0x37: {  	[smem:$0x3FB1] =	sst s10  }
0x38: {  	s10 =	sld [smem:$0x3FB2]  }
0x39: {  	_ = 	snop;
	(pc) =	sbr.ind lr, $3  }
0x3a: {  	_ = 	snop  }
0x3b: {  	_ = 	snop  }
0x3c: {  	p2 =	seq.s32 s10, $0x1;
	s10 =	sld [smem:$0x3FB1]  }
0x3d: {  	_ =	shalt  }
0x3e: {  	_ =	shalt  }
0x3f: {  	_ =	shalt  }
0x40: {  	_ =	shalt  }
0x41: {  	_ =	shalt  }
0x42: {  	_ =	shalt  }
0x43: {  	_ =	shalt  }
0x44: {  	_ =	shalt  }
0x45: {  	_ =	shalt  }
0x46: {  	_ =	shalt  }
0x47: {  	_ =	shalt  }
0x48: {  	_ =	shalt  }
0x49: {  	_ =	shalt  }
0x4a: {  	_ =	shalt  }
0x4b: {  	_ =	shalt  }
0x4c: {  	_ =	shalt  }
0x4d: {  	_ =	shalt  }
0x4e: {  	_ =	shalt  }
0x4f: {  	_ =	shalt  }
0x50: {  	_ =	shalt  }
0x51: {  	_ =	shalt  }
0x52: {  	_ =	shalt  }
0x53: {  	_ =	shalt  }
0x54: {  	_ =	shalt  }
0x55: {  	_ =	shalt  }
0x56: {  	_ =	shalt  }
0x57: {  	_ =	shalt  }
0x58: {  	_ =	shalt  }
0x59: {  	_ =	shalt  }
0x5a: {  	_ =	shalt  }
0x5b: {  	_ =	shalt  }
0x5c: {  	_ =	shalt  }
0x5d: {  	_ =	shalt  }
0x5e: {  	_ =	shalt  }
0x5f: {  	_ =	shalt  }
0x60: {  	_ =	shalt  }
0x61: {  	_ =	shalt  }
0x62: {  	_ =	shalt  }
0x63: {  	_ =	shalt  }
0x64: {  	_ =	shalt  }
0x65: {  	_ =	shalt  }
0x66: {  	_ =	shalt  }
0x67: {  	_ =	shalt  }
0x68: {  	_ =	shalt  }
0x69: {  	_ =	shalt  }
0x6a: {  	_ =	shalt  }
0x6b: {  	_ =	shalt  }
0x6c: {  	_ =	shalt  }
0x6d: {  	_ =	shalt  }
0x6e: {  	_ =	shalt  }
0x6f: {  	_ =	shalt  }
0x70: {  	_ =	shalt  }
0x71: {  	_ =	shalt  }
0x72: {  	_ =	shalt  }
0x73: {  	_ =	shalt  }
0x74: {  	_ =	shalt  }
0x75: {  	_ =	shalt  }
0x76: {  	_ =	shalt  }
0x77: {  	_ =	shalt  }
0x78: {  	_ =	shalt  }
0x79: {  	_ =	shalt  }
0x7a: {  	_ =	shalt  }
0x7b: {  	_ =	shalt  }
0x7c: {  	_ =	shalt  }
0x7d: {  	_ =	shalt  }
0x7e: {  	_ =	shalt  }
0x7f: {  	_ =	shalt  }
0x80: {  	_ =	shalt  }
0x81: {  	_ =	shalt  }
0x82: {  	_ =	shalt  }
0x83: {  	_ =	shalt  }
0x84: {  	_ =	shalt  }
0x85: {  	_ =	shalt  }
0x86: {  	_ =	shalt  }
0x87: {  	_ =	shalt  }
.Lfunc_end0:
.L_simem_size_0:
called_computation_lowered:
.L_overlay_start_0:
0x88: {  	s2 =	sld [smem:$0x3FD9]  }
0x89: {  	s3 =	sld [smem:$0x3FFE];
	_ =	sdelay $0x1  }
0x8a: {  	s1 =	srdreg.scid  }
0x8b: {  	s0 =	sand.u32 $0x1, s1  }
0x8c: {  	s17 =	sshll.u32 s0, $0xA;
	s2 =	sadd.s32 s3, s2  }
0x8d: {  	s2 =	sadd.s32 s2, s17  }
0x8e: {  	[smem:$0x3FBD] =	sst s2  }
0x8f: {  	_ = 	snop  }
0x90: {  	s2 =	sld [smem:$0x3FC8]  }
0x91: {  	s18 =	sld [smem:$0x3FC7]  }
0x92: {  	s4 =	sld [smem:$0x3FD0];
	(tm) =	ssettm $0x1  }
0x93: {  	s5 =	sld [smem:$0x3FFB];
	_ =	sdelay $0x3  }
0x94: {  	_ =	strace s5  }
0x95: {  	s5 =	sld [smem:$0x3FFC];
	_ =	sdelay $0x3  }
0x96: {  	_ =	strace s5  }
0x97: {  	s5 =	sld [smem:$0x3FFD];
	_ =	sdelay $0x3  }
0x98: {  	_ =	strace s5  }
0x99: {  	_ =	strace $0x8FFFFFFF  }
0x9a: {  	s19 =	sld [smem:$0x3FDB];
	_ =	sdelay $0x1  }
0x9b: {  	s6 =	simm.s32 $_scs_section_size  }
0x9c: {  	s7 =	simm.s32 $_size__tile_overlayer_lowered;
	s8 =	simm.s32 $_tile_overlayer_lowered  }
0x9d: {  	s22 =	simm.s32 $0x1BFF;
	s21 =	sshll.u32 s8, $0x1;
	s5 =	sadd.s32 s6, s19  }
0x9e: {  	s9 =	simm.s32 $0x0;
	s20 =	sshll.u32 s7, $0x1;
	s7 =	sadd.s32 s21, s5  }
0x9f: {  	[timem:s9], [sflag:s22] =	dma.local [hbm:s7], s20  }
0xa0: {  	_ =	swait.ge [sflag:s22], s20  }
0xa1: {  	s6 =	ssub.s32 $0x0, s20;
	[sflag:s22] =	ssyncset.done $0x0  }
0xa2: {  	[sflag:s22] =	ssyncadd.s32 s6;
	_ =	sdelay $0x1  }
0xa3: {  	s23 =	simm.s32 $0x1B8B  }
0xa4: {  	_ =	swait.ge [sflag:s23], $0x1  }
0xa5: {  	[sflag:s23] =	ssyncset.done $0x0  }
0xa6: {  	s25 =	simm.s32 $0x1B8E;
	s24 =	sld [smem:$0x3FFE];
	[sflag:s23] =	ssyncadd.s32 $0xFFFFFFFF  }
0xa7: {  	s26 =	simm.s32 $execute0_lowered;
	[smem:$0x3FD2] =	sst s25  }
0xa8: {  	s7 =	sshll.u32 s26, $0x1;
	_ =	strace $0x80000046;
	[dreg:$0x1] =	wrdreg $0xFFFFFFFF  }
0xa9: {  	s28 =	simm.s32 $_size_execute0_lowered;
	s5 =	sadd.s32 s5, s7;
	[dreg:$0x0] =	wrdreg $0x0  }
0xaa: {  	s7 =	sshll.u32 s28, $0x1;
	[dreg:$0x2] =	wrdreg s5  }
0xab: {  	[dreg:$0x3] =	wrdreg s7  }
0xac: {  	[dreg:$0x4] =	wrdreg $0xC0  }
0xad: {  	_ =	task [dreg:s9], $0x5FFFF  }
0xae: {  	[dreg:$0x1] =	wrdreg $0xFFFFFFFF  }
0xaf: {  	[dreg:$0x0] =	wrdreg $0x60  }
0xb0: {  	[dreg:$0x2] =	wrdreg s24  }
0xb1: {  	[dreg:$0x3] =	wrdreg s2  }
0xb2: {  	[dreg:$0x4] =	wrdreg s18  }
0xb3: {  	[dreg:$0x5] =	wrdreg s4  }
0xb4: {  	[dreg:$0x6] =	wrdreg $0x90000  }
0xb5: {  	[dreg:$0x7] =	wrdreg $0x1D0000  }
0xb6: {  	[dreg:$0x8] =	wrdreg $0x9  }
0xb7: {  	_ =	task.clear_ibuf [dreg:s9], $0x9FFFF;
	_ =	strace $0x90000046  }
0xb8: {  	s29 =	simm.s32 $0x9;
	_ =	strace $0x80000048  }
0xb9: {  	_ =	swait.ge [sflag:s29], $0x1  }
0xba: {  	[sflag:s29] =	ssyncadd.s32 $0xFFFFFFFF  }
0xbb: {  	_ =	strace $0x90000048  }
0xbc: {  	_ =	sfence  }
0xbd: {  	s30 =	sld [smem:$0x0];
	_ =	sdelay $0x2  }
0xbe: {  	s31 =	sshll.u32 s1, $0xD;
	s1 =	sshrl.u32 s1, $0x2  }
0xbf: {  	s3 =	sand.u32 $0x4000, s31;
	s1 =	sadd.s32 s1, s30  }
0xc0: {  	s0 =	sor.u32 s3, s0;
	s1 =	sshll.u32 s1, $0x11  }
0xc1: {  	s0 =	sor.u32 s1, s0  }
0xc2: {  	s0 =	sadd.s32 $0x8F2B, s0  }
0xc3: {  	[sflag:s0] =	ssyncadd.remote.s32 $0x1  }
0xc4: {  	_ =	sfence.sel $0xFFFF  }
0xc5: {  	[dreg:$0x0] =	wrdreg $0xFFFFFFFF;
	(pc) =	sbr.abs _section_cstart, $3  }
0xc6: {  	[dreg:$0x1] =	wrdreg $0xFFFFFFFF  }
0xc7: {  	_ =	task.clear_ibuf [dreg:s9], $0x2FFFF;
	_ =	strace $0x9FFFFFFF  }
0xc8: {  	(tm) =	ssettm $0x7FFFFFFF  }
0xc9: {  	_ =	shalt  }
tec
execute0_lowered:
.L_overlay_start_1:
0x0: {  	(tag) =	ssettag $0x1  }
0x1: {  	s3 =	rddreg [dreg:$0x0]  }
0x2: {  	s0 =	rddreg [dreg:$0x1]  }
0x3: {  	s4 =	rddreg [dreg:$0x2]  }
0x4: {  	s6 =	rddreg [dreg:$0x3]  }
0x5: {  	s1 =	rddreg [dreg:$0x4]  }
0x6: {  	s2 =	rddreg [dreg:$0x5]  }
0x7: {  	s5 =	simm.s32 $0x0;
	s7 =	srdreg.scid;
	s19 =	stileid.u32  }
0x8: {  	[smem:$0x7FF] =	sst s5;
	s12 =	smul.u32 $0x14000, s19  }
0x9: {  	s5 =	sadd.s32 $0x2C00, s3;
	s3 =	sadd.s32 $0x7AC00, s3;
	s13 =	smul.u32 $0x1E00, s19  }
0xa: {  	s7 =	sand.u32 $0x1, s7;
	s24 =	smul.u32 $0xF00, s19;
	_ =	strace $0x80000047  }
0xb: {  	s8 =	ssub.s32 $0x2, s7;
	s9 =	sshll.u32 s7, $0x4;
	s11 =	smul.u32 $0x140000, s7  }
0xc: {  	s30 =	sshll.u32 s7, $0x8;
	s10 =	sshrl.u32 s8, $0x1;
	s9 =	sor.u32 s19, s9  }
0xd: {  	s15 =	sadd.s32 $0x4000, s12;
	s23 =	sadd.s32 $0x8000, s12;
	s8 =	ssub.s32 s8, s10  }
0xe: {  	s17 =	sshll.u32 s9, $0x5;
	p0 =	slt.u32 s9, $0x4;
	s18 =	sshll.u32 s9, $0x4  }
0xf: {  	s14 =	sadd.s32 s12, s11;
	s21 =	sadd.s32 s11, s15;
	s9 =	sor.u32 $0x20, s9  }
0x10: {  	s16 =	sadd.s32 s11, s23;
	s10 =	sadd.s32 s0, s17;
	s20 =	sshrl.u32 s14, $0x3  }
0x11: {  	s22 =	sshrl.u32 s21, $0x3;
	s17 =	sadd.s32 $0xC000, s12;
	s12 =	sadd.s32 $0x10000, s12  }
0x12: {  	s16 =	sshrl.u32 s16, $0x3;
	s28 =	sshll.u32 s9, $0x5;
	s9 =	sshll.u32 s9, $0x4  }
0x13: {  	s21 =	sadd.s32 s15, s1;
	s15 =	simm.s32 $0x100;
	[dreg:$0x7] =	wrdreg s10  }
0x14: {  	s10 =	sadd.s32 s4, s18;
	s18 =	sshll.u32 s7, $0x7;
	s25 =	sadd.s32 s11, s17  }
0x15: {  	s11 =	sadd.s32 s11, s12;
	s16 =	sadd.s32 s3, s16;
	s9 =	sadd.s32 s4, s9  }
0x16: {  	s4 =	sadd.s32 s30, s4;
	s7 =	sshll.u32 s7, $0x9;
	[dreg:$0x13] =	wrdreg s21  }
0x17: {  	[dreg:$0x8] =	wrdreg s10;
	s10 =	sadd.s32 s3, s20;
	s14 =	sor.u32 s18, s24  }
0x18: {  	s18 =	sshrl.u32 s25, $0x3;
	[dreg:$0xb] =	wrdreg s16;
	s11 =	sshrl.u32 s11, $0x3  }
0x19: {  	[dreg:$0xf] =	wrdreg s9;
	s24 =	sadd.s32 s12, s1;
	s25 =	smax.u32 s8, $0x1  }
0x1a: {  	s8 =	simm.s32 $0x8880;
	s12 =	simm.s32 $0x2;
	[dreg:$0x9] =	wrdreg s10  }
0x1b: {  	s10 =	sadd.s32 s3, s22;
	s26 =	sadd.s32 s3, s18;
	s3 =	sadd.s32 s3, s11  }
0x1c: {  	s29 =	sshrl.u32 s14, $0x3;
	s11 =	sshll.u32 s19, $0x4;
	[dreg:$0x16] =	wrdreg s24  }
0x1d: {  	s14 =	sshll.u32 s19, $0x5;
	s18 =	smul.u32 $0x50000, s19;
	[dreg:$0x17] =	wrdreg s25  }
0x1e: {  	s19 =	sshrl.u32 s13, $0x2;
	s22 =	sadd.s32 s23, s1;
	[dreg:$0xa] =	wrdreg s10  }
0x1f: {  	s23 =	sadd.s32 s17, s1;
	s17 =	simm.s32 $0x4880;
	[dreg:$0xc] =	wrdreg s26  }
0x20: {  	s13 =	simm.s32 $0x800;
	[dreg:$0xd] =	wrdreg s3;
	s6 =	sadd.s32 s6, s29  }
0x21: {  	s4 =	sadd.s32 s11, s4;
	s3 =	sadd.s32 s0, s28;
	[dreg:$0x14] =	wrdreg s22  }
0x22: {  	s16 =	sor.u32 s14, s7;
	s7 =	sadd.s32 s19, s2;
	[dreg:$0x15] =	wrdreg s23  }
0x23: {  	s14 =	simm.s32 $0x880;
	s10 =	simm.s32 $0x3;
	[dreg:$0xe] =	wrdreg s6  }
0x24: {  	s11 =	simm.s32 $0x1;
	[dreg:$0x10] =	wrdreg s3;
	s0 =	sadd.s32 s16, s0  }
0x25: {  	s16 =	simm.s32 $0x4F;
	s20 =	sshrl.u32 s18, $0x2;
	s24 =	sadd.s32 $0x400, s4  }
0x26: {  	s4 =	simm.s32 $0x4;
	[dreg:$0x11] =	wrdreg s7;
	s9 =	sadd.s32 s20, s1  }
.Ltmp0:
0x27: {  	s26 =	sadd.s32 $0x4000, s9;
	[dreg:$0x12] =	wrdreg s9;
	(pc) =	sbr.rel .LBB2_1-.Ltmp0, $4  }
0x28: {  	s6 =	simm.s32 $0x80;
	s28 =	sadd.s32 $0x8000, s9;
	[dreg:$0x18] =	wrdreg s26  }
0x29: {  	s3 =	simm.s32 $0x0;
	s29 =	sadd.s32 $0xC000, s9;
	[dreg:$0x19] =	wrdreg s28  }
0x2a: {  	s16 =	simm.s32 @!p0 $0x4E;
	s30 =	sadd.s32 $0x10000, s9;
	[dreg:$0x1a] =	wrdreg s29  }
0x2b: {  	v0 =	vimm.f32 $1.000000000e+00;
	v1 =	vimm.f32 $0.0e+00;
	s25 =	sadd.s32 $0x800, s0;
	s31 =	sshll.u32 s16, $0x9;
	[dreg:$0x1b] =	wrdreg s30  }
.LBB2_9:
0x2c: {  	_ =	swait.ge [sflag:s10], $0x4000  }
0x2d: {  	[sflag:s10] =	ssyncset.done $0x0  }
0x2e: {  	[sflag:s10] =	ssyncadd.s32 $0xFFFFC000  }
0x2f: {  	_ =	swait.ge [sflag:s10], $0x80  }
0x30: {  	[sflag:s10] =	ssyncset.done $0x0  }
0x31: {  	[sflag:s10] =	ssyncadd.s32 $0xFFFFFF80  }
0x32: {  	[bflag:$0x0] =	sbarrier.arrive $0xFFFF  }
0x33: {  	s14 =	simm.s32 $0x880;
	s9 =	rddreg [dreg:$0x12]  }
0x34: {  	[tilespmem:s14], [sflag:$0x4] =	stream.linear.gather [spmem:s9], $0x4000, $0x38;
	[tilespmem:$0x1D780] =	vst v63  }
0x35: {  	_ =	swait.ge [sflag:s4], $0x4000  }
0x36: {  	[sflag:s4] =	ssyncset.done $0x0  }
0x37: {  	s0 =	simm.s32 $0x0;
	s3 =	rddreg [dreg:$0x9];
	[sflag:s4] =	ssyncadd.s32 $0xFFFFC000  }
0x38: {  	[hbm4b:s3+s0] =	stream.linear.scatter [tilespmem:s14], [sflag:$0x3], $0x4000, $0x38;
	[tilespmem:$0x1D780] =	vst v63  }
0x39: {  	s17 =	simm.s32 $0x4880;
	s15 =	rddreg [dreg:$0x13]  }
0x3a: {  	[tilespmem:s17], [sflag:$0x4] =	stream.linear.gather [spmem:s15], $0x4000, $0x38;
	[tilespmem:$0x1D780] =	vst v63  }
0x3b: {  	_ =	swait.ge [sflag:s4], $0x4000  }
0x3c: {  	[sflag:s4] =	ssyncset.done $0x0  }
0x3d: {  	s18 =	rddreg [dreg:$0xa];
	[sflag:s4] =	ssyncadd.s32 $0xFFFFC000  }
0x3e: {  	[hbm4b:s18+s0] =	stream.linear.scatter [tilespmem:s17], [sflag:$0x3], $0x4000, $0x38;
	[tilespmem:$0x1D780] =	vst v63  }
0x3f: {  	_ =	swait.ge [sflag:s10], $0x4000  }
0x40: {  	[sflag:s10] =	ssyncset.done $0x0  }
0x41: {  	s19 =	rddreg [dreg:$0x14];
	[sflag:s10] =	ssyncadd.s32 $0xFFFFC000  }
0x42: {  	[tilespmem:s14], [sflag:$0x4] =	stream.linear.gather [spmem:s19], $0x4000, $0x38;
	[tilespmem:$0x1D780] =	vst v63  }
0x43: {  	_ =	swait.ge [sflag:s4], $0x4000  }
0x44: {  	[sflag:s4] =	ssyncset.done $0x0  }
0x45: {  	s20 =	rddreg [dreg:$0xb];
	[sflag:s4] =	ssyncadd.s32 $0xFFFFC000  }
0x46: {  	[hbm4b:s20+s0] =	stream.linear.scatter [tilespmem:s14], [sflag:$0x3], $0x4000, $0x38;
	[tilespmem:$0x1D780] =	vst v63  }
0x47: {  	_ =	swait.ge [sflag:s10], $0x4000  }
0x48: {  	[sflag:s10] =	ssyncset.done $0x0  }
0x49: {  	s21 =	rddreg [dreg:$0x15];
	[sflag:s10] =	ssyncadd.s32 $0xFFFFC000  }
0x4a: {  	[tilespmem:s17], [sflag:$0x4] =	stream.linear.gather [spmem:s21], $0x4000, $0x38;
	[tilespmem:$0x1D780] =	vst v63  }
0x4b: {  	_ =	swait.ge [sflag:s4], $0x4000  }
0x4c: {  	[sflag:s4] =	ssyncset.done $0x0  }
0x4d: {  	s22 =	rddreg [dreg:$0xc];
	[sflag:s4] =	ssyncadd.s32 $0xFFFFC000  }
0x4e: {  	[hbm4b:s22+s0] =	stream.linear.scatter [tilespmem:s17], [sflag:$0x3], $0x4000, $0x38;
	[tilespmem:$0x1D780] =	vst v63  }
0x4f: {  	_ =	swait.ge [sflag:s10], $0x4000  }
0x50: {  	[sflag:s10] =	ssyncset.done $0x0  }
0x51: {  	s23 =	rddreg [dreg:$0x16];
	[sflag:s10] =	ssyncadd.s32 $0xFFFFC000  }
0x52: {  	[tilespmem:s14], [sflag:$0x4] =	stream.linear.gather [spmem:s23], $0x4000, $0x38;
	[tilespmem:$0x1D780] =	vst v63  }
0x53: {  	_ =	swait.ge [sflag:s4], $0x4000  }
0x54: {  	[sflag:s4] =	ssyncset.done $0x0  }
0x55: {  	s26 =	rddreg [dreg:$0xd];
	[sflag:s4] =	ssyncadd.s32 $0xFFFFC000  }
0x56: {  	[hbm4b:s26+s0] =	stream.linear.scatter [tilespmem:s14], [sflag:$0x3], $0x4000, $0x38;
	[tilespmem:$0x1D780] =	vst v63  }
0x57: {  	s8 =	simm.s32 $0x8880;
	s7 =	rddreg [dreg:$0x11]  }
0x58: {  	[tilespmem:s8], [sflag:$0x4] =	stream.linear.gather [spmem:s7], $0x780, $0x38;
	[tilespmem:$0x1D780] =	vst v63  }
0x59: {  	_ =	swait.ge [sflag:s4], $0x780  }
0x5a: {  	[sflag:s4] =	ssyncset.done $0x0  }
0x5b: {  	s15 =	simm.s32 $0x100;
	s28 =	rddreg [dreg:$0xe];
	[sflag:s4] =	ssyncadd.s32 $0xFFFFF880  }
0x5c: {  	[hbm4b:s28+s6] =	stream.strided.scatter [tilespmem:s8], [sflag:$0x3], $0x780, s15, s6, $0x38;
	[tilespmem:$0x1D780] =	vst v63  }
0x5d: {  	_ =	swait.ge [sflag:s10], $0x4000  }
0x5e: {  	[sflag:s10] =	ssyncset.done $0x0  }
0x5f: {  	[sflag:s10] =	ssyncadd.s32 $0xFFFFC000  }
0x60: {  	_ =	swait.ge [sflag:s10], $0x4000  }
0x61: {  	[sflag:s10] =	ssyncset.done $0x0  }
0x62: {  	[sflag:s10] =	ssyncadd.s32 $0xFFFFC000  }
0x63: {  	_ =	swait.ge [sflag:s10], $0x780  }
0x64: {  	s29 =	rddreg [dreg:$0x1c]  }
0x65: {  	s30 =	rddreg [dreg:$0x17];
	s3 =	sadd.s32 $0x1, s29  }
0x66: {  	p0 =	sne.s32 s3, s30  }
.Ltmp1:
0x67: {  	_ = 	snop;
	(pc) =	sbr.rel @!p0 .LBB2_10-.Ltmp1, $3  }
0x68: {  	_ =	sdelay $0x1  }
0x69: {  	[sflag:s10] =	ssyncset.done $0x0  }
0x6a: {  	[sflag:s10] =	ssyncadd.s32 $0xFFFFF880  }
.LBB2_1:
0x6b: {  	[tilespmem:$0x800] =	vst v0  }
0x6c: {  	[tilespmem:$0x810] =	vst v0  }
0x6d: {  	[tilespmem:$0x820] =	vst v0  }
0x6e: {  	[tilespmem:$0x830] =	vst v0  }
0x6f: {  	[tilespmem:$0x840] =	vst v0  }
0x70: {  	[tilespmem:$0x850] =	vst v0  }
0x71: {  	[tilespmem:$0x860] =	vst v0  }
0x72: {  	[dreg:$0x1c] =	wrdreg s3;
	[tilespmem:$0x870] =	vst v0;
	s0 =	simm.s32 $0x40;
	s3 =	simm.s32 $0x0  }
.LBB2_2:
0x73: {  	p0 =	sne.s32 s0, $0x1DC0;
	[tilespmem:s3+$0x8880] =	vst v1;
	s3 =	smov.u32 s0;
	s0 =	sadd.s32 $0x40, s0  }
.Ltmp2:
0x74: {  	(pc) =	sbr.rel @p0 .LBB2_2-.Ltmp2, $2  }
0x75: {  	_ =	sdelay $0x2  }
0x76: {  	s3 =	sshra.s32 s3, $0x2  }
0x77: {  	[tilespmem:s3+$0x8880] =	vst v1  }
0x78: {  	[spmem:s7] =	stream.linear.scatter [tilespmem:s8], [sflag:$0x4], $0x780, $0x38;
	[tilespmem:$0x1D780] =	vst v63  }
0x79: {  	_ =	swait.ge [sflag:s4], $0x780  }
0x7a: {  	[sflag:s4] =	ssyncset.done $0x0  }
0x7b: {  	s0 =	simm.s32 $0x0;
	s21 =	rddreg [dreg:$0x7];
	[sflag:s4] =	ssyncadd.s32 $0xFFFFF880  }
0x7c: {  	[tilespmem:s0], [sflag:$0x4] =	stream.linear.gather [hbm4b:s21+s0], $0x100, $0x38;
	[tilespmem:$0x1D780] =	vst v63  }
0x7d: {  	_ =	swait.ge [sflag:s4], $0x100  }
0x7e: {  	[sflag:s4] =	ssyncset.done $0x0  }
0x7f: {  	s23 =	simm.s32 $0x300;
	s22 =	rddreg [dreg:$0x8];
	[sflag:s4] =	ssyncadd.s32 $0xFFFFFF00  }
0x80: {  	[tilespmem:s23], [sflag:$0x4] =	stream.linear.gather [hbm4b:s22+s0], $0x80, $0x38;
	[tilespmem:$0x1D780] =	vst v63  }
0x81: {  	_ =	swait.ge [sflag:s4], $0x80  }
0x82: {  	[sflag:s4] =	ssyncset.done $0x0  }
0x83: {  	[sflag:s4] =	ssyncadd.s32 $0xFFFFFF80  }
0x84: {  	v2 =	vld [tilespmem:$0x0]  }
0x85: {  	v3 =	vld [tilespmem:$0x80]  }
0x86: {  	v4 =	vld [tilespmem:$0x300]  }
0x87: {  	v5 =	vld [tilespmem:$0x10]  }
0x88: {  	v6 =	vld [tilespmem:$0x90]  }
0x89: {  	v7 =	vld [tilespmem:$0x310]  }
0x8a: {  	v8 =	vld [tilespmem:$0x20]  }
0x8b: {  	v9 =	vld [tilespmem:$0xA0]  }
0x8c: {  	v10 =	vld [tilespmem:$0x320]  }
0x8d: {  	v11 =	vld [tilespmem:$0x30]  }
0x8e: {  	v12 =	vld [tilespmem:$0xB0]  }
0x8f: {  	v13 =	vld [tilespmem:$0x330];
	v4 =	vmul.u32 $0x2800, v4  }
0x90: {  	v14 =	vld [tilespmem:$0x40]  }
0x91: {  	v15 =	vld [tilespmem:$0xC0];
	v7 =	vmul.u32 $0x2800, v7;
	v2 =	vadd.s32 v2, v4  }
0x92: {  	[tilespmem:$0x500] =	vst v2;
	v2 =	vadd.s32 v3, v4;
	v3 =	vld [tilespmem:$0x340]  }
0x93: {  	v54 =	vld [tilespmem:$0x50];
	v53 =	vmul.u32 $0x2800, v10;
	[tilespmem:$0x600] =	vst v2;
	v2 =	vadd.s32 v5, v7  }
0x94: {  	v55 =	vld [tilespmem:$0x350];
	[tilespmem:$0x510] =	vst v2;
	v2 =	vadd.s32 v6, v7  }
0x95: {  	v57 =	vld [tilespmem:$0xD0];
	v56 =	vmul.u32 $0x2800, v13;
	[tilespmem:$0x610] =	vst v2;
	v2 =	vadd.s32 v8, v53  }
0x96: {  	v58 =	vld [tilespmem:$0x360];
	[tilespmem:$0x520] =	vst v2;
	v2 =	vadd.s32 v9, v53  }
0x97: {  	v59 =	vld [tilespmem:$0x60];
	[tilespmem:$0x620] =	vst v2;
	v2 =	vadd.s32 v11, v56;
	v3 =	vmul.u32 $0x2800, v3  }
0x98: {  	v60 =	vld [tilespmem:$0x370];
	[tilespmem:$0x530] =	vst v2;
	v2 =	vadd.s32 v12, v56  }
0x99: {  	v61 =	vld [tilespmem:$0xE0];
	v6 =	vmul.u32 $0x2800, v55;
	[tilespmem:$0x630] =	vst v2;
	v2 =	vadd.s32 v14, v3  }
0x9a: {  	[tilespmem:$0x540] =	vst v2;
	v2 =	vadd.s32 v15, v3;
	v3 =	vld [tilespmem:$0x70]  }
0x9b: {  	v62 =	vld [tilespmem:$0xF0];
	v4 =	vmul.u32 $0x2800, v58;
	[tilespmem:$0x640] =	vst v2;
	v2 =	vadd.s32 v54, v6  }
0x9c: {  	[tilespmem:$0x550] =	vst v2;
	v2 =	vadd.s32 v57, v6  }
0x9d: {  	v63 =	vmul.u32 $0x2800, v60;
	[tilespmem:$0x650] =	vst v2;
	v2 =	vadd.s32 v59, v4  }
0x9e: {  	[tilespmem:$0x560] =	vst v2;
	v2 =	vadd.s32 v61, v4  }
0x9f: {  	[tilespmem:$0x660] =	vst v2;
	v2 =	vadd.s32 v3, v63  }
0xa0: {  	[tilespmem:$0x570] =	vst v2;
	v2 =	vadd.s32 v62, v63  }
0xa1: {  	s26 =	simm.s32 $0x500;
	[tilespmem:$0x670] =	vst v2  }
0xa2: {  	[tilespmem:s14], [sflag:$0x2] =	stream.indirect.gather [hbm4b:s5+s6], $0x80, s26, s6, $0xb8;
	[tilespmem:$0x1D780] =	vst v63  }
0xa3: {  	s28 =	rddreg [dreg:$0x10]  }
0xa4: {  	[tilespmem:s15], [sflag:$0x1] =	stream.linear.gather [hbm4b:s28+s0], $0x100, $0x38;
	[tilespmem:$0x1D780] =	vst v63  }
0xa5: {  	s30 =	simm.s32 $0x380;
	s29 =	rddreg [dreg:$0xf]  }
0xa6: {  	[tilespmem:s30], [sflag:$0x1] =	stream.linear.gather [hbm4b:s29+s0], $0x80, $0x38;
	[tilespmem:$0x1D780] =	vst v63  }
0xa7: {  	s3 =	simm.s32 $0x200;
	s0 =	simm.s32 $0x0  }
.LBB2_4:
0xa8: {  	p0 =	sne.s32 s3, $0xFE00;
	[tilespmem:s0+$0x48F0] =	vst v1  }
0xa9: {  	[tilespmem:s0+$0x4880] =	vst v1  }
0xaa: {  	[tilespmem:s0+$0x4890] =	vst v1  }
.Ltmp3:
0xab: {  	[tilespmem:s0+$0x48A0] =	vst v1;
	(pc) =	sbr.rel @p0 .LBB2_4-.Ltmp3, $4  }
0xac: {  	[tilespmem:s0+$0x48B0] =	vst v1  }
0xad: {  	[tilespmem:s0+$0x48C0] =	vst v1  }
0xae: {  	[tilespmem:s0+$0x48D0] =	vst v1  }
0xaf: {  	[tilespmem:s0+$0x48E0] =	vst v1;
	s0 =	sshra.s32 s3, $0x2;
	s3 =	sadd.s32 $0x200, s3  }
0xb0: {  	[tilespmem:s0+$0x48F0] =	vst v1  }
0xb1: {  	[tilespmem:s0+$0x4880] =	vst v1  }
0xb2: {  	[tilespmem:s0+$0x4890] =	vst v1  }
0xb3: {  	[tilespmem:s0+$0x48A0] =	vst v1  }
0xb4: {  	[tilespmem:s0+$0x48B0] =	vst v1  }
0xb5: {  	[tilespmem:s0+$0x48C0] =	vst v1  }
0xb6: {  	[tilespmem:s0+$0x48D0] =	vst v1  }
0xb7: {  	[tilespmem:s0+$0x48E0] =	vst v1  }
0xb8: {  	[spmem:s9] =	stream.linear.scatter [tilespmem:s17], [sflag:$0x3], $0x4000, $0x38;
	[tilespmem:$0x1D780] =	vst v63  }
0xb9: {  	s26 =	rddreg [dreg:$0x18]  }
0xba: {  	[spmem:s26] =	stream.linear.scatter [tilespmem:s17], [sflag:$0x3], $0x4000, $0x38;
	[tilespmem:$0x1D780] =	vst v63  }
0xbb: {  	s28 =	rddreg [dreg:$0x19]  }
0xbc: {  	[spmem:s28] =	stream.linear.scatter [tilespmem:s17], [sflag:$0x3], $0x4000, $0x38;
	[tilespmem:$0x1D780] =	vst v63  }
0xbd: {  	s29 =	rddreg [dreg:$0x1a]  }
0xbe: {  	[spmem:s29] =	stream.linear.scatter [tilespmem:s17], [sflag:$0x3], $0x4000, $0x38;
	[tilespmem:$0x1D780] =	vst v63  }
0xbf: {  	s30 =	rddreg [dreg:$0x1b]  }
0xc0: {  	[spmem:s30] =	stream.linear.scatter [tilespmem:s17], [sflag:$0x3], $0x4000, $0x38;
	[tilespmem:$0x1D780] =	vst v63  }
0xc1: {  	_ =	swait.ge [sflag:s10], $0x4000  }
0xc2: {  	[sflag:s10] =	ssyncset.done $0x0  }
0xc3: {  	[sflag:s10] =	ssyncadd.s32 $0xFFFFC000  }
0xc4: {  	_ =	swait.ge [sflag:s10], $0x4000  }
0xc5: {  	[sflag:s10] =	ssyncset.done $0x0  }
0xc6: {  	[sflag:s10] =	ssyncadd.s32 $0xFFFFC000  }
0xc7: {  	_ =	swait.ge [sflag:s10], $0x4000  }
0xc8: {  	[sflag:s10] =	ssyncset.done $0x0  }
0xc9: {  	[sflag:s10] =	ssyncadd.s32 $0xFFFFC000  }
0xca: {  	_ =	swait.ge [sflag:s10], $0x4000  }
0xcb: {  	[sflag:s10] =	ssyncset.done $0x0  }
0xcc: {  	[sflag:s10] =	ssyncadd.s32 $0xFFFFC000  }
.Ltmp4:
0xcd: {  	_ =	swait.ge [sflag:s10], $0x4000;
	(pc) =	sbr.rel .LBB2_6-.Ltmp4, $4  }
0xce: {  	[sflag:s10] =	ssyncset.done $0x0  }
0xcf: {  	[sflag:s10] =	ssyncadd.s32 $0xFFFFC000  }
0xd0: {  	s15 =	simm.s32 $0x0;
	s19 =	simm.s32 $0x2;
	[bflag:$0x0] =	sbarrier.arrive $0xFFFF  }
0xd1: {  	s20 =	simm.s32 $0x1;
	s21 =	simm.s32 $0x0;
	s22 =	simm.s32 $0x0  }
.LBB2_8:
0xd2: {  	s0 =	smulhi.u32 $0xAAAAAAAB, s22  }
0xd3: {  	_ =	swait.ge [sflag:s12], $0x4000  }
0xd4: {  	s7 =	sshll.u32 s23, $0xE;
	s30 =	sshra.s32 s21, $0x2;
	s0 =	sshrl.u32 s0, $0x1  }
0xd5: {  	s21 =	sadd.s32 $0x200, s21;
	s19 =	sadd.s32 $0x1, s19;
	s3 =	smul.u32 $0xC00, s0  }
0xd6: {  	s20 =	sadd.s32 $0x1, s20;
	[sflag:s12] =	ssyncset.done $0x0;
	s0 =	smul.u32 $0xFFFFFA00, s0  }
0xd7: {  	s7 =	sor.u32 $0x880, s7;
	p0 =	sne.s32 s31, s21;
	s3 =	ssub.s32 $0x200, s3  }
.Ltmp5:
0xd8: {  	s0 =	sshra.s32 s0, $0x2;
	s3 =	sadd.s32 s3, s15;
	(pc) =	sbr.rel @!p0 .LBB2_9-.Ltmp5, $4  }
0xd9: {  	[sflag:s12] =	ssyncadd.s32 $0xFFFFC000;
	s0 =	sadd.s32 $0x600, s0;
	s3 =	sshra.s32 s3, $0x2  }
0xda: {  	[spmem:s1] =	stream.indirect.scatter.add.f32 [tilespmem:s7], [sflag:$0x3], $0x80, s3, s6, $0xb8;
	[tilespmem:$0x1D780] =	vst v63  }
0xdb: {  	s22 =	sadd.s32 $0x1, s22;
	s15 =	sadd.s32 $0x400, s15;
	s0 =	sadd.s32 s30, s0  }
0xdc: {  	[spmem:s2] =	stream.indirect.scatter.add.f32 [tilespmem:s13], [sflag:$0x3], $0x1, s0, s6, $0xb8;
	[tilespmem:$0x1D780] =	vst v63  }
.LBB2_6:
0xdd: {  	p0 =	seq.s32 s21, $0x0  }
0xde: {  	s0 =	smulhi.u32 $0xAAAAAAAB, s19;
	s3 =	simm.s32 @!p0 $0x3  }
0xdf: {  	_ =	swait.ge @!p0 [sflag:s3], $0x4000  }
0xe0: {  	p1 =	sge.u32 s19, s16;
	s0 =	sshrl.u32 s0, $0x1;
	[sflag:s3] =	ssyncset.done @!p0 $0x0  }
0xe1: {  	s29 =	sadd.s32 $0xFFFFFFFF, s19;
	s7 =	smul.u32 $0xC00, s0;
	[sflag:s3] =	ssyncadd.s32 @!p0 $0xFFFFC000  }
0xe2: {  	s30 =	sadd.s32 $0xFFFFFFFE, s19;
	s0 =	smul.u32 $0x600, s0;
	_ =	swait.ge @!p0 [sflag:s3], $0x80  }
0xe3: {  	s8 =	simm.s32 @!p1 $0x0;
	s7 =	ssub.s32 $0x800, s7;
	[sflag:s3] =	ssyncset.done @!p0 $0x0  }
0xe4: {  	s0 =	ssub.s32 $0x400, s0;
	[sflag:s3] =	ssyncadd.s32 @!p0 $0xFFFFFF80;
	p0 =	sge.u32 s29, s16  }
.Ltmp6:
0xe5: {  	s0 =	sadd.s32 @!p1 s0, s21;
	s3 =	sadd.s32 @!p1 s7, s15;
	(pc) =	sbr.rel @p0 .LBB2_8-.Ltmp6, $4  }
0xe6: {  	s7 =	sadd.s32 @!p1 s15, s25;
	s0 =	sshra.s32 @!p1 s0, $0x2;
	s3 =	sshra.s32 @!p1 s3, $0x2  }
0xe7: {  	[tilespmem:s3], [sflag:$0x1] =	stream.linear.gather @!p1 [hbm4b:s7+s8], $0x100, $0x38;
	[tilespmem:$0x1D780] =	vst v63  }
0xe8: {  	s23 =	sand.u32 $0x1, s30;
	s0 =	sadd.s32 @!p1 $0x300, s0;
	s7 =	sadd.s32 @!p1 s21, s24  }
0xe9: {  	[tilespmem:s0], [sflag:$0x1] =	stream.linear.gather @!p1 [hbm4b:s7+s8], $0x80, $0x38;
	[tilespmem:$0x1D780] =	vst v63  }
0xea: {  	s0 =	smulhi.u32 $0xAAAAAAAB, s20;
	_ =	sdelay $0x1  }
0xeb: {  	_ =	swait.ge [sflag:s11], $0x100;
	s26 =	sshrl.u32 s0, $0x1  }
0xec: {  	[sflag:s11] =	ssyncset.done $0x0;
	s18 =	smul.u32 $0x600, s26  }
0xed: {  	s30 =	sshra.s32 s21, $0x2;
	[sflag:s11] =	ssyncadd.s32 $0xFFFFFF00  }
0xee: {  	s28 =	smul.u32 $0xC00, s26;
	_ =	swait.ge [sflag:s11], $0x80;
	s9 =	ssub.s32 $0x200, s18  }
0xef: {  	s3 =	sadd.s32 $0x300, s30;
	[sflag:s11] =	ssyncset.done $0x0;
	s0 =	sshra.s32 s9, $0x2  }
0xf0: {  	s7 =	ssub.s32 $0x400, s28;
	[sflag:s11] =	ssyncadd.s32 $0xFFFFFF80;
	s0 =	sadd.s32 s0, s3  }
0xf1: {  	s29 =	sshra.s32 s15, $0x2;
	s8 =	ssub.s32 $0x600, s28;
	s7 =	sshra.s32 s7, $0x2;
	v2 =	vld [tilespmem:s0+$0x0]  }
0xf2: {  	s17 =	sshra.s32 s8, $0x2;
	s14 =	sadd.s32 s7, s29  }
0xf3: {  	s8 =	sadd.s32 s17, s29;
	v3 =	vld [tilespmem:s14+$0x0]  }
0xf4: {  	v4 =	vld [tilespmem:s8+$0x0]  }
0xf5: {  	s9 =	smul.u32 $0xFFFFFA00, s26  }
0xf6: {  	v2 =	vmul.u32 $0x2800, v2  }
0xf7: {  	s7 =	sshra.s32 s9, $0x2;
	s8 =	sxor.u32 $0x1, s23  }
0xf8: {  	s9 =	ssub.s32 $0x240, s18;
	s17 =	sadd.s32 $0x600, s7;
	s0 =	sshll.u32 s8, $0x7;
	v3 =	vadd.s32 v3, v2  }
0xf9: {  	s9 =	sshra.s32 s9, $0x2;
	s17 =	sadd.s32 s30, s17;
	v2 =	vadd.s32 v4, v2;
	[tilespmem:s0+$0x500] =	vst v3  }
0xfa: {  	s14 =	ssub.s32 $0x440, s28;
	s9 =	sadd.s32 s9, s3;
	[tilespmem:s17+$0x80] =	vst v2  }
0xfb: {  	s14 =	sshra.s32 s14, $0x2;
	v2 =	vld [tilespmem:s9+$0x0];
	s9 =	ssub.s32 $0x640, s28  }
0xfc: {  	s14 =	sadd.s32 s14, s29;
	s9 =	sshra.s32 s9, $0x2  }
0xfd: {  	v3 =	vld [tilespmem:s14+$0x0];
	s9 =	sadd.s32 s9, s29  }
0xfe: {  	v57 =	vld [tilespmem:s9+$0x0];
	_ =	sdelay $0x1  }
0xff: {  	v2 =	vmul.u32 $0x2800, v2;
	_ =	sdelay $0x1  }
0x100: {  	s14 =	ssub.s32 $0x280, s18;
	v3 =	vadd.s32 v3, v2  }
0x101: {  	s9 =	sshra.s32 s14, $0x2;
	[tilespmem:s0+$0x510] =	vst v3;
	v2 =	vadd.s32 v57, v2  }
0x102: {  	s14 =	ssub.s32 $0x480, s28;
	s9 =	sadd.s32 s9, s3;
	[tilespmem:s17+$0x90] =	vst v2  }
0x103: {  	s14 =	sshra.s32 s14, $0x2;
	v2 =	vld [tilespmem:s9+$0x0];
	s9 =	ssub.s32 $0x680, s28  }
0x104: {  	s14 =	sadd.s32 s14, s29;
	s9 =	sshra.s32 s9, $0x2  }
0x105: {  	v3 =	vld [tilespmem:s14+$0x0];
	s9 =	sadd.s32 s9, s29  }
0x106: {  	v58 =	vld [tilespmem:s9+$0x0];
	_ =	sdelay $0x1  }
0x107: {  	v2 =	vmul.u32 $0x2800, v2;
	_ =	sdelay $0x1  }
0x108: {  	s14 =	ssub.s32 $0x2C0, s18;
	v3 =	vadd.s32 v3, v2  }
0x109: {  	s9 =	sshra.s32 s14, $0x2;
	[tilespmem:s0+$0x520] =	vst v3;
	v2 =	vadd.s32 v58, v2  }
0x10a: {  	s14 =	ssub.s32 $0x4C0, s28;
	s9 =	sadd.s32 s9, s3;
	[tilespmem:s17+$0xA0] =	vst v2  }
0x10b: {  	s14 =	sshra.s32 s14, $0x2;
	v2 =	vld [tilespmem:s9+$0x0];
	s9 =	ssub.s32 $0x6C0, s28  }
0x10c: {  	s14 =	sadd.s32 s14, s29;
	s9 =	sshra.s32 s9, $0x2  }
0x10d: {  	v3 =	vld [tilespmem:s14+$0x0];
	s9 =	sadd.s32 s9, s29  }
0x10e: {  	v59 =	vld [tilespmem:s9+$0x0];
	_ =	sdelay $0x1  }
0x10f: {  	v2 =	vmul.u32 $0x2800, v2;
	_ =	sdelay $0x1  }
0x110: {  	s14 =	ssub.s32 $0x300, s18;
	v3 =	vadd.s32 v3, v2  }
0x111: {  	s9 =	sshra.s32 s14, $0x2;
	[tilespmem:s0+$0x530] =	vst v3;
	v2 =	vadd.s32 v59, v2  }
0x112: {  	s14 =	ssub.s32 $0x500, s28;
	s9 =	sadd.s32 s9, s3;
	[tilespmem:s17+$0xB0] =	vst v2  }
0x113: {  	s14 =	sshra.s32 s14, $0x2;
	v2 =	vld [tilespmem:s9+$0x0];
	s9 =	ssub.s32 $0x700, s28  }
0x114: {  	s14 =	sadd.s32 s14, s29;
	s9 =	sshra.s32 s9, $0x2  }
0x115: {  	v3 =	vld [tilespmem:s14+$0x0];
	s9 =	sadd.s32 s9, s29  }
0x116: {  	v60 =	vld [tilespmem:s9+$0x0];
	_ =	sdelay $0x1  }
0x117: {  	v2 =	vmul.u32 $0x2800, v2;
	_ =	sdelay $0x1  }
0x118: {  	s14 =	ssub.s32 $0x340, s18;
	v3 =	vadd.s32 v3, v2  }
0x119: {  	s9 =	sshra.s32 s14, $0x2;
	[tilespmem:s0+$0x540] =	vst v3;
	v2 =	vadd.s32 v60, v2  }
0x11a: {  	s14 =	ssub.s32 $0x540, s28;
	s9 =	sadd.s32 s9, s3;
	[tilespmem:s17+$0xC0] =	vst v2  }
0x11b: {  	s14 =	sshra.s32 s14, $0x2;
	v2 =	vld [tilespmem:s9+$0x0];
	s9 =	ssub.s32 $0x740, s28  }
0x11c: {  	s14 =	sadd.s32 s14, s29;
	s9 =	sshra.s32 s9, $0x2  }
0x11d: {  	v3 =	vld [tilespmem:s14+$0x0];
	s9 =	sadd.s32 s9, s29  }
0x11e: {  	v61 =	vld [tilespmem:s9+$0x0];
	_ =	sdelay $0x1  }
0x11f: {  	v2 =	vmul.u32 $0x2800, v2;
	_ =	sdelay $0x1  }
0x120: {  	s18 =	ssub.s32 $0x380, s18;
	v3 =	vadd.s32 v3, v2  }
0x121: {  	s9 =	sshra.s32 s18, $0x2;
	[tilespmem:s0+$0x550] =	vst v3;
	v2 =	vadd.s32 v61, v2  }
0x122: {  	s14 =	ssub.s32 $0x580, s28;
	s3 =	sadd.s32 s9, s3;
	[tilespmem:s17+$0xD0] =	vst v2  }
0x123: {  	s18 =	ssub.s32 $0x780, s28;
	s9 =	sshra.s32 s14, $0x2;
	v2 =	vld [tilespmem:s3+$0x0]  }
0x124: {  	s9 =	sadd.s32 s9, s29;
	s3 =	sshra.s32 s18, $0x2  }
0x125: {  	v3 =	vld [tilespmem:s9+$0x0];
	s3 =	sadd.s32 s3, s29  }
0x126: {  	v62 =	vld [tilespmem:s3+$0x0];
	_ =	sdelay $0x1  }
0x127: {  	v2 =	vmul.u32 $0x2800, v2;
	_ =	sdelay $0x1  }
0x128: {  	v3 =	vadd.s32 v3, v2  }
0x129: {  	s9 =	sadd.s32 $0x300, s7;
	v2 =	vadd.s32 v62, v2;
	[tilespmem:s0+$0x560] =	vst v3  }
0x12a: {  	s14 =	ssub.s32 $0x5C0, s28;
	s18 =	smul.u32 $0xFFFFF400, s26;
	s3 =	sadd.s32 s30, s9;
	[tilespmem:s17+$0xE0] =	vst v2  }
0x12b: {  	s26 =	sshra.s32 s14, $0x2;
	v2 =	vld [tilespmem:s3+$0xF0]  }
0x12c: {  	s28 =	sshra.s32 s18, $0x2;
	s3 =	sadd.s32 s26, s29  }
0x12d: {  	s29 =	sadd.s32 s29, s28;
	v3 =	vld [tilespmem:s3+$0x0]  }
0x12e: {  	v63 =	vld [tilespmem:s29+$0x1F0];
	_ =	sdelay $0x1  }
0x12f: {  	v2 =	vmul.u32 $0x2800, v2  }
.Ltmp7:
0x130: {  	_ = 	snop;
	(pc) =	sbr.rel .LBB2_8-.Ltmp7, $4  }
0x131: {  	v3 =	vadd.s32 v3, v2  }
0x132: {  	s30 =	sshll.u32 s8, $0xE;
	v2 =	vadd.s32 v63, v2;
	[tilespmem:s0+$0x570] =	vst v3  }
0x133: {  	s3 =	sor.u32 $0x880, s30;
	s0 =	sor.u32 $0x500, s0;
	[tilespmem:s17+$0xF0] =	vst v2  }
0x134: {  	[tilespmem:s3], [sflag:$0x2] =	stream.indirect.gather [hbm4b:s5+s6], $0x80, s0, s6, $0xb8;
	[tilespmem:$0x1D780] =	vst v63  }
.LBB2_10:
0x135: {  	_ =	sfence.sel $0x180000  }
0x136: {  	[bflag:$0x0] =	sbarrier.arrive $0xFFFF  }
0x137: {  	_ =	strace $0x90000047  }
0x138: {  	s0 =	stileid.u32;
	[bflag:$0x2] =	sbarrier.arrive $0xFFFF  }
0x139: {  	p0 =	sne.s32 s0, $0x0;
	s0 =	rddreg [dreg:$0x6]  }
0x13a: {  	s0 =	sadd.s32 @!p0 $0x100000, s0  }
0x13b: {  	[sflag:s0] =	ssyncadd.tile.s32 @!p0 $0x1;
	_ =	shalt  }
.Lfunc_end2:
_tile_overlayer_lowered:
.L_overlay_start_2:
0x13c: {  	(tag) =	ssettag $0x2  }
0x13d: {  	s0 =	rddreg [dreg:$0x0];
	s2 =	stileid.u32  }
0x13e: {  	s1 =	rddreg [dreg:$0x1];
	p0 =	sne.s32 s2, $0x0  }
0x13f: {  	s3 =	rddreg [dreg:$0x2];
	[bflag:$0x3] =	sbarrier.arrive $0xFFFF;
	s2 =	simm.s32 @!p0 $0x1C04  }
0x140: {  	[timem:s3], [sflag:s2] =	dma.local @!p0 [hbm:s0], s1  }
0x141: {  	s0 =	simm.s32 @!p0 $0x4  }
0x142: {  	_ =	swait.ge @!p0 [sflag:s0], s1  }
0x143: {  	s1 =	ssub.s32 @!p0 $0x0, s1;
	[sflag:s0] =	ssyncset.done @!p0 $0x0  }
0x144: {  	[sflag:s0] =	ssyncadd.s32 @!p0 s1  }
0x145: {  	[bflag:$0x3] =	sbarrier.arrive $0xFFFF  }
0x146: {  	_ =	shalt  }

</sc_bundles>
